<compile_context>
chip_gen: v7x
topology: tpu7x:2x2x1
jax: 0.10.2.dev20260603
libtpu: 0.0.44.dev20260713+nightly
codegen_flags: <defaults>
</compile_context>

<pallas_src>
import functools

import jax
import jax.numpy as jnp
from jax import lax
from jax.experimental import pallas as pl
from jax.experimental.pallas import tpu as pltpu
from jax.experimental.pallas import tpu_sc as plsc

_LANES = 16
_BLKW = 128


def _make_lookup(B, V, D):
    info = plsc.get_sparse_core_info()
    NC, NS = info.num_cores, info.num_subcores
    NW = NC * NS
    b_per_w = B // NW
    b_per_c = NS * b_per_w
    n_tc = b_per_c // _BLKW
    w_per_tc = _BLKW // b_per_w
    assert B % NW == 0 and b_per_w % _LANES == 0 and D == _LANES
    assert b_per_c % _BLKW == 0 and n_tc <= NS

    mesh = plsc.VectorSubcoreMesh(core_axis_name="c", subcore_axis_name="s")

    @functools.partial(
        pl.kernel,
        mesh=mesh,
        out_type=jax.ShapeDtypeStruct((D, B), jnp.float32),
        scratch_types=[
            pltpu.VMEM((b_per_w,), jnp.int32),
            pltpu.VMEM((b_per_w, D, _BLKW), jnp.float32),
            pltpu.VMEM((b_per_w * D,), jnp.float32),
            pltpu.VMEM_SHARED((b_per_c * D,), jnp.float32),
            pltpu.VMEM((w_per_tc * b_per_w * D,), jnp.float32),
            pltpu.VMEM((D, _BLKW), jnp.float32),
            pltpu.SemaphoreType.DMA,
        ],
        compiler_params=pltpu.CompilerParams(
            needs_layout_passes=False,
            disable_bounds_checks=True,
        ),
    )
    def lookup(values_hbm, tab_t_hbm, out_hbm, idx_v, blks_v, out_v, stage_s,
               in_v, tile_v, sem):
        cid = lax.axis_index("c")
        sid = lax.axis_index("s")
        base = (cid * NS + sid) * b_per_w
        pltpu.sync_copy(values_hbm.at[pl.ds(base, b_per_w)], idx_v)

        lane = lax.iota(jnp.int32, _LANES)

        halves = [idx_v[pl.ds(h * _LANES, _LANES)] for h in range(b_per_w // _LANES)]
        starts = []
        vals = []
        for j in range(b_per_w):
            vj = halves[j // _LANES][j % _LANES]
            start = pl.multiple_of(
                lax.shift_left(lax.shift_right_logical(vj, 7), 7), 128
            )
            vals.append(vj)
            starts.append(start)

        copies = []
        for j in range(b_per_w):
            c = pltpu.async_copy(
                tab_t_hbm.at[:, pl.ds(starts[j], _BLKW)], blks_v.at[j], sem
            )
            copies.append(c)
        for c in copies:
            c.wait()

        for j in range(b_per_w):
            m = jnp.full((_LANES,), vals[j] - starts[j], jnp.int32)
            col = plsc.load_gather(blks_v, [jnp.full((_LANES,), j, jnp.int32), lane, m])
            plsc.store_scatter(out_v, [lane * b_per_w + j], col)

        pltpu.sync_copy(out_v, stage_s.at[pl.ds(sid * b_per_w * D, b_per_w * D)])
        plsc.subcore_barrier()

        @pl.when(sid < n_tc)
        def _write_tiles():
            pltpu.sync_copy(
                stage_s.at[pl.ds(sid * (w_per_tc * b_per_w * D), w_per_tc * b_per_w * D)],
                in_v,
            )
            for w in range(w_per_tc):
                for d in range(D):
                    for c8 in range(b_per_w // _LANES):
                        seg = in_v[
                            pl.ds(w * b_per_w * D + d * b_per_w + c8 * _LANES, _LANES)
                        ]
                        tile_v[d, pl.ds(w * b_per_w + c8 * _LANES, _LANES)] = seg
            col0 = pl.multiple_of((cid * n_tc + sid) * _BLKW, 128)
            pltpu.sync_copy(tile_v, out_hbm.at[:, pl.ds(col0, _BLKW)])

    return lookup


def kernel(values, table):
    B = values.shape[0]
    V, D = table.shape
    lookup = _make_lookup(B, V, D)
    out_t = lookup(values.astype(jnp.int32), table.T)
    return out_t.T

# --- scband reference (transcript-rebuilt; emitter-appended) ---
"""Pipeline reference for scband-integer-model-65326452572868 (READ-ONLY COPY).

The authoritative reference and input builder live on the scoring server;
editing this copy changes nothing except your own understanding.
"""

import jax, jax.numpy as jnp
import numpy as np

VOCAB = 1000000
EMBED_DIM = 16
BATCH = 1024

def setup_inputs(seed: int = 0) -> dict:
    key = jax.random.key(seed)
    k_idx, k_tab = jax.random.split(key)
    values = jax.random.randint(k_idx, (BATCH,), 0, VOCAB, dtype=jnp.int64 if jax.config.jax_enable_x64 else jnp.int32)
    # Embedding table initialized like torch.nn.Embedding (normal(0, 1))
    table = jax.random.normal(k_tab, (VOCAB, EMBED_DIM), dtype=jnp.float32)
    return {"values": values, "table": table}

def reference(values, table):
    # IntegerModel.forward: embeds each integer value and concatenates along dim 0,
    # which is equivalent to a batched embedding lookup: out[i] = table[values[i]].
    out = jnp.take(table, values, axis=0)
    return out

if __name__ == "__main__":
    import jax
    _d = setup_inputs()
    print(jax.jit(kernel)(*tuple(_d.values())))

</pallas_src>

<mosaic_0001>
#map = affine_map<(d0, d1) -> (0)>
#map1 = affine_map<(d0, d1) -> (0, 0)>
module attributes {stable_mosaic.version = 14 : i64} {
  func.func @lookup(%arg0: i32, %arg1: i32, %arg2: memref<1024xi32, #tpu.memory_space<hbm>>, %arg3: memref<16x1000000xf32, #tpu.memory_space<hbm>>, %arg4: memref<16x1024xf32, #tpu.memory_space<hbm>>, %arg5: memref<32xi32, #tpu.memory_space<vmem>>, %arg6: memref<32x16x128xf32, #tpu.memory_space<vmem>>, %arg7: memref<512xf32, #tpu.memory_space<vmem>>, %arg8: memref<8192xf32, #tpu.memory_space<vmem_shared>>, %arg9: memref<2048xf32, #tpu.memory_space<vmem>>, %arg10: memref<16x128xf32, #tpu.memory_space<vmem>>, %arg11: memref<!tpu.dma_semaphore, #tpu.memory_space<semaphore_mem>>) attributes {dimension_semantics = [#tpu.dimension_semantics<core_parallel>, #tpu.dimension_semantics<subcore_parallel>], iteration_bounds = array<i64: 2, 16>, scalar_prefetch = 0 : i64, scratch_operands = 7 : i64, tpu.core_type = #tpu.core_type<sc_vector_subcore>, window_params = [{transform_indices = #map}, {transform_indices = #map1}, {transform_indices = #map1}]} {
    %mul3A = arith.constant 16 : i32
    %mul3A_0 = arith.muli %arg0, %mul3A : i32
    %add3A = arith.addi %mul3A_0, %arg1 : i32
    %mul3A_1 = arith.constant 32 : i32
    %mul3A_2 = arith.muli %add3A, %mul3A_1 : i32
    "tpu.region"() ({
      %run_scoped3A = tpu.sem_alloc : memref<!tpu.dma_semaphore, #tpu.memory_space<semaphore_mem>>
      %dma_start3A_1410 = tpu.memref_slice %arg2[%mul3A_2] : memref<1024xi32, #tpu.memory_space<hbm>> -> memref<32xi32, #tpu.memory_space<hbm>>
      %dma_start3A_1411 = tpu.memref_slice %arg2[%mul3A_2] : memref<1024xi32, #tpu.memory_space<hbm>> -> memref<32xi32, #tpu.memory_space<hbm>>
      tpu.enqueue_dma source(%dma_start3A_1411 : memref<32xi32, #tpu.memory_space<hbm>>) target(%arg5 : memref<32xi32, #tpu.memory_space<vmem>>) target_semaphore(%run_scoped3A : memref<!tpu.dma_semaphore, #tpu.memory_space<semaphore_mem>>)
      %dma_wait3A_1412 = tpu.memref_slice %arg2[%mul3A_2] : memref<1024xi32, #tpu.memory_space<hbm>> -> memref<32xi32, #tpu.memory_space<hbm>>
      %dma_wait3A_1413 = tpu.memref_slice %arg2[%mul3A_2] : memref<1024xi32, #tpu.memory_space<hbm>> -> memref<32xi32, #tpu.memory_space<hbm>>
      tpu.wait_dma2 semaphore(%run_scoped3A : memref<!tpu.dma_semaphore, #tpu.memory_space<semaphore_mem>>) src(%dma_wait3A_1413 : memref<32xi32, #tpu.memory_space<hbm>>) dst(%arg5 : memref<32xi32, #tpu.memory_space<vmem>>)
      tpu.yield
    }) : () -> ()
    %iota3A = tpu.iota {dimensions = array<i32: 0>} : vector<16xi32>
    %get3A = arith.constant 0 : index
    %get3A_3 = tpu.vector_load %arg5[%get3A] {strides = array<i32>} : memref<32xi32, #tpu.memory_space<vmem>>, vector<16xi32>,
    %get3A_4 = arith.constant 16 : index
    %get3A_5 = tpu.vector_load %arg5[%get3A_4] {strides = array<i32>} : memref<32xi32, #tpu.memory_space<vmem>>, vector<16xi32>,
    %slice3A = vector.extract_strided_slice %get3A_3 {offsets = [0], sizes = [1], strides = [1]} : vector<16xi32> to vector<1xi32>
    %squeeze3A = vector.extract %slice3A[0] : i32 from vector<1xi32>
    %shift_right_logical3A = arith.constant 7 : i32
    %shift_right_logical3A_6 = arith.shrui %squeeze3A, %shift_right_logical3A : i32
    %shift_left3A = arith.constant 7 : i32
    %shift_left3A_7 = arith.shli %shift_right_logical3A_6, %shift_left3A : i32
    %multiple_of3A = tpu.assume_multiple %shift_left3A_7, 128 : i32
    %slice3A_8 = vector.extract_strided_slice %get3A_3 {offsets = [1], sizes = [1], strides = [1]} : vector<16xi32> to vector<1xi32>
    %squeeze3A_9 = vector.extract %slice3A_8[0] : i32 from vector<1xi32>
    %shift_right_logical3A_10 = arith.constant 7 : i32
    %shift_right_logical3A_11 = arith.shrui %squeeze3A_9, %shift_right_logical3A_10 : i32
    %shift_left3A_12 = arith.constant 7 : i32
    %shift_left3A_13 = arith.shli %shift_right_logical3A_11, %shift_left3A_12 : i32
    %multiple_of3A_14 = tpu.assume_multiple %shift_left3A_13, 128 : i32
    %slice3A_15 = vector.extract_strided_slice %get3A_3 {offsets = [2], sizes = [1], strides = [1]} : vector<16xi32> to vector<1xi32>
    %squeeze3A_16 = vector.extract %slice3A_15[0] : i32 from vector<1xi32>
    %shift_right_logical3A_17 = arith.constant 7 : i32
    %shift_right_logical3A_18 = arith.shrui %squeeze3A_16, %shift_right_logical3A_17 : i32
    %shift_left3A_19 = arith.constant 7 : i32
    %shift_left3A_20 = arith.shli %shift_right_logical3A_18, %shift_left3A_19 : i32
    %multiple_of3A_21 = tpu.assume_multiple %shift_left3A_20, 128 : i32
    %slice3A_22 = vector.extract_strided_slice %get3A_3 {offsets = [3], sizes = [1], strides = [1]} : vector<16xi32> to vector<1xi32>
    %squeeze3A_23 = vector.extract %slice3A_22[0] : i32 from vector<1xi32>
    %shift_right_logical3A_24 = arith.constant 7 : i32
    %shift_right_logical3A_25 = arith.shrui %squeeze3A_23, %shift_right_logical3A_24 : i32
    %shift_left3A_26 = arith.constant 7 : i32
    %shift_left3A_27 = arith.shli %shift_right_logical3A_25, %shift_left3A_26 : i32
    %multiple_of3A_28 = tpu.assume_multiple %shift_left3A_27, 128 : i32
    %slice3A_29 = vector.extract_strided_slice %get3A_3 {offsets = [4], sizes = [1], strides = [1]} : vector<16xi32> to vector<1xi32>
    %squeeze3A_30 = vector.extract %slice3A_29[0] : i32 from vector<1xi32>
    %shift_right_logical3A_31 = arith.constant 7 : i32
    %shift_right_logical3A_32 = arith.shrui %squeeze3A_30, %shift_right_logical3A_31 : i32
    %shift_left3A_33 = arith.constant 7 : i32
    %shift_left3A_34 = arith.shli %shift_right_logical3A_32, %shift_left3A_33 : i32
    %multiple_of3A_35 = tpu.assume_multiple %shift_left3A_34, 128 : i32
    %slice3A_36 = vector.extract_strided_slice %get3A_3 {offsets = [5], sizes = [1], strides = [1]} : vector<16xi32> to vector<1xi32>
    %squeeze3A_37 = vector.extract %slice3A_36[0] : i32 from vector<1xi32>
    %shift_right_logical3A_38 = arith.constant 7 : i32
    %shift_right_logical3A_39 = arith.shrui %squeeze3A_37, %shift_right_logical3A_38 : i32
    %shift_left3A_40 = arith.constant 7 : i32
    %shift_left3A_41 = arith.shli %shift_right_logical3A_39, %shift_left3A_40 : i32
    %multiple_of3A_42 = tpu.assume_multiple %shift_left3A_41, 128 : i32
    %slice3A_43 = vector.extract_strided_slice %get3A_3 {offsets = [6], sizes = [1], strides = [1]} : vector<16xi32> to vector<1xi32>
    %squeeze3A_44 = vector.extract %slice3A_43[0] : i32 from vector<1xi32>
    %shift_right_logical3A_45 = arith.constant 7 : i32
    %shift_right_logical3A_46 = arith.shrui %squeeze3A_44, %shift_right_logical3A_45 : i32
    %shift_left3A_47 = arith.constant 7 : i32
    %shift_left3A_48 = arith.shli %shift_right_logical3A_46, %shift_left3A_47 : i32
    %multiple_of3A_49 = tpu.assume_multiple %shift_left3A_48, 128 : i32
    %slice3A_50 = vector.extract_strided_slice %get3A_3 {offsets = [7], sizes = [1], strides = [1]} : vector<16xi32> to vector<1xi32>
    %squeeze3A_51 = vector.extract %slice3A_50[0] : i32 from vector<1xi32>
    %shift_right_logical3A_52 = arith.constant 7 : i32
    %shift_right_logical3A_53 = arith.shrui %squeeze3A_51, %shift_right_logical3A_52 : i32
    %shift_left3A_54 = arith.constant 7 : i32
    %shift_left3A_55 = arith.shli %shift_right_logical3A_53, %shift_left3A_54 : i32
    %multiple_of3A_56 = tpu.assume_multiple %shift_left3A_55, 128 : i32
    %slice3A_57 = vector.extract_strided_slice %get3A_3 {offsets = [8], sizes = [1], strides = [1]} : vector<16xi32> to vector<1xi32>
    %squeeze3A_58 = vector.extract %slice3A_57[0] : i32 from vector<1xi32>
    %shift_right_logical3A_59 = arith.constant 7 : i32
    %shift_right_logical3A_60 = arith.shrui %squeeze3A_58, %shift_right_logical3A_59 : i32
    %shift_left3A_61 = arith.constant 7 : i32
    %shift_left3A_62 = arith.shli %shift_right_logical3A_60, %shift_left3A_61 : i32
    %multiple_of3A_63 = tpu.assume_multiple %shift_left3A_62, 128 : i32
    %slice3A_64 = vector.extract_strided_slice %get3A_3 {offsets = [9], sizes = [1], strides = [1]} : vector<16xi32> to vector<1xi32>
    %squeeze3A_65 = vector.extract %slice3A_64[0] : i32 from vector<1xi32>
    %shift_right_logical3A_66 = arith.constant 7 : i32
    %shift_right_logical3A_67 = arith.shrui %squeeze3A_65, %shift_right_logical3A_66 : i32
    %shift_left3A_68 = arith.constant 7 : i32
    %shift_left3A_69 = arith.shli %shift_right_logical3A_67, %shift_left3A_68 : i32
    %multiple_of3A_70 = tpu.assume_multiple %shift_left3A_69, 128 : i32
    %slice3A_71 = vector.extract_strided_slice %get3A_3 {offsets = [10], sizes = [1], strides = [1]} : vector<16xi32> to vector<1xi32>
    %squeeze3A_72 = vector.extract %slice3A_71[0] : i32 from vector<1xi32>
    %shift_right_logical3A_73 = arith.constant 7 : i32
    %shift_right_logical3A_74 = arith.shrui %squeeze3A_72, %shift_right_logical3A_73 : i32
    %shift_left3A_75 = arith.constant 7 : i32
    %shift_left3A_76 = arith.shli %shift_right_logical3A_74, %shift_left3A_75 : i32
    %multiple_of3A_77 = tpu.assume_multiple %shift_left3A_76, 128 : i32
    %slice3A_78 = vector.extract_strided_slice %get3A_3 {offsets = [11], sizes = [1], strides = [1]} : vector<16xi32> to vector<1xi32>
    %squeeze3A_79 = vector.extract %slice3A_78[0] : i32 from vector<1xi32>
    %shift_right_logical3A_80 = arith.constant 7 : i32
    %shift_right_logical3A_81 = arith.shrui %squeeze3A_79, %shift_right_logical3A_80 : i32
    %shift_left3A_82 = arith.constant 7 : i32
    %shift_left3A_83 = arith.shli %shift_right_logical3A_81, %shift_left3A_82 : i32
    %multiple_of3A_84 = tpu.assume_multiple %shift_left3A_83, 128 : i32
    %slice3A_85 = vector.extract_strided_slice %get3A_3 {offsets = [12], sizes = [1], strides = [1]} : vector<16xi32> to vector<1xi32>
    %squeeze3A_86 = vector.extract %slice3A_85[0] : i32 from vector<1xi32>
    %shift_right_logical3A_87 = arith.constant 7 : i32
    %shift_right_logical3A_88 = arith.shrui %squeeze3A_86, %shift_right_logical3A_87 : i32
    %shift_left3A_89 = arith.constant 7 : i32
    %shift_left3A_90 = arith.shli %shift_right_logical3A_88, %shift_left3A_89 : i32
    %multiple_of3A_91 = tpu.assume_multiple %shift_left3A_90, 128 : i32
    %slice3A_92 = vector.extract_strided_slice %get3A_3 {offsets = [13], sizes = [1], strides = [1]} : vector<16xi32> to vector<1xi32>
    %squeeze3A_93 = vector.extract %slice3A_92[0] : i32 from vector<1xi32>
    %shift_right_logical3A_94 = arith.constant 7 : i32
    %shift_right_logical3A_95 = arith.shrui %squeeze3A_93, %shift_right_logical3A_94 : i32
    %shift_left3A_96 = arith.constant 7 : i32
    %shift_left3A_97 = arith.shli %shift_right_logical3A_95, %shift_left3A_96 : i32
    %multiple_of3A_98 = tpu.assume_multiple %shift_left3A_97, 128 : i32
    %slice3A_99 = vector.extract_strided_slice %get3A_3 {offsets = [14], sizes = [1], strides = [1]} : vector<16xi32> to vector<1xi32>
    %squeeze3A_100 = vector.extract %slice3A_99[0] : i32 from vector<1xi32>
    %shift_right_logical3A_101 = arith.constant 7 : i32
    %shift_right_logical3A_102 = arith.shrui %squeeze3A_100, %shift_right_logical3A_101 : i32
    %shift_left3A_103 = arith.constant 7 : i32
    %shift_left3A_104 = arith.shli %shift_right_logical3A_102, %shift_left3A_103 : i32
    %multiple_of3A_105 = tpu.assume_multiple %shift_left3A_104, 128 : i32
    %slice3A_106 = vector.extract_strided_slice %get3A_3 {offsets = [15], sizes = [1], strides = [1]} : vector<16xi32> to vector<1xi32>
    %squeeze3A_107 = vector.extract %slice3A_106[0] : i32 from vector<1xi32>
    %shift_right_logical3A_108 = arith.constant 7 : i32
    %shift_right_logical3A_109 = arith.shrui %squeeze3A_107, %shift_right_logical3A_108 : i32
    %shift_left3A_110 = arith.constant 7 : i32
    %shift_left3A_111 = arith.shli %shift_right_logical3A_109, %shift_left3A_110 : i32
    %multiple_of3A_112 = tpu.assume_multiple %shift_left3A_111, 128 : i32
    %slice3A_113 = vector.extract_strided_slice %get3A_5 {offsets = [0], sizes = [1], strides = [1]} : vector<16xi32> to vector<1xi32>
    %squeeze3A_114 = vector.extract %slice3A_113[0] : i32 from vector<1xi32>
    %shift_right_logical3A_115 = arith.constant 7 : i32
    %shift_right_logical3A_116 = arith.shrui %squeeze3A_114, %shift_right_logical3A_115 : i32
    %shift_left3A_117 = arith.constant 7 : i32
    %shift_left3A_118 = arith.shli %shift_right_logical3A_116, %shift_left3A_117 : i32
    %multiple_of3A_119 = tpu.assume_multiple %shift_left3A_118, 128 : i32
    %slice3A_120 = vector.extract_strided_slice %get3A_5 {offsets = [1], sizes = [1], strides = [1]} : vector<16xi32> to vector<1xi32>
    %squeeze3A_121 = vector.extract %slice3A_120[0] : i32 from vector<1xi32>
    %shift_right_logical3A_122 = arith.constant 7 : i32
    %shift_right_logical3A_123 = arith.shrui %squeeze3A_121, %shift_right_logical3A_122 : i32
    %shift_left3A_124 = arith.constant 7 : i32
    %shift_left3A_125 = arith.shli %shift_right_logical3A_123, %shift_left3A_124 : i32
    %multiple_of3A_126 = tpu.assume_multiple %shift_left3A_125, 128 : i32
    %slice3A_127 = vector.extract_strided_slice %get3A_5 {offsets = [2], sizes = [1], strides = [1]} : vector<16xi32> to vector<1xi32>
    %squeeze3A_128 = vector.extract %slice3A_127[0] : i32 from vector<1xi32>
    %shift_right_logical3A_129 = arith.constant 7 : i32
    %shift_right_logical3A_130 = arith.shrui %squeeze3A_128, %shift_right_logical3A_129 : i32
    %shift_left3A_131 = arith.constant 7 : i32
    %shift_left3A_132 = arith.shli %shift_right_logical3A_130, %shift_left3A_131 : i32
    %multiple_of3A_133 = tpu.assume_multiple %shift_left3A_132, 128 : i32
    %slice3A_134 = vector.extract_strided_slice %get3A_5 {offsets = [3], sizes = [1], strides = [1]} : vector<16xi32> to vector<1xi32>
    %squeeze3A_135 = vector.extract %slice3A_134[0] : i32 from vector<1xi32>
    %shift_right_logical3A_136 = arith.constant 7 : i32
    %shift_right_logical3A_137 = arith.shrui %squeeze3A_135, %shift_right_logical3A_136 : i32
    %shift_left3A_138 = arith.constant 7 : i32
    %shift_left3A_139 = arith.shli %shift_right_logical3A_137, %shift_left3A_138 : i32
    %multiple_of3A_140 = tpu.assume_multiple %shift_left3A_139, 128 : i32
    %slice3A_141 = vector.extract_strided_slice %get3A_5 {offsets = [4], sizes = [1], strides = [1]} : vector<16xi32> to vector<1xi32>
    %squeeze3A_142 = vector.extract %slice3A_141[0] : i32 from vector<1xi32>
    %shift_right_logical3A_143 = arith.constant 7 : i32
    %shift_right_logical3A_144 = arith.shrui %squeeze3A_142, %shift_right_logical3A_143 : i32
    %shift_left3A_145 = arith.constant 7 : i32
    %shift_left3A_146 = arith.shli %shift_right_logical3A_144, %shift_left3A_145 : i32
    %multiple_of3A_147 = tpu.assume_multiple %shift_left3A_146, 128 : i32
    %slice3A_148 = vector.extract_strided_slice %get3A_5 {offsets = [5], sizes = [1], strides = [1]} : vector<16xi32> to vector<1xi32>
    %squeeze3A_149 = vector.extract %slice3A_148[0] : i32 from vector<1xi32>
    %shift_right_logical3A_150 = arith.constant 7 : i32
    %shift_right_logical3A_151 = arith.shrui %squeeze3A_149, %shift_right_logical3A_150 : i32
    %shift_left3A_152 = arith.constant 7 : i32
    %shift_left3A_153 = arith.shli %shift_right_logical3A_151, %shift_left3A_152 : i32
    %multiple_of3A_154 = tpu.assume_multiple %shift_left3A_153, 128 : i32
    %slice3A_155 = vector.extract_strided_slice %get3A_5 {offsets = [6], sizes = [1], strides = [1]} : vector<16xi32> to vector<1xi32>
    %squeeze3A_156 = vector.extract %slice3A_155[0] : i32 from vector<1xi32>
    %shift_right_logical3A_157 = arith.constant 7 : i32
    %shift_right_logical3A_158 = arith.shrui %squeeze3A_156, %shift_right_logical3A_157 : i32
    %shift_left3A_159 = arith.constant 7 : i32
    %shift_left3A_160 = arith.shli %shift_right_logical3A_158, %shift_left3A_159 : i32
    %multiple_of3A_161 = tpu.assume_multiple %shift_left3A_160, 128 : i32
    %slice3A_162 = vector.extract_strided_slice %get3A_5 {offsets = [7], sizes = [1], strides = [1]} : vector<16xi32> to vector<1xi32>
    %squeeze3A_163 = vector.extract %slice3A_162[0] : i32 from vector<1xi32>
    %shift_right_logical3A_164 = arith.constant 7 : i32
    %shift_right_logical3A_165 = arith.shrui %squeeze3A_163, %shift_right_logical3A_164 : i32
    %shift_left3A_166 = arith.constant 7 : i32
    %shift_left3A_167 = arith.shli %shift_right_logical3A_165, %shift_left3A_166 : i32
    %multiple_of3A_168 = tpu.assume_multiple %shift_left3A_167, 128 : i32
    %slice3A_169 = vector.extract_strided_slice %get3A_5 {offsets = [8], sizes = [1], strides = [1]} : vector<16xi32> to vector<1xi32>
    %squeeze3A_170 = vector.extract %slice3A_169[0] : i32 from vector<1xi32>
    %shift_right_logical3A_171 = arith.constant 7 : i32
    %shift_right_logical3A_172 = arith.shrui %squeeze3A_170, %shift_right_logical3A_171 : i32
    %shift_left3A_173 = arith.constant 7 : i32
    %shift_left3A_174 = arith.shli %shift_right_logical3A_172, %shift_left3A_173 : i32
    %multiple_of3A_175 = tpu.assume_multiple %shift_left3A_174, 128 : i32
    %slice3A_176 = vector.extract_strided_slice %get3A_5 {offsets = [9], sizes = [1], strides = [1]} : vector<16xi32> to vector<1xi32>
    %squeeze3A_177 = vector.extract %slice3A_176[0] : i32 from vector<1xi32>
    %shift_right_logical3A_178 = arith.constant 7 : i32
    %shift_right_logical3A_179 = arith.shrui %squeeze3A_177, %shift_right_logical3A_178 : i32
    %shift_left3A_180 = arith.constant 7 : i32
    %shift_left3A_181 = arith.shli %shift_right_logical3A_179, %shift_left3A_180 : i32
    %multiple_of3A_182 = tpu.assume_multiple %shift_left3A_181, 128 : i32
    %slice3A_183 = vector.extract_strided_slice %get3A_5 {offsets = [10], sizes = [1], strides = [1]} : vector<16xi32> to vector<1xi32>
    %squeeze3A_184 = vector.extract %slice3A_183[0] : i32 from vector<1xi32>
    %shift_right_logical3A_185 = arith.constant 7 : i32
    %shift_right_logical3A_186 = arith.shrui %squeeze3A_184, %shift_right_logical3A_185 : i32
    %shift_left3A_187 = arith.constant 7 : i32
    %shift_left3A_188 = arith.shli %shift_right_logical3A_186, %shift_left3A_187 : i32
    %multiple_of3A_189 = tpu.assume_multiple %shift_left3A_188, 128 : i32
    %slice3A_190 = vector.extract_strided_slice %get3A_5 {offsets = [11], sizes = [1], strides = [1]} : vector<16xi32> to vector<1xi32>
    %squeeze3A_191 = vector.extract %slice3A_190[0] : i32 from vector<1xi32>
    %shift_right_logical3A_192 = arith.constant 7 : i32
    %shift_right_logical3A_193 = arith.shrui %squeeze3A_191, %shift_right_logical3A_192 : i32
    %shift_left3A_194 = arith.constant 7 : i32
    %shift_left3A_195 = arith.shli %shift_right_logical3A_193, %shift_left3A_194 : i32
    %multiple_of3A_196 = tpu.assume_multiple %shift_left3A_195, 128 : i32
    %slice3A_197 = vector.extract_strided_slice %get3A_5 {offsets = [12], sizes = [1], strides = [1]} : vector<16xi32> to vector<1xi32>
    %squeeze3A_198 = vector.extract %slice3A_197[0] : i32 from vector<1xi32>
    %shift_right_logical3A_199 = arith.constant 7 : i32
    %shift_right_logical3A_200 = arith.shrui %squeeze3A_198, %shift_right_logical3A_199 : i32
    %shift_left3A_201 = arith.constant 7 : i32
    %shift_left3A_202 = arith.shli %shift_right_logical3A_200, %shift_left3A_201 : i32
    %multiple_of3A_203 = tpu.assume_multiple %shift_left3A_202, 128 : i32
    %slice3A_204 = vector.extract_strided_slice %get3A_5 {offsets = [13], sizes = [1], strides = [1]} : vector<16xi32> to vector<1xi32>
    %squeeze3A_205 = vector.extract %slice3A_204[0] : i32 from vector<1xi32>
    %shift_right_logical3A_206 = arith.constant 7 : i32
    %shift_right_logical3A_207 = arith.shrui %squeeze3A_205, %shift_right_logical3A_206 : i32
    %shift_left3A_208 = arith.constant 7 : i32
    %shift_left3A_209 = arith.shli %shift_right_logical3A_207, %shift_left3A_208 : i32
    %multiple_of3A_210 = tpu.assume_multiple %shift_left3A_209, 128 : i32
    %slice3A_211 = vector.extract_strided_slice %get3A_5 {offsets = [14], sizes = [1], strides = [1]} : vector<16xi32> to vector<1xi32>
    %squeeze3A_212 = vector.extract %slice3A_211[0] : i32 from vector<1xi32>
    %shift_right_logical3A_213 = arith.constant 7 : i32
    %shift_right_logical3A_214 = arith.shrui %squeeze3A_212, %shift_right_logical3A_213 : i32
    %shift_left3A_215 = arith.constant 7 : i32
    %shift_left3A_216 = arith.shli %shift_right_logical3A_214, %shift_left3A_215 : i32
    %multiple_of3A_217 = tpu.assume_multiple %shift_left3A_216, 128 : i32
    %slice3A_218 = vector.extract_strided_slice %get3A_5 {offsets = [15], sizes = [1], strides = [1]} : vector<16xi32> to vector<1xi32>
    %squeeze3A_219 = vector.extract %slice3A_218[0] : i32 from vector<1xi32>
    %shift_right_logical3A_220 = arith.constant 7 : i32
    %shift_right_logical3A_221 = arith.shrui %squeeze3A_219, %shift_right_logical3A_220 : i32
    %shift_left3A_222 = arith.constant 7 : i32
    %shift_left3A_223 = arith.shli %shift_right_logical3A_221, %shift_left3A_222 : i32
    %multiple_of3A_224 = tpu.assume_multiple %shift_left3A_223, 128 : i32
    %dma_start3A = arith.constant 0 : i32
    %dma_start3A_225 = arith.constant 0 : i32
    %dma_start3A_226 = arith.constant 0 : i32
    %dma_start3A_227 = tpu.memref_slice %arg6[%dma_start3A, %dma_start3A_225, %dma_start3A_226] : memref<32x16x128xf32, #tpu.memory_space<vmem>> -> memref<1x16x128xf32, #tpu.memory_space<vmem>>
    %dma_start3A_228 = tpu.memref_squeeze %dma_start3A_227 : memref<1x16x128xf32, #tpu.memory_space<vmem>> -> memref<16x128xf32, #tpu.memory_space<vmem>>
    %dma_start3A_229 = arith.constant 0 : i32
    %dma_start3A_230 = tpu.memref_slice %arg3[%dma_start3A_229, %multiple_of3A] : memref<16x1000000xf32, #tpu.memory_space<hbm>> -> memref<16x128xf32, #tpu.memory_space<hbm>>
    %dma_start3A_231 = arith.constant 0 : i32
    %dma_start3A_232 = arith.constant 0 : i32
    %dma_start3A_233 = tpu.memref_slice %arg6[%dma_start3A, %dma_start3A_231, %dma_start3A_232] : memref<32x16x128xf32, #tpu.memory_space<vmem>> -> memref<1x16x128xf32, #tpu.memory_space<vmem>>
    %dma_start3A_234 = tpu.memref_squeeze %dma_start3A_233 : memref<1x16x128xf32, #tpu.memory_space<vmem>> -> memref<16x128xf32, #tpu.memory_space<vmem>>
    %dma_start3A_235 = arith.constant 0 : i32
    %dma_start3A_236 = tpu.memref_slice %arg3[%dma_start3A_235, %multiple_of3A] : memref<16x1000000xf32, #tpu.memory_space<hbm>> -> memref<16x128xf32, #tpu.memory_space<hbm>>
    tpu.enqueue_dma source(%dma_start3A_236 : memref<16x128xf32, #tpu.memory_space<hbm>>) target(%dma_start3A_234 : memref<16x128xf32, #tpu.memory_space<vmem>>) target_semaphore(%arg11 : memref<!tpu.dma_semaphore, #tpu.memory_space<semaphore_mem>>)
    %dma_start3A_237 = arith.constant 1 : i32
    %dma_start3A_238 = arith.constant 0 : i32
    %dma_start3A_239 = arith.constant 0 : i32
    %dma_start3A_240 = tpu.memref_slice %arg6[%dma_start3A_237, %dma_start3A_238, %dma_start3A_239] : memref<32x16x128xf32, #tpu.memory_space<vmem>> -> memref<1x16x128xf32, #tpu.memory_space<vmem>>
    %dma_start3A_241 = tpu.memref_squeeze %dma_start3A_240 : memref<1x16x128xf32, #tpu.memory_space<vmem>> -> memref<16x128xf32, #tpu.memory_space<vmem>>
    %dma_start3A_242 = arith.constant 0 : i32
    %dma_start3A_243 = tpu.memref_slice %arg3[%dma_start3A_242, %multiple_of3A_14] : memref<16x1000000xf32, #tpu.memory_space<hbm>> -> memref<16x128xf32, #tpu.memory_space<hbm>>
    %dma_start3A_244 = arith.constant 0 : i32
    %dma_start3A_245 = arith.constant 0 : i32
    %dma_start3A_246 = tpu.memref_slice %arg6[%dma_start3A_237, %dma_start3A_244, %dma_start3A_245] : memref<32x16x128xf32, #tpu.memory_space<vmem>> -> memref<1x16x128xf32, #tpu.memory_space<vmem>>
    %dma_start3A_247 = tpu.memref_squeeze %dma_start3A_246 : memref<1x16x128xf32, #tpu.memory_space<vmem>> -> memref<16x128xf32, #tpu.memory_space<vmem>>
    %dma_start3A_248 = arith.constant 0 : i32
    %dma_start3A_249 = tpu.memref_slice %arg3[%dma_start3A_248, %multiple_of3A_14] : memref<16x1000000xf32, #tpu.memory_space<hbm>> -> memref<16x128xf32, #tpu.memory_space<hbm>>
    tpu.enqueue_dma source(%dma_start3A_249 : memref<16x128xf32, #tpu.memory_space<hbm>>) target(%dma_start3A_247 : memref<16x128xf32, #tpu.memory_space<vmem>>) target_semaphore(%arg11 : memref<!tpu.dma_semaphore, #tpu.memory_space<semaphore_mem>>)
    %dma_start3A_250 = arith.constant 2 : i32
    %dma_start3A_251 = arith.constant 0 : i32
    %dma_start3A_252 = arith.constant 0 : i32
    %dma_start3A_253 = tpu.memref_slice %arg6[%dma_start3A_250, %dma_start3A_251, %dma_start3A_252] : memref<32x16x128xf32, #tpu.memory_space<vmem>> -> memref<1x16x128xf32, #tpu.memory_space<vmem>>
    %dma_start3A_254 = tpu.memref_squeeze %dma_start3A_253 : memref<1x16x128xf32, #tpu.memory_space<vmem>> -> memref<16x128xf32, #tpu.memory_space<vmem>>
    %dma_start3A_255 = arith.constant 0 : i32
    %dma_start3A_256 = tpu.memref_slice %arg3[%dma_start3A_255, %multiple_of3A_21] : memref<16x1000000xf32, #tpu.memory_space<hbm>> -> memref<16x128xf32, #tpu.memory_space<hbm>>
    %dma_start3A_257 = arith.constant 0 : i32
    %dma_start3A_258 = arith.constant 0 : i32
    %dma_start3A_259 = tpu.memref_slice %arg6[%dma_start3A_250, %dma_start3A_257, %dma_start3A_258] : memref<32x16x128xf32, #tpu.memory_space<vmem>> -> memref<1x16x128xf32, #tpu.memory_space<vmem>>
    %dma_start3A_260 = tpu.memref_squeeze %dma_start3A_259 : memref<1x16x128xf32, #tpu.memory_space<vmem>> -> memref<16x128xf32, #tpu.memory_space<vmem>>
    %dma_start3A_261 = arith.constant 0 : i32
    %dma_start3A_262 = tpu.memref_slice %arg3[%dma_start3A_261, %multiple_of3A_21] : memref<16x1000000xf32, #tpu.memory_space<hbm>> -> memref<16x128xf32, #tpu.memory_space<hbm>>
    tpu.enqueue_dma source(%dma_start3A_262 : memref<16x128xf32, #tpu.memory_space<hbm>>) target(%dma_start3A_260 : memref<16x128xf32, #tpu.memory_space<vmem>>) target_semaphore(%arg11 : memref<!tpu.dma_semaphore, #tpu.memory_space<semaphore_mem>>)
    %dma_start3A_263 = arith.constant 3 : i32
    %dma_start3A_264 = arith.constant 0 : i32
    %dma_start3A_265 = arith.constant 0 : i32
    %dma_start3A_266 = tpu.memref_slice %arg6[%dma_start3A_263, %dma_start3A_264, %dma_start3A_265] : memref<32x16x128xf32, #tpu.memory_space<vmem>> -> memref<1x16x128xf32, #tpu.memory_space<vmem>>
    %dma_start3A_267 = tpu.memref_squeeze %dma_start3A_266 : memref<1x16x128xf32, #tpu.memory_space<vmem>> -> memref<16x128xf32, #tpu.memory_space<vmem>>
    %dma_start3A_268 = arith.constant 0 : i32
    %dma_start3A_269 = tpu.memref_slice %arg3[%dma_start3A_268, %multiple_of3A_28] : memref<16x1000000xf32, #tpu.memory_space<hbm>> -> memref<16x128xf32, #tpu.memory_space<hbm>>
    %dma_start3A_270 = arith.constant 0 : i32
    %dma_start3A_271 = arith.constant 0 : i32
    %dma_start3A_272 = tpu.memref_slice %arg6[%dma_start3A_263, %dma_start3A_270, %dma_start3A_271] : memref<32x16x128xf32, #tpu.memory_space<vmem>> -> memref<1x16x128xf32, #tpu.memory_space<vmem>>
    %dma_start3A_273 = tpu.memref_squeeze %dma_start3A_272 : memref<1x16x128xf32, #tpu.memory_space<vmem>> -> memref<16x128xf32, #tpu.memory_space<vmem>>
    %dma_start3A_274 = arith.constant 0 : i32
    %dma_start3A_275 = tpu.memref_slice %arg3[%dma_start3A_274, %multiple_of3A_28] : memref<16x1000000xf32, #tpu.memory_space<hbm>> -> memref<16x128xf32, #tpu.memory_space<hbm>>
    tpu.enqueue_dma source(%dma_start3A_275 : memref<16x128xf32, #tpu.memory_space<hbm>>) target(%dma_start3A_273 : memref<16x128xf32, #tpu.memory_space<vmem>>) target_semaphore(%arg11 : memref<!tpu.dma_semaphore, #tpu.memory_space<semaphore_mem>>)
    %dma_start3A_276 = arith.constant 4 : i32
    %dma_start3A_277 = arith.constant 0 : i32
    %dma_start3A_278 = arith.constant 0 : i32
    %dma_start3A_279 = tpu.memref_slice %arg6[%dma_start3A_276, %dma_start3A_277, %dma_start3A_278] : memref<32x16x128xf32, #tpu.memory_space<vmem>> -> memref<1x16x128xf32, #tpu.memory_space<vmem>>
    %dma_start3A_280 = tpu.memref_squeeze %dma_start3A_279 : memref<1x16x128xf32, #tpu.memory_space<vmem>> -> memref<16x128xf32, #tpu.memory_space<vmem>>
    %dma_start3A_281 = arith.constant 0 : i32
    %dma_start3A_282 = tpu.memref_slice %arg3[%dma_start3A_281, %multiple_of3A_35] : memref<16x1000000xf32, #tpu.memory_space<hbm>> -> memref<16x128xf32, #tpu.memory_space<hbm>>
    %dma_start3A_283 = arith.constant 0 : i32
    %dma_start3A_284 = arith.constant 0 : i32
    %dma_start3A_285 = tpu.memref_slice %arg6[%dma_start3A_276, %dma_start3A_283, %dma_start3A_284] : memref<32x16x128xf32, #tpu.memory_space<vmem>> -> memref<1x16x128xf32, #tpu.memory_space<vmem>>
    %dma_start3A_286 = tpu.memref_squeeze %dma_start3A_285 : memref<1x16x128xf32, #tpu.memory_space<vmem>> -> memref<16x128xf32, #tpu.memory_space<vmem>>
    %dma_start3A_287 = arith.constant 0 : i32
    %dma_start3A_288 = tpu.memref_slice %arg3[%dma_start3A_287, %multiple_of3A_35] : memref<16x1000000xf32, #tpu.memory_space<hbm>> -> memref<16x128xf32, #tpu.memory_space<hbm>>
    tpu.enqueue_dma source(%dma_start3A_288 : memref<16x128xf32, #tpu.memory_space<hbm>>) target(%dma_start3A_286 : memref<16x128xf32, #tpu.memory_space<vmem>>) target_semaphore(%arg11 : memref<!tpu.dma_semaphore, #tpu.memory_space<semaphore_mem>>)
    %dma_start3A_289 = arith.constant 5 : i32
    %dma_start3A_290 = arith.constant 0 : i32
    %dma_start3A_291 = arith.constant 0 : i32
    %dma_start3A_292 = tpu.memref_slice %arg6[%dma_start3A_289, %dma_start3A_290, %dma_start3A_291] : memref<32x16x128xf32, #tpu.memory_space<vmem>> -> memref<1x16x128xf32, #tpu.memory_space<vmem>>
    %dma_start3A_293 = tpu.memref_squeeze %dma_start3A_292 : memref<1x16x128xf32, #tpu.memory_space<vmem>> -> memref<16x128xf32, #tpu.memory_space<vmem>>
    %dma_start3A_294 = arith.constant 0 : i32
    %dma_start3A_295 = tpu.memref_slice %arg3[%dma_start3A_294, %multiple_of3A_42] : memref<16x1000000xf32, #tpu.memory_space<hbm>> -> memref<16x128xf32, #tpu.memory_space<hbm>>
    %dma_start3A_296 = arith.constant 0 : i32
    %dma_start3A_297 = arith.constant 0 : i32
    %dma_start3A_298 = tpu.memref_slice %arg6[%dma_start3A_289, %dma_start3A_296, %dma_start3A_297] : memref<32x16x128xf32, #tpu.memory_space<vmem>> -> memref<1x16x128xf32, #tpu.memory_space<vmem>>
    %dma_start3A_299 = tpu.memref_squeeze %dma_start3A_298 : memref<1x16x128xf32, #tpu.memory_space<vmem>> -> memref<16x128xf32, #tpu.memory_space<vmem>>
    %dma_start3A_300 = arith.constant 0 : i32
    %dma_start3A_301 = tpu.memref_slice %arg3[%dma_start3A_300, %multiple_of3A_42] : memref<16x1000000xf32, #tpu.memory_space<hbm>> -> memref<16x128xf32, #tpu.memory_space<hbm>>
    tpu.enqueue_dma source(%dma_start3A_301 : memref<16x128xf32, #tpu.memory_space<hbm>>) target(%dma_start3A_299 : memref<16x128xf32, #tpu.memory_space<vmem>>) target_semaphore(%arg11 : memref<!tpu.dma_semaphore, #tpu.memory_space<semaphore_mem>>)
    %dma_start3A_302 = arith.constant 6 : i32
    %dma_start3A_303 = arith.constant 0 : i32
    %dma_start3A_304 = arith.constant 0 : i32
    %dma_start3A_305 = tpu.memref_slice %arg6[%dma_start3A_302, %dma_start3A_303, %dma_start3A_304] : memref<32x16x128xf32, #tpu.memory_space<vmem>> -> memref<1x16x128xf32, #tpu.memory_space<vmem>>
    %dma_start3A_306 = tpu.memref_squeeze %dma_start3A_305 : memref<1x16x128xf32, #tpu.memory_space<vmem>> -> memref<16x128xf32, #tpu.memory_space<vmem>>
    %dma_start3A_307 = arith.constant 0 : i32
    %dma_start3A_308 = tpu.memref_slice %arg3[%dma_start3A_307, %multiple_of3A_49] : memref<16x1000000xf32, #tpu.memory_space<hbm>> -> memref<16x128xf32, #tpu.memory_space<hbm>>
    %dma_start3A_309 = arith.constant 0 : i32
    %dma_start3A_310 = arith.constant 0 : i32
    %dma_start3A_311 = tpu.memref_slice %arg6[%dma_start3A_302, %dma_start3A_309, %dma_start3A_310] : memref<32x16x128xf32, #tpu.memory_space<vmem>> -> memref<1x16x128xf32, #tpu.memory_space<vmem>>
    %dma_start3A_312 = tpu.memref_squeeze %dma_start3A_311 : memref<1x16x128xf32, #tpu.memory_space<vmem>> -> memref<16x128xf32, #tpu.memory_space<vmem>>
    %dma_start3A_313 = arith.constant 0 : i32
    %dma_start3A_314 = tpu.memref_slice %arg3[%dma_start3A_313, %multiple_of3A_49] : memref<16x1000000xf32, #tpu.memory_space<hbm>> -> memref<16x128xf32, #tpu.memory_space<hbm>>
    tpu.enqueue_dma source(%dma_start3A_314 : memref<16x128xf32, #tpu.memory_space<hbm>>) target(%dma_start3A_312 : memref<16x128xf32, #tpu.memory_space<vmem>>) target_semaphore(%arg11 : memref<!tpu.dma_semaphore, #tpu.memory_space<semaphore_mem>>)
    %dma_start3A_315 = arith.constant 7 : i32
    %dma_start3A_316 = arith.constant 0 : i32
    %dma_start3A_317 = arith.constant 0 : i32
    %dma_start3A_318 = tpu.memref_slice %arg6[%dma_start3A_315, %dma_start3A_316, %dma_start3A_317] : memref<32x16x128xf32, #tpu.memory_space<vmem>> -> memref<1x16x128xf32, #tpu.memory_space<vmem>>
    %dma_start3A_319 = tpu.memref_squeeze %dma_start3A_318 : memref<1x16x128xf32, #tpu.memory_space<vmem>> -> memref<16x128xf32, #tpu.memory_space<vmem>>
    %dma_start3A_320 = arith.constant 0 : i32
    %dma_start3A_321 = tpu.memref_slice %arg3[%dma_start3A_320, %multiple_of3A_56] : memref<16x1000000xf32, #tpu.memory_space<hbm>> -> memref<16x128xf32, #tpu.memory_space<hbm>>
    %dma_start3A_322 = arith.constant 0 : i32
    %dma_start3A_323 = arith.constant 0 : i32
    %dma_start3A_324 = tpu.memref_slice %arg6[%dma_start3A_315, %dma_start3A_322, %dma_start3A_323] : memref<32x16x128xf32, #tpu.memory_space<vmem>> -> memref<1x16x128xf32, #tpu.memory_space<vmem>>
    %dma_start3A_325 = tpu.memref_squeeze %dma_start3A_324 : memref<1x16x128xf32, #tpu.memory_space<vmem>> -> memref<16x128xf32, #tpu.memory_space<vmem>>
    %dma_start3A_326 = arith.constant 0 : i32
    %dma_start3A_327 = tpu.memref_slice %arg3[%dma_start3A_326, %multiple_of3A_56] : memref<16x1000000xf32, #tpu.memory_space<hbm>> -> memref<16x128xf32, #tpu.memory_space<hbm>>
    tpu.enqueue_dma source(%dma_start3A_327 : memref<16x128xf32, #tpu.memory_space<hbm>>) target(%dma_start3A_325 : memref<16x128xf32, #tpu.memory_space<vmem>>) target_semaphore(%arg11 : memref<!tpu.dma_semaphore, #tpu.memory_space<semaphore_mem>>)
    %dma_start3A_328 = arith.constant 8 : i32
    %dma_start3A_329 = arith.constant 0 : i32
    %dma_start3A_330 = arith.constant 0 : i32
    %dma_start3A_331 = tpu.memref_slice %arg6[%dma_start3A_328, %dma_start3A_329, %dma_start3A_330] : memref<32x16x128xf32, #tpu.memory_space<vmem>> -> memref<1x16x128xf32, #tpu.memory_space<vmem>>
    %dma_start3A_332 = tpu.memref_squeeze %dma_start3A_331 : memref<1x16x128xf32, #tpu.memory_space<vmem>> -> memref<16x128xf32, #tpu.memory_space<vmem>>
    %dma_start3A_333 = arith.constant 0 : i32
    %dma_start3A_334 = tpu.memref_slice %arg3[%dma_start3A_333, %multiple_of3A_63] : memref<16x1000000xf32, #tpu.memory_space<hbm>> -> memref<16x128xf32, #tpu.memory_space<hbm>>
    %dma_start3A_335 = arith.constant 0 : i32
    %dma_start3A_336 = arith.constant 0 : i32
    %dma_start3A_337 = tpu.memref_slice %arg6[%dma_start3A_328, %dma_start3A_335, %dma_start3A_336] : memref<32x16x128xf32, #tpu.memory_space<vmem>> -> memref<1x16x128xf32, #tpu.memory_space<vmem>>
    %dma_start3A_338 = tpu.memref_squeeze %dma_start3A_337 : memref<1x16x128xf32, #tpu.memory_space<vmem>> -> memref<16x128xf32, #tpu.memory_space<vmem>>
    %dma_start3A_339 = arith.constant 0 : i32
    %dma_start3A_340 = tpu.memref_slice %arg3[%dma_start3A_339, %multiple_of3A_63] : memref<16x1000000xf32, #tpu.memory_space<hbm>> -> memref<16x128xf32, #tpu.memory_space<hbm>>
    tpu.enqueue_dma source(%dma_start3A_340 : memref<16x128xf32, #tpu.memory_space<hbm>>) target(%dma_start3A_338 : memref<16x128xf32, #tpu.memory_space<vmem>>) target_semaphore(%arg11 : memref<!tpu.dma_semaphore, #tpu.memory_space<semaphore_mem>>)
    %dma_start3A_341 = arith.constant 9 : i32
    %dma_start3A_342 = arith.constant 0 : i32
    %dma_start3A_343 = arith.constant 0 : i32
    %dma_start3A_344 = tpu.memref_slice %arg6[%dma_start3A_341, %dma_start3A_342, %dma_start3A_343] : memref<32x16x128xf32, #tpu.memory_space<vmem>> -> memref<1x16x128xf32, #tpu.memory_space<vmem>>
    %dma_start3A_345 = tpu.memref_squeeze %dma_start3A_344 : memref<1x16x128xf32, #tpu.memory_space<vmem>> -> memref<16x128xf32, #tpu.memory_space<vmem>>
    %dma_start3A_346 = arith.constant 0 : i32
    %dma_start3A_347 = tpu.memref_slice %arg3[%dma_start3A_346, %multiple_of3A_70] : memref<16x1000000xf32, #tpu.memory_space<hbm>> -> memref<16x128xf32, #tpu.memory_space<hbm>>
    %dma_start3A_348 = arith.constant 0 : i32
    %dma_start3A_349 = arith.constant 0 : i32
    %dma_start3A_350 = tpu.memref_slice %arg6[%dma_start3A_341, %dma_start3A_348, %dma_start3A_349] : memref<32x16x128xf32, #tpu.memory_space<vmem>> -> memref<1x16x128xf32, #tpu.memory_space<vmem>>
    %dma_start3A_351 = tpu.memref_squeeze %dma_start3A_350 : memref<1x16x128xf32, #tpu.memory_space<vmem>> -> memref<16x128xf32, #tpu.memory_space<vmem>>
    %dma_start3A_352 = arith.constant 0 : i32
    %dma_start3A_353 = tpu.memref_slice %arg3[%dma_start3A_352, %multiple_of3A_70] : memref<16x1000000xf32, #tpu.memory_space<hbm>> -> memref<16x128xf32, #tpu.memory_space<hbm>>
    tpu.enqueue_dma source(%dma_start3A_353 : memref<16x128xf32, #tpu.memory_space<hbm>>) target(%dma_start3A_351 : memref<16x128xf32, #tpu.memory_space<vmem>>) target_semaphore(%arg11 : memref<!tpu.dma_semaphore, #tpu.memory_space<semaphore_mem>>)
    %dma_start3A_354 = arith.constant 10 : i32
    %dma_start3A_355 = arith.constant 0 : i32
    %dma_start3A_356 = arith.constant 0 : i32
    %dma_start3A_357 = tpu.memref_slice %arg6[%dma_start3A_354, %dma_start3A_355, %dma_start3A_356] : memref<32x16x128xf32, #tpu.memory_space<vmem>> -> memref<1x16x128xf32, #tpu.memory_space<vmem>>
    %dma_start3A_358 = tpu.memref_squeeze %dma_start3A_357 : memref<1x16x128xf32, #tpu.memory_space<vmem>> -> memref<16x128xf32, #tpu.memory_space<vmem>>
    %dma_start3A_359 = arith.constant 0 : i32
    %dma_start3A_360 = tpu.memref_slice %arg3[%dma_start3A_359, %multiple_of3A_77] : memref<16x1000000xf32, #tpu.memory_space<hbm>> -> memref<16x128xf32, #tpu.memory_space<hbm>>
    %dma_start3A_361 = arith.constant 0 : i32
    %dma_start3A_362 = arith.constant 0 : i32
    %dma_start3A_363 = tpu.memref_slice %arg6[%dma_start3A_354, %dma_start3A_361, %dma_start3A_362] : memref<32x16x128xf32, #tpu.memory_space<vmem>> -> memref<1x16x128xf32, #tpu.memory_space<vmem>>
    %dma_start3A_364 = tpu.memref_squeeze %dma_start3A_363 : memref<1x16x128xf32, #tpu.memory_space<vmem>> -> memref<16x128xf32, #tpu.memory_space<vmem>>
    %dma_start3A_365 = arith.constant 0 : i32
    %dma_start3A_366 = tpu.memref_slice %arg3[%dma_start3A_365, %multiple_of3A_77] : memref<16x1000000xf32, #tpu.memory_space<hbm>> -> memref<16x128xf32, #tpu.memory_space<hbm>>
    tpu.enqueue_dma source(%dma_start3A_366 : memref<16x128xf32, #tpu.memory_space<hbm>>) target(%dma_start3A_364 : memref<16x128xf32, #tpu.memory_space<vmem>>) target_semaphore(%arg11 : memref<!tpu.dma_semaphore, #tpu.memory_space<semaphore_mem>>)
    %dma_start3A_367 = arith.constant 11 : i32
    %dma_start3A_368 = arith.constant 0 : i32
    %dma_start3A_369 = arith.constant 0 : i32
    %dma_start3A_370 = tpu.memref_slice %arg6[%dma_start3A_367, %dma_start3A_368, %dma_start3A_369] : memref<32x16x128xf32, #tpu.memory_space<vmem>> -> memref<1x16x128xf32, #tpu.memory_space<vmem>>
    %dma_start3A_371 = tpu.memref_squeeze %dma_start3A_370 : memref<1x16x128xf32, #tpu.memory_space<vmem>> -> memref<16x128xf32, #tpu.memory_space<vmem>>
    %dma_start3A_372 = arith.constant 0 : i32
    %dma_start3A_373 = tpu.memref_slice %arg3[%dma_start3A_372, %multiple_of3A_84] : memref<16x1000000xf32, #tpu.memory_space<hbm>> -> memref<16x128xf32, #tpu.memory_space<hbm>>
    %dma_start3A_374 = arith.constant 0 : i32
    %dma_start3A_375 = arith.constant 0 : i32
    %dma_start3A_376 = tpu.memref_slice %arg6[%dma_start3A_367, %dma_start3A_374, %dma_start3A_375] : memref<32x16x128xf32, #tpu.memory_space<vmem>> -> memref<1x16x128xf32, #tpu.memory_space<vmem>>
    %dma_start3A_377 = tpu.memref_squeeze %dma_start3A_376 : memref<1x16x128xf32, #tpu.memory_space<vmem>> -> memref<16x128xf32, #tpu.memory_space<vmem>>
    %dma_start3A_378 = arith.constant 0 : i32
    %dma_start3A_379 = tpu.memref_slice %arg3[%dma_start3A_378, %multiple_of3A_84] : memref<16x1000000xf32, #tpu.memory_space<hbm>> -> memref<16x128xf32, #tpu.memory_space<hbm>>
    tpu.enqueue_dma source(%dma_start3A_379 : memref<16x128xf32, #tpu.memory_space<hbm>>) target(%dma_start3A_377 : memref<16x128xf32, #tpu.memory_space<vmem>>) target_semaphore(%arg11 : memref<!tpu.dma_semaphore, #tpu.memory_space<semaphore_mem>>)
    %dma_start3A_380 = arith.constant 12 : i32
    %dma_start3A_381 = arith.constant 0 : i32
    %dma_start3A_382 = arith.constant 0 : i32
    %dma_start3A_383 = tpu.memref_slice %arg6[%dma_start3A_380, %dma_start3A_381, %dma_start3A_382] : memref<32x16x128xf32, #tpu.memory_space<vmem>> -> memref<1x16x128xf32, #tpu.memory_space<vmem>>
    %dma_start3A_384 = tpu.memref_squeeze %dma_start3A_383 : memref<1x16x128xf32, #tpu.memory_space<vmem>> -> memref<16x128xf32, #tpu.memory_space<vmem>>
    %dma_start3A_385 = arith.constant 0 : i32
    %dma_start3A_386 = tpu.memref_slice %arg3[%dma_start3A_385, %multiple_of3A_91] : memref<16x1000000xf32, #tpu.memory_space<hbm>> -> memref<16x128xf32, #tpu.memory_space<hbm>>
    %dma_start3A_387 = arith.constant 0 : i32
    %dma_start3A_388 = arith.constant 0 : i32
    %dma_start3A_389 = tpu.memref_slice %arg6[%dma_start3A_380, %dma_start3A_387, %dma_start3A_388] : memref<32x16x128xf32, #tpu.memory_space<vmem>> -> memref<1x16x128xf32, #tpu.memory_space<vmem>>
    %dma_start3A_390 = tpu.memref_squeeze %dma_start3A_389 : memref<1x16x128xf32, #tpu.memory_space<vmem>> -> memref<16x128xf32, #tpu.memory_space<vmem>>
    %dma_start3A_391 = arith.constant 0 : i32
    %dma_start3A_392 = tpu.memref_slice %arg3[%dma_start3A_391, %multiple_of3A_91] : memref<16x1000000xf32, #tpu.memory_space<hbm>> -> memref<16x128xf32, #tpu.memory_space<hbm>>
    tpu.enqueue_dma source(%dma_start3A_392 : memref<16x128xf32, #tpu.memory_space<hbm>>) target(%dma_start3A_390 : memref<16x128xf32, #tpu.memory_space<vmem>>) target_semaphore(%arg11 : memref<!tpu.dma_semaphore, #tpu.memory_space<semaphore_mem>>)
    %dma_start3A_393 = arith.constant 13 : i32
    %dma_start3A_394 = arith.constant 0 : i32
    %dma_start3A_395 = arith.constant 0 : i32
    %dma_start3A_396 = tpu.memref_slice %arg6[%dma_start3A_393, %dma_start3A_394, %dma_start3A_395] : memref<32x16x128xf32, #tpu.memory_space<vmem>> -> memref<1x16x128xf32, #tpu.memory_space<vmem>>
    %dma_start3A_397 = tpu.memref_squeeze %dma_start3A_396 : memref<1x16x128xf32, #tpu.memory_space<vmem>> -> memref<16x128xf32, #tpu.memory_space<vmem>>
    %dma_start3A_398 = arith.constant 0 : i32
    %dma_start3A_399 = tpu.memref_slice %arg3[%dma_start3A_398, %multiple_of3A_98] : memref<16x1000000xf32, #tpu.memory_space<hbm>> -> memref<16x128xf32, #tpu.memory_space<hbm>>
    %dma_start3A_400 = arith.constant 0 : i32
    %dma_start3A_401 = arith.constant 0 : i32
    %dma_start3A_402 = tpu.memref_slice %arg6[%dma_start3A_393, %dma_start3A_400, %dma_start3A_401] : memref<32x16x128xf32, #tpu.memory_space<vmem>> -> memref<1x16x128xf32, #tpu.memory_space<vmem>>
    %dma_start3A_403 = tpu.memref_squeeze %dma_start3A_402 : memref<1x16x128xf32, #tpu.memory_space<vmem>> -> memref<16x128xf32, #tpu.memory_space<vmem>>
    %dma_start3A_404 = arith.constant 0 : i32
    %dma_start3A_405 = tpu.memref_slice %arg3[%dma_start3A_404, %multiple_of3A_98] : memref<16x1000000xf32, #tpu.memory_space<hbm>> -> memref<16x128xf32, #tpu.memory_space<hbm>>
    tpu.enqueue_dma source(%dma_start3A_405 : memref<16x128xf32, #tpu.memory_space<hbm>>) target(%dma_start3A_403 : memref<16x128xf32, #tpu.memory_space<vmem>>) target_semaphore(%arg11 : memref<!tpu.dma_semaphore, #tpu.memory_space<semaphore_mem>>)
    %dma_start3A_406 = arith.constant 14 : i32
    %dma_start3A_407 = arith.constant 0 : i32
    %dma_start3A_408 = arith.constant 0 : i32
    %dma_start3A_409 = tpu.memref_slice %arg6[%dma_start3A_406, %dma_start3A_407, %dma_start3A_408] : memref<32x16x128xf32, #tpu.memory_space<vmem>> -> memref<1x16x128xf32, #tpu.memory_space<vmem>>
    %dma_start3A_410 = tpu.memref_squeeze %dma_start3A_409 : memref<1x16x128xf32, #tpu.memory_space<vmem>> -> memref<16x128xf32, #tpu.memory_space<vmem>>
    %dma_start3A_411 = arith.constant 0 : i32
    %dma_start3A_412 = tpu.memref_slice %arg3[%dma_start3A_411, %multiple_of3A_105] : memref<16x1000000xf32, #tpu.memory_space<hbm>> -> memref<16x128xf32, #tpu.memory_space<hbm>>
    %dma_start3A_413 = arith.constant 0 : i32
    %dma_start3A_414 = arith.constant 0 : i32
    %dma_start3A_415 = tpu.memref_slice %arg6[%dma_start3A_406, %dma_start3A_413, %dma_start3A_414] : memref<32x16x128xf32, #tpu.memory_space<vmem>> -> memref<1x16x128xf32, #tpu.memory_space<vmem>>
    %dma_start3A_416 = tpu.memref_squeeze %dma_start3A_415 : memref<1x16x128xf32, #tpu.memory_space<vmem>> -> memref<16x128xf32, #tpu.memory_space<vmem>>
    %dma_start3A_417 = arith.constant 0 : i32
    %dma_start3A_418 = tpu.memref_slice %arg3[%dma_start3A_417, %multiple_of3A_105] : memref<16x1000000xf32, #tpu.memory_space<hbm>> -> memref<16x128xf32, #tpu.memory_space<hbm>>
    tpu.enqueue_dma source(%dma_start3A_418 : memref<16x128xf32, #tpu.memory_space<hbm>>) target(%dma_start3A_416 : memref<16x128xf32, #tpu.memory_space<vmem>>) target_semaphore(%arg11 : memref<!tpu.dma_semaphore, #tpu.memory_space<semaphore_mem>>)
    %dma_start3A_419 = arith.constant 15 : i32
    %dma_start3A_420 = arith.constant 0 : i32
    %dma_start3A_421 = arith.constant 0 : i32
    %dma_start3A_422 = tpu.memref_slice %arg6[%dma_start3A_419, %dma_start3A_420, %dma_start3A_421] : memref<32x16x128xf32, #tpu.memory_space<vmem>> -> memref<1x16x128xf32, #tpu.memory_space<vmem>>
    %dma_start3A_423 = tpu.memref_squeeze %dma_start3A_422 : memref<1x16x128xf32, #tpu.memory_space<vmem>> -> memref<16x128xf32, #tpu.memory_space<vmem>>
    %dma_start3A_424 = arith.constant 0 : i32
    %dma_start3A_425 = tpu.memref_slice %arg3[%dma_start3A_424, %multiple_of3A_112] : memref<16x1000000xf32, #tpu.memory_space<hbm>> -> memref<16x128xf32, #tpu.memory_space<hbm>>
    %dma_start3A_426 = arith.constant 0 : i32
    %dma_start3A_427 = arith.constant 0 : i32
    %dma_start3A_428 = tpu.memref_slice %arg6[%dma_start3A_419, %dma_start3A_426, %dma_start3A_427] : memref<32x16x128xf32, #tpu.memory_space<vmem>> -> memref<1x16x128xf32, #tpu.memory_space<vmem>>
    %dma_start3A_429 = tpu.memref_squeeze %dma_start3A_428 : memref<1x16x128xf32, #tpu.memory_space<vmem>> -> memref<16x128xf32, #tpu.memory_space<vmem>>
    %dma_start3A_430 = arith.constant 0 : i32
    %dma_start3A_431 = tpu.memref_slice %arg3[%dma_start3A_430, %multiple_of3A_112] : memref<16x1000000xf32, #tpu.memory_space<hbm>> -> memref<16x128xf32, #tpu.memory_space<hbm>>
    tpu.enqueue_dma source(%dma_start3A_431 : memref<16x128xf32, #tpu.memory_space<hbm>>) target(%dma_start3A_429 : memref<16x128xf32, #tpu.memory_space<vmem>>) target_semaphore(%arg11 : memref<!tpu.dma_semaphore, #tpu.memory_space<semaphore_mem>>)
    %dma_start3A_432 = arith.constant 16 : i32
    %dma_start3A_433 = arith.constant 0 : i32
    %dma_start3A_434 = arith.constant 0 : i32
    %dma_start3A_435 = tpu.memref_slice %arg6[%dma_start3A_432, %dma_start3A_433, %dma_start3A_434] : memref<32x16x128xf32, #tpu.memory_space<vmem>> -> memref<1x16x128xf32, #tpu.memory_space<vmem>>
    %dma_start3A_436 = tpu.memref_squeeze %dma_start3A_435 : memref<1x16x128xf32, #tpu.memory_space<vmem>> -> memref<16x128xf32, #tpu.memory_space<vmem>>
    %dma_start3A_437 = arith.constant 0 : i32
    %dma_start3A_438 = tpu.memref_slice %arg3[%dma_start3A_437, %multiple_of3A_119] : memref<16x1000000xf32, #tpu.memory_space<hbm>> -> memref<16x128xf32, #tpu.memory_space<hbm>>
    %dma_start3A_439 = arith.constant 0 : i32
    %dma_start3A_440 = arith.constant 0 : i32
    %dma_start3A_441 = tpu.memref_slice %arg6[%dma_start3A_432, %dma_start3A_439, %dma_start3A_440] : memref<32x16x128xf32, #tpu.memory_space<vmem>> -> memref<1x16x128xf32, #tpu.memory_space<vmem>>
    %dma_start3A_442 = tpu.memref_squeeze %dma_start3A_441 : memref<1x16x128xf32, #tpu.memory_space<vmem>> -> memref<16x128xf32, #tpu.memory_space<vmem>>
    %dma_start3A_443 = arith.constant 0 : i32
    %dma_start3A_444 = tpu.memref_slice %arg3[%dma_start3A_443, %multiple_of3A_119] : memref<16x1000000xf32, #tpu.memory_space<hbm>> -> memref<16x128xf32, #tpu.memory_space<hbm>>
    tpu.enqueue_dma source(%dma_start3A_444 : memref<16x128xf32, #tpu.memory_space<hbm>>) target(%dma_start3A_442 : memref<16x128xf32, #tpu.memory_space<vmem>>) target_semaphore(%arg11 : memref<!tpu.dma_semaphore, #tpu.memory_space<semaphore_mem>>)
    %dma_start3A_445 = arith.constant 17 : i32
    %dma_start3A_446 = arith.constant 0 : i32
    %dma_start3A_447 = arith.constant 0 : i32
    %dma_start3A_448 = tpu.memref_slice %arg6[%dma_start3A_445, %dma_start3A_446, %dma_start3A_447] : memref<32x16x128xf32, #tpu.memory_space<vmem>> -> memref<1x16x128xf32, #tpu.memory_space<vmem>>
    %dma_start3A_449 = tpu.memref_squeeze %dma_start3A_448 : memref<1x16x128xf32, #tpu.memory_space<vmem>> -> memref<16x128xf32, #tpu.memory_space<vmem>>
    %dma_start3A_450 = arith.constant 0 : i32
    %dma_start3A_451 = tpu.memref_slice %arg3[%dma_start3A_450, %multiple_of3A_126] : memref<16x1000000xf32, #tpu.memory_space<hbm>> -> memref<16x128xf32, #tpu.memory_space<hbm>>
    %dma_start3A_452 = arith.constant 0 : i32
    %dma_start3A_453 = arith.constant 0 : i32
    %dma_start3A_454 = tpu.memref_slice %arg6[%dma_start3A_445, %dma_start3A_452, %dma_start3A_453] : memref<32x16x128xf32, #tpu.memory_space<vmem>> -> memref<1x16x128xf32, #tpu.memory_space<vmem>>
    %dma_start3A_455 = tpu.memref_squeeze %dma_start3A_454 : memref<1x16x128xf32, #tpu.memory_space<vmem>> -> memref<16x128xf32, #tpu.memory_space<vmem>>
    %dma_start3A_456 = arith.constant 0 : i32
    %dma_start3A_457 = tpu.memref_slice %arg3[%dma_start3A_456, %multiple_of3A_126] : memref<16x1000000xf32, #tpu.memory_space<hbm>> -> memref<16x128xf32, #tpu.memory_space<hbm>>
    tpu.enqueue_dma source(%dma_start3A_457 : memref<16x128xf32, #tpu.memory_space<hbm>>) target(%dma_start3A_455 : memref<16x128xf32, #tpu.memory_space<vmem>>) target_semaphore(%arg11 : memref<!tpu.dma_semaphore, #tpu.memory_space<semaphore_mem>>)
    %dma_start3A_458 = arith.constant 18 : i32
    %dma_start3A_459 = arith.constant 0 : i32
    %dma_start3A_460 = arith.constant 0 : i32
    %dma_start3A_461 = tpu.memref_slice %arg6[%dma_start3A_458, %dma_start3A_459, %dma_start3A_460] : memref<32x16x128xf32, #tpu.memory_space<vmem>> -> memref<1x16x128xf32, #tpu.memory_space<vmem>>
    %dma_start3A_462 = tpu.memref_squeeze %dma_start3A_461 : memref<1x16x128xf32, #tpu.memory_space<vmem>> -> memref<16x128xf32, #tpu.memory_space<vmem>>
    %dma_start3A_463 = arith.constant 0 : i32
    %dma_start3A_464 = tpu.memref_slice %arg3[%dma_start3A_463, %multiple_of3A_133] : memref<16x1000000xf32, #tpu.memory_space<hbm>> -> memref<16x128xf32, #tpu.memory_space<hbm>>
    %dma_start3A_465 = arith.constant 0 : i32
    %dma_start3A_466 = arith.constant 0 : i32
    %dma_start3A_467 = tpu.memref_slice %arg6[%dma_start3A_458, %dma_start3A_465, %dma_start3A_466] : memref<32x16x128xf32, #tpu.memory_space<vmem>> -> memref<1x16x128xf32, #tpu.memory_space<vmem>>
    %dma_start3A_468 = tpu.memref_squeeze %dma_start3A_467 : memref<1x16x128xf32, #tpu.memory_space<vmem>> -> memref<16x128xf32, #tpu.memory_space<vmem>>
    %dma_start3A_469 = arith.constant 0 : i32
    %dma_start3A_470 = tpu.memref_slice %arg3[%dma_start3A_469, %multiple_of3A_133] : memref<16x1000000xf32, #tpu.memory_space<hbm>> -> memref<16x128xf32, #tpu.memory_space<hbm>>
    tpu.enqueue_dma source(%dma_start3A_470 : memref<16x128xf32, #tpu.memory_space<hbm>>) target(%dma_start3A_468 : memref<16x128xf32, #tpu.memory_space<vmem>>) target_semaphore(%arg11 : memref<!tpu.dma_semaphore, #tpu.memory_space<semaphore_mem>>)
    %dma_start3A_471 = arith.constant 19 : i32
    %dma_start3A_472 = arith.constant 0 : i32
    %dma_start3A_473 = arith.constant 0 : i32
    %dma_start3A_474 = tpu.memref_slice %arg6[%dma_start3A_471, %dma_start3A_472, %dma_start3A_473] : memref<32x16x128xf32, #tpu.memory_space<vmem>> -> memref<1x16x128xf32, #tpu.memory_space<vmem>>
    %dma_start3A_475 = tpu.memref_squeeze %dma_start3A_474 : memref<1x16x128xf32, #tpu.memory_space<vmem>> -> memref<16x128xf32, #tpu.memory_space<vmem>>
    %dma_start3A_476 = arith.constant 0 : i32
    %dma_start3A_477 = tpu.memref_slice %arg3[%dma_start3A_476, %multiple_of3A_140] : memref<16x1000000xf32, #tpu.memory_space<hbm>> -> memref<16x128xf32, #tpu.memory_space<hbm>>
    %dma_start3A_478 = arith.constant 0 : i32
    %dma_start3A_479 = arith.constant 0 : i32
    %dma_start3A_480 = tpu.memref_slice %arg6[%dma_start3A_471, %dma_start3A_478, %dma_start3A_479] : memref<32x16x128xf32, #tpu.memory_space<vmem>> -> memref<1x16x128xf32, #tpu.memory_space<vmem>>
    %dma_start3A_481 = tpu.memref_squeeze %dma_start3A_480 : memref<1x16x128xf32, #tpu.memory_space<vmem>> -> memref<16x128xf32, #tpu.memory_space<vmem>>
    %dma_start3A_482 = arith.constant 0 : i32
    %dma_start3A_483 = tpu.memref_slice %arg3[%dma_start3A_482, %multiple_of3A_140] : memref<16x1000000xf32, #tpu.memory_space<hbm>> -> memref<16x128xf32, #tpu.memory_space<hbm>>
    tpu.enqueue_dma source(%dma_start3A_483 : memref<16x128xf32, #tpu.memory_space<hbm>>) target(%dma_start3A_481 : memref<16x128xf32, #tpu.memory_space<vmem>>) target_semaphore(%arg11 : memref<!tpu.dma_semaphore, #tpu.memory_space<semaphore_mem>>)
    %dma_start3A_484 = arith.constant 20 : i32
    %dma_start3A_485 = arith.constant 0 : i32
    %dma_start3A_486 = arith.constant 0 : i32
    %dma_start3A_487 = tpu.memref_slice %arg6[%dma_start3A_484, %dma_start3A_485, %dma_start3A_486] : memref<32x16x128xf32, #tpu.memory_space<vmem>> -> memref<1x16x128xf32, #tpu.memory_space<vmem>>
    %dma_start3A_488 = tpu.memref_squeeze %dma_start3A_487 : memref<1x16x128xf32, #tpu.memory_space<vmem>> -> memref<16x128xf32, #tpu.memory_space<vmem>>
    %dma_start3A_489 = arith.constant 0 : i32
    %dma_start3A_490 = tpu.memref_slice %arg3[%dma_start3A_489, %multiple_of3A_147] : memref<16x1000000xf32, #tpu.memory_space<hbm>> -> memref<16x128xf32, #tpu.memory_space<hbm>>
    %dma_start3A_491 = arith.constant 0 : i32
    %dma_start3A_492 = arith.constant 0 : i32
    %dma_start3A_493 = tpu.memref_slice %arg6[%dma_start3A_484, %dma_start3A_491, %dma_start3A_492] : memref<32x16x128xf32, #tpu.memory_space<vmem>> -> memref<1x16x128xf32, #tpu.memory_space<vmem>>
    %dma_start3A_494 = tpu.memref_squeeze %dma_start3A_493 : memref<1x16x128xf32, #tpu.memory_space<vmem>> -> memref<16x128xf32, #tpu.memory_space<vmem>>
    %dma_start3A_495 = arith.constant 0 : i32
    %dma_start3A_496 = tpu.memref_slice %arg3[%dma_start3A_495, %multiple_of3A_147] : memref<16x1000000xf32, #tpu.memory_space<hbm>> -> memref<16x128xf32, #tpu.memory_space<hbm>>
    tpu.enqueue_dma source(%dma_start3A_496 : memref<16x128xf32, #tpu.memory_space<hbm>>) target(%dma_start3A_494 : memref<16x128xf32, #tpu.memory_space<vmem>>) target_semaphore(%arg11 : memref<!tpu.dma_semaphore, #tpu.memory_space<semaphore_mem>>)
    %dma_start3A_497 = arith.constant 21 : i32
    %dma_start3A_498 = arith.constant 0 : i32
    %dma_start3A_499 = arith.constant 0 : i32
    %dma_start3A_500 = tpu.memref_slice %arg6[%dma_start3A_497, %dma_start3A_498, %dma_start3A_499] : memref<32x16x128xf32, #tpu.memory_space<vmem>> -> memref<1x16x128xf32, #tpu.memory_space<vmem>>
    %dma_start3A_501 = tpu.memref_squeeze %dma_start3A_500 : memref<1x16x128xf32, #tpu.memory_space<vmem>> -> memref<16x128xf32, #tpu.memory_space<vmem>>
    %dma_start3A_502 = arith.constant 0 : i32
    %dma_start3A_503 = tpu.memref_slice %arg3[%dma_start3A_502, %multiple_of3A_154] : memref<16x1000000xf32, #tpu.memory_space<hbm>> -> memref<16x128xf32, #tpu.memory_space<hbm>>
    %dma_start3A_504 = arith.constant 0 : i32
    %dma_start3A_505 = arith.constant 0 : i32
    %dma_start3A_506 = tpu.memref_slice %arg6[%dma_start3A_497, %dma_start3A_504, %dma_start3A_505] : memref<32x16x128xf32, #tpu.memory_space<vmem>> -> memref<1x16x128xf32, #tpu.memory_space<vmem>>
    %dma_start3A_507 = tpu.memref_squeeze %dma_start3A_506 : memref<1x16x128xf32, #tpu.memory_space<vmem>> -> memref<16x128xf32, #tpu.memory_space<vmem>>
    %dma_start3A_508 = arith.constant 0 : i32
    %dma_start3A_509 = tpu.memref_slice %arg3[%dma_start3A_508, %multiple_of3A_154] : memref<16x1000000xf32, #tpu.memory_space<hbm>> -> memref<16x128xf32, #tpu.memory_space<hbm>>
    tpu.enqueue_dma source(%dma_start3A_509 : memref<16x128xf32, #tpu.memory_space<hbm>>) target(%dma_start3A_507 : memref<16x128xf32, #tpu.memory_space<vmem>>) target_semaphore(%arg11 : memref<!tpu.dma_semaphore, #tpu.memory_space<semaphore_mem>>)
    %dma_start3A_510 = arith.constant 22 : i32
    %dma_start3A_511 = arith.constant 0 : i32
    %dma_start3A_512 = arith.constant 0 : i32
    %dma_start3A_513 = tpu.memref_slice %arg6[%dma_start3A_510, %dma_start3A_511, %dma_start3A_512] : memref<32x16x128xf32, #tpu.memory_space<vmem>> -> memref<1x16x128xf32, #tpu.memory_space<vmem>>
    %dma_start3A_514 = tpu.memref_squeeze %dma_start3A_513 : memref<1x16x128xf32, #tpu.memory_space<vmem>> -> memref<16x128xf32, #tpu.memory_space<vmem>>
    %dma_start3A_515 = arith.constant 0 : i32
    %dma_start3A_516 = tpu.memref_slice %arg3[%dma_start3A_515, %multiple_of3A_161] : memref<16x1000000xf32, #tpu.memory_space<hbm>> -> memref<16x128xf32, #tpu.memory_space<hbm>>
    %dma_start3A_517 = arith.constant 0 : i32
    %dma_start3A_518 = arith.constant 0 : i32
    %dma_start3A_519 = tpu.memref_slice %arg6[%dma_start3A_510, %dma_start3A_517, %dma_start3A_518] : memref<32x16x128xf32, #tpu.memory_space<vmem>> -> memref<1x16x128xf32, #tpu.memory_space<vmem>>
    %dma_start3A_520 = tpu.memref_squeeze %dma_start3A_519 : memref<1x16x128xf32, #tpu.memory_space<vmem>> -> memref<16x128xf32, #tpu.memory_space<vmem>>
    %dma_start3A_521 = arith.constant 0 : i32
    %dma_start3A_522 = tpu.memref_slice %arg3[%dma_start3A_521, %multiple_of3A_161] : memref<16x1000000xf32, #tpu.memory_space<hbm>> -> memref<16x128xf32, #tpu.memory_space<hbm>>
    tpu.enqueue_dma source(%dma_start3A_522 : memref<16x128xf32, #tpu.memory_space<hbm>>) target(%dma_start3A_520 : memref<16x128xf32, #tpu.memory_space<vmem>>) target_semaphore(%arg11 : memref<!tpu.dma_semaphore, #tpu.memory_space<semaphore_mem>>)
    %dma_start3A_523 = arith.constant 23 : i32
    %dma_start3A_524 = arith.constant 0 : i32
    %dma_start3A_525 = arith.constant 0 : i32
    %dma_start3A_526 = tpu.memref_slice %arg6[%dma_start3A_523, %dma_start3A_524, %dma_start3A_525] : memref<32x16x128xf32, #tpu.memory_space<vmem>> -> memref<1x16x128xf32, #tpu.memory_space<vmem>>
    %dma_start3A_527 = tpu.memref_squeeze %dma_start3A_526 : memref<1x16x128xf32, #tpu.memory_space<vmem>> -> memref<16x128xf32, #tpu.memory_space<vmem>>
    %dma_start3A_528 = arith.constant 0 : i32
    %dma_start3A_529 = tpu.memref_slice %arg3[%dma_start3A_528, %multiple_of3A_168] : memref<16x1000000xf32, #tpu.memory_space<hbm>> -> memref<16x128xf32, #tpu.memory_space<hbm>>
    %dma_start3A_530 = arith.constant 0 : i32
    %dma_start3A_531 = arith.constant 0 : i32
    %dma_start3A_532 = tpu.memref_slice %arg6[%dma_start3A_523, %dma_start3A_530, %dma_start3A_531] : memref<32x16x128xf32, #tpu.memory_space<vmem>> -> memref<1x16x128xf32, #tpu.memory_space<vmem>>
    %dma_start3A_533 = tpu.memref_squeeze %dma_start3A_532 : memref<1x16x128xf32, #tpu.memory_space<vmem>> -> memref<16x128xf32, #tpu.memory_space<vmem>>
    %dma_start3A_534 = arith.constant 0 : i32
    %dma_start3A_535 = tpu.memref_slice %arg3[%dma_start3A_534, %multiple_of3A_168] : memref<16x1000000xf32, #tpu.memory_space<hbm>> -> memref<16x128xf32, #tpu.memory_space<hbm>>
    tpu.enqueue_dma source(%dma_start3A_535 : memref<16x128xf32, #tpu.memory_space<hbm>>) target(%dma_start3A_533 : memref<16x128xf32, #tpu.memory_space<vmem>>) target_semaphore(%arg11 : memref<!tpu.dma_semaphore, #tpu.memory_space<semaphore_mem>>)
    %dma_start3A_536 = arith.constant 24 : i32
    %dma_start3A_537 = arith.constant 0 : i32
    %dma_start3A_538 = arith.constant 0 : i32
    %dma_start3A_539 = tpu.memref_slice %arg6[%dma_start3A_536, %dma_start3A_537, %dma_start3A_538] : memref<32x16x128xf32, #tpu.memory_space<vmem>> -> memref<1x16x128xf32, #tpu.memory_space<vmem>>
    %dma_start3A_540 = tpu.memref_squeeze %dma_start3A_539 : memref<1x16x128xf32, #tpu.memory_space<vmem>> -> memref<16x128xf32, #tpu.memory_space<vmem>>
    %dma_start3A_541 = arith.constant 0 : i32
    %dma_start3A_542 = tpu.memref_slice %arg3[%dma_start3A_541, %multiple_of3A_175] : memref<16x1000000xf32, #tpu.memory_space<hbm>> -> memref<16x128xf32, #tpu.memory_space<hbm>>
    %dma_start3A_543 = arith.constant 0 : i32
    %dma_start3A_544 = arith.constant 0 : i32
    %dma_start3A_545 = tpu.memref_slice %arg6[%dma_start3A_536, %dma_start3A_543, %dma_start3A_544] : memref<32x16x128xf32, #tpu.memory_space<vmem>> -> memref<1x16x128xf32, #tpu.memory_space<vmem>>
    %dma_start3A_546 = tpu.memref_squeeze %dma_start3A_545 : memref<1x16x128xf32, #tpu.memory_space<vmem>> -> memref<16x128xf32, #tpu.memory_space<vmem>>
    %dma_start3A_547 = arith.constant 0 : i32
    %dma_start3A_548 = tpu.memref_slice %arg3[%dma_start3A_547, %multiple_of3A_175] : memref<16x1000000xf32, #tpu.memory_space<hbm>> -> memref<16x128xf32, #tpu.memory_space<hbm>>
    tpu.enqueue_dma source(%dma_start3A_548 : memref<16x128xf32, #tpu.memory_space<hbm>>) target(%dma_start3A_546 : memref<16x128xf32, #tpu.memory_space<vmem>>) target_semaphore(%arg11 : memref<!tpu.dma_semaphore, #tpu.memory_space<semaphore_mem>>)
    %dma_start3A_549 = arith.constant 25 : i32
    %dma_start3A_550 = arith.constant 0 : i32
    %dma_start3A_551 = arith.constant 0 : i32
    %dma_start3A_552 = tpu.memref_slice %arg6[%dma_start3A_549, %dma_start3A_550, %dma_start3A_551] : memref<32x16x128xf32, #tpu.memory_space<vmem>> -> memref<1x16x128xf32, #tpu.memory_space<vmem>>
    %dma_start3A_553 = tpu.memref_squeeze %dma_start3A_552 : memref<1x16x128xf32, #tpu.memory_space<vmem>> -> memref<16x128xf32, #tpu.memory_space<vmem>>
    %dma_start3A_554 = arith.constant 0 : i32
    %dma_start3A_555 = tpu.memref_slice %arg3[%dma_start3A_554, %multiple_of3A_182] : memref<16x1000000xf32, #tpu.memory_space<hbm>> -> memref<16x128xf32, #tpu.memory_space<hbm>>
    %dma_start3A_556 = arith.constant 0 : i32
    %dma_start3A_557 = arith.constant 0 : i32
    %dma_start3A_558 = tpu.memref_slice %arg6[%dma_start3A_549, %dma_start3A_556, %dma_start3A_557] : memref<32x16x128xf32, #tpu.memory_space<vmem>> -> memref<1x16x128xf32, #tpu.memory_space<vmem>>
    %dma_start3A_559 = tpu.memref_squeeze %dma_start3A_558 : memref<1x16x128xf32, #tpu.memory_space<vmem>> -> memref<16x128xf32, #tpu.memory_space<vmem>>
    %dma_start3A_560 = arith.constant 0 : i32
    %dma_start3A_561 = tpu.memref_slice %arg3[%dma_start3A_560, %multiple_of3A_182] : memref<16x1000000xf32, #tpu.memory_space<hbm>> -> memref<16x128xf32, #tpu.memory_space<hbm>>
    tpu.enqueue_dma source(%dma_start3A_561 : memref<16x128xf32, #tpu.memory_space<hbm>>) target(%dma_start3A_559 : memref<16x128xf32, #tpu.memory_space<vmem>>) target_semaphore(%arg11 : memref<!tpu.dma_semaphore, #tpu.memory_space<semaphore_mem>>)
    %dma_start3A_562 = arith.constant 26 : i32
    %dma_start3A_563 = arith.constant 0 : i32
    %dma_start3A_564 = arith.constant 0 : i32
    %dma_start3A_565 = tpu.memref_slice %arg6[%dma_start3A_562, %dma_start3A_563, %dma_start3A_564] : memref<32x16x128xf32, #tpu.memory_space<vmem>> -> memref<1x16x128xf32, #tpu.memory_space<vmem>>
    %dma_start3A_566 = tpu.memref_squeeze %dma_start3A_565 : memref<1x16x128xf32, #tpu.memory_space<vmem>> -> memref<16x128xf32, #tpu.memory_space<vmem>>
    %dma_start3A_567 = arith.constant 0 : i32
    %dma_start3A_568 = tpu.memref_slice %arg3[%dma_start3A_567, %multiple_of3A_189] : memref<16x1000000xf32, #tpu.memory_space<hbm>> -> memref<16x128xf32, #tpu.memory_space<hbm>>
    %dma_start3A_569 = arith.constant 0 : i32
    %dma_start3A_570 = arith.constant 0 : i32
    %dma_start3A_571 = tpu.memref_slice %arg6[%dma_start3A_562, %dma_start3A_569, %dma_start3A_570] : memref<32x16x128xf32, #tpu.memory_space<vmem>> -> memref<1x16x128xf32, #tpu.memory_space<vmem>>
    %dma_start3A_572 = tpu.memref_squeeze %dma_start3A_571 : memref<1x16x128xf32, #tpu.memory_space<vmem>> -> memref<16x128xf32, #tpu.memory_space<vmem>>
    %dma_start3A_573 = arith.constant 0 : i32
    %dma_start3A_574 = tpu.memref_slice %arg3[%dma_start3A_573, %multiple_of3A_189] : memref<16x1000000xf32, #tpu.memory_space<hbm>> -> memref<16x128xf32, #tpu.memory_space<hbm>>
    tpu.enqueue_dma source(%dma_start3A_574 : memref<16x128xf32, #tpu.memory_space<hbm>>) target(%dma_start3A_572 : memref<16x128xf32, #tpu.memory_space<vmem>>) target_semaphore(%arg11 : memref<!tpu.dma_semaphore, #tpu.memory_space<semaphore_mem>>)
    %dma_start3A_575 = arith.constant 27 : i32
    %dma_start3A_576 = arith.constant 0 : i32
    %dma_start3A_577 = arith.constant 0 : i32
    %dma_start3A_578 = tpu.memref_slice %arg6[%dma_start3A_575, %dma_start3A_576, %dma_start3A_577] : memref<32x16x128xf32, #tpu.memory_space<vmem>> -> memref<1x16x128xf32, #tpu.memory_space<vmem>>
    %dma_start3A_579 = tpu.memref_squeeze %dma_start3A_578 : memref<1x16x128xf32, #tpu.memory_space<vmem>> -> memref<16x128xf32, #tpu.memory_space<vmem>>
    %dma_start3A_580 = arith.constant 0 : i32
    %dma_start3A_581 = tpu.memref_slice %arg3[%dma_start3A_580, %multiple_of3A_196] : memref<16x1000000xf32, #tpu.memory_space<hbm>> -> memref<16x128xf32, #tpu.memory_space<hbm>>
    %dma_start3A_582 = arith.constant 0 : i32
    %dma_start3A_583 = arith.constant 0 : i32
    %dma_start3A_584 = tpu.memref_slice %arg6[%dma_start3A_575, %dma_start3A_582, %dma_start3A_583] : memref<32x16x128xf32, #tpu.memory_space<vmem>> -> memref<1x16x128xf32, #tpu.memory_space<vmem>>
    %dma_start3A_585 = tpu.memref_squeeze %dma_start3A_584 : memref<1x16x128xf32, #tpu.memory_space<vmem>> -> memref<16x128xf32, #tpu.memory_space<vmem>>
    %dma_start3A_586 = arith.constant 0 : i32
    %dma_start3A_587 = tpu.memref_slice %arg3[%dma_start3A_586, %multiple_of3A_196] : memref<16x1000000xf32, #tpu.memory_space<hbm>> -> memref<16x128xf32, #tpu.memory_space<hbm>>
    tpu.enqueue_dma source(%dma_start3A_587 : memref<16x128xf32, #tpu.memory_space<hbm>>) target(%dma_start3A_585 : memref<16x128xf32, #tpu.memory_space<vmem>>) target_semaphore(%arg11 : memref<!tpu.dma_semaphore, #tpu.memory_space<semaphore_mem>>)
    %dma_start3A_588 = arith.constant 28 : i32
    %dma_start3A_589 = arith.constant 0 : i32
    %dma_start3A_590 = arith.constant 0 : i32
    %dma_start3A_591 = tpu.memref_slice %arg6[%dma_start3A_588, %dma_start3A_589, %dma_start3A_590] : memref<32x16x128xf32, #tpu.memory_space<vmem>> -> memref<1x16x128xf32, #tpu.memory_space<vmem>>
    %dma_start3A_592 = tpu.memref_squeeze %dma_start3A_591 : memref<1x16x128xf32, #tpu.memory_space<vmem>> -> memref<16x128xf32, #tpu.memory_space<vmem>>
    %dma_start3A_593 = arith.constant 0 : i32
    %dma_start3A_594 = tpu.memref_slice %arg3[%dma_start3A_593, %multiple_of3A_203] : memref<16x1000000xf32, #tpu.memory_space<hbm>> -> memref<16x128xf32, #tpu.memory_space<hbm>>
    %dma_start3A_595 = arith.constant 0 : i32
    %dma_start3A_596 = arith.constant 0 : i32
    %dma_start3A_597 = tpu.memref_slice %arg6[%dma_start3A_588, %dma_start3A_595, %dma_start3A_596] : memref<32x16x128xf32, #tpu.memory_space<vmem>> -> memref<1x16x128xf32, #tpu.memory_space<vmem>>
    %dma_start3A_598 = tpu.memref_squeeze %dma_start3A_597 : memref<1x16x128xf32, #tpu.memory_space<vmem>> -> memref<16x128xf32, #tpu.memory_space<vmem>>
    %dma_start3A_599 = arith.constant 0 : i32
    %dma_start3A_600 = tpu.memref_slice %arg3[%dma_start3A_599, %multiple_of3A_203] : memref<16x1000000xf32, #tpu.memory_space<hbm>> -> memref<16x128xf32, #tpu.memory_space<hbm>>
    tpu.enqueue_dma source(%dma_start3A_600 : memref<16x128xf32, #tpu.memory_space<hbm>>) target(%dma_start3A_598 : memref<16x128xf32, #tpu.memory_space<vmem>>) target_semaphore(%arg11 : memref<!tpu.dma_semaphore, #tpu.memory_space<semaphore_mem>>)
    %dma_start3A_601 = arith.constant 29 : i32
    %dma_start3A_602 = arith.constant 0 : i32
    %dma_start3A_603 = arith.constant 0 : i32
    %dma_start3A_604 = tpu.memref_slice %arg6[%dma_start3A_601, %dma_start3A_602, %dma_start3A_603] : memref<32x16x128xf32, #tpu.memory_space<vmem>> -> memref<1x16x128xf32, #tpu.memory_space<vmem>>
    %dma_start3A_605 = tpu.memref_squeeze %dma_start3A_604 : memref<1x16x128xf32, #tpu.memory_space<vmem>> -> memref<16x128xf32, #tpu.memory_space<vmem>>
    %dma_start3A_606 = arith.constant 0 : i32
    %dma_start3A_607 = tpu.memref_slice %arg3[%dma_start3A_606, %multiple_of3A_210] : memref<16x1000000xf32, #tpu.memory_space<hbm>> -> memref<16x128xf32, #tpu.memory_space<hbm>>
    %dma_start3A_608 = arith.constant 0 : i32
    %dma_start3A_609 = arith.constant 0 : i32
    %dma_start3A_610 = tpu.memref_slice %arg6[%dma_start3A_601, %dma_start3A_608, %dma_start3A_609] : memref<32x16x128xf32, #tpu.memory_space<vmem>> -> memref<1x16x128xf32, #tpu.memory_space<vmem>>
    %dma_start3A_611 = tpu.memref_squeeze %dma_start3A_610 : memref<1x16x128xf32, #tpu.memory_space<vmem>> -> memref<16x128xf32, #tpu.memory_space<vmem>>
    %dma_start3A_612 = arith.constant 0 : i32
    %dma_start3A_613 = tpu.memref_slice %arg3[%dma_start3A_612, %multiple_of3A_210] : memref<16x1000000xf32, #tpu.memory_space<hbm>> -> memref<16x128xf32, #tpu.memory_space<hbm>>
    tpu.enqueue_dma source(%dma_start3A_613 : memref<16x128xf32, #tpu.memory_space<hbm>>) target(%dma_start3A_611 : memref<16x128xf32, #tpu.memory_space<vmem>>) target_semaphore(%arg11 : memref<!tpu.dma_semaphore, #tpu.memory_space<semaphore_mem>>)
    %dma_start3A_614 = arith.constant 30 : i32
    %dma_start3A_615 = arith.constant 0 : i32
    %dma_start3A_616 = arith.constant 0 : i32
    %dma_start3A_617 = tpu.memref_slice %arg6[%dma_start3A_614, %dma_start3A_615, %dma_start3A_616] : memref<32x16x128xf32, #tpu.memory_space<vmem>> -> memref<1x16x128xf32, #tpu.memory_space<vmem>>
    %dma_start3A_618 = tpu.memref_squeeze %dma_start3A_617 : memref<1x16x128xf32, #tpu.memory_space<vmem>> -> memref<16x128xf32, #tpu.memory_space<vmem>>
    %dma_start3A_619 = arith.constant 0 : i32
    %dma_start3A_620 = tpu.memref_slice %arg3[%dma_start3A_619, %multiple_of3A_217] : memref<16x1000000xf32, #tpu.memory_space<hbm>> -> memref<16x128xf32, #tpu.memory_space<hbm>>
    %dma_start3A_621 = arith.constant 0 : i32
    %dma_start3A_622 = arith.constant 0 : i32
    %dma_start3A_623 = tpu.memref_slice %arg6[%dma_start3A_614, %dma_start3A_621, %dma_start3A_622] : memref<32x16x128xf32, #tpu.memory_space<vmem>> -> memref<1x16x128xf32, #tpu.memory_space<vmem>>
    %dma_start3A_624 = tpu.memref_squeeze %dma_start3A_623 : memref<1x16x128xf32, #tpu.memory_space<vmem>> -> memref<16x128xf32, #tpu.memory_space<vmem>>
    %dma_start3A_625 = arith.constant 0 : i32
    %dma_start3A_626 = tpu.memref_slice %arg3[%dma_start3A_625, %multiple_of3A_217] : memref<16x1000000xf32, #tpu.memory_space<hbm>> -> memref<16x128xf32, #tpu.memory_space<hbm>>
    tpu.enqueue_dma source(%dma_start3A_626 : memref<16x128xf32, #tpu.memory_space<hbm>>) target(%dma_start3A_624 : memref<16x128xf32, #tpu.memory_space<vmem>>) target_semaphore(%arg11 : memref<!tpu.dma_semaphore, #tpu.memory_space<semaphore_mem>>)
    %dma_start3A_627 = arith.constant 31 : i32
    %dma_start3A_628 = arith.constant 0 : i32
    %dma_start3A_629 = arith.constant 0 : i32
    %dma_start3A_630 = tpu.memref_slice %arg6[%dma_start3A_627, %dma_start3A_628, %dma_start3A_629] : memref<32x16x128xf32, #tpu.memory_space<vmem>> -> memref<1x16x128xf32, #tpu.memory_space<vmem>>
    %dma_start3A_631 = tpu.memref_squeeze %dma_start3A_630 : memref<1x16x128xf32, #tpu.memory_space<vmem>> -> memref<16x128xf32, #tpu.memory_space<vmem>>
    %dma_start3A_632 = arith.constant 0 : i32
    %dma_start3A_633 = tpu.memref_slice %arg3[%dma_start3A_632, %multiple_of3A_224] : memref<16x1000000xf32, #tpu.memory_space<hbm>> -> memref<16x128xf32, #tpu.memory_space<hbm>>
    %dma_start3A_634 = arith.constant 0 : i32
    %dma_start3A_635 = arith.constant 0 : i32
    %dma_start3A_636 = tpu.memref_slice %arg6[%dma_start3A_627, %dma_start3A_634, %dma_start3A_635] : memref<32x16x128xf32, #tpu.memory_space<vmem>> -> memref<1x16x128xf32, #tpu.memory_space<vmem>>
    %dma_start3A_637 = tpu.memref_squeeze %dma_start3A_636 : memref<1x16x128xf32, #tpu.memory_space<vmem>> -> memref<16x128xf32, #tpu.memory_space<vmem>>
    %dma_start3A_638 = arith.constant 0 : i32
    %dma_start3A_639 = tpu.memref_slice %arg3[%dma_start3A_638, %multiple_of3A_224] : memref<16x1000000xf32, #tpu.memory_space<hbm>> -> memref<16x128xf32, #tpu.memory_space<hbm>>
    tpu.enqueue_dma source(%dma_start3A_639 : memref<16x128xf32, #tpu.memory_space<hbm>>) target(%dma_start3A_637 : memref<16x128xf32, #tpu.memory_space<vmem>>) target_semaphore(%arg11 : memref<!tpu.dma_semaphore, #tpu.memory_space<semaphore_mem>>)
    %dma_wait3A = arith.constant 0 : i32
    %dma_wait3A_640 = arith.constant 0 : i32
    %dma_wait3A_641 = arith.constant 0 : i32
    %dma_wait3A_642 = tpu.memref_slice %arg6[%dma_wait3A, %dma_wait3A_640, %dma_wait3A_641] : memref<32x16x128xf32, #tpu.memory_space<vmem>> -> memref<1x16x128xf32, #tpu.memory_space<vmem>>
    %dma_wait3A_643 = tpu.memref_squeeze %dma_wait3A_642 : memref<1x16x128xf32, #tpu.memory_space<vmem>> -> memref<16x128xf32, #tpu.memory_space<vmem>>
    %dma_wait3A_644 = arith.constant 0 : i32
    %dma_wait3A_645 = tpu.memref_slice %arg3[%dma_wait3A_644, %multiple_of3A] : memref<16x1000000xf32, #tpu.memory_space<hbm>> -> memref<16x128xf32, #tpu.memory_space<hbm>>
    %dma_wait3A_646 = arith.constant 0 : i32
    %dma_wait3A_647 = arith.constant 0 : i32
    %dma_wait3A_648 = tpu.memref_slice %arg6[%dma_wait3A, %dma_wait3A_646, %dma_wait3A_647] : memref<32x16x128xf32, #tpu.memory_space<vmem>> -> memref<1x16x128xf32, #tpu.memory_space<vmem>>
    %dma_wait3A_649 = tpu.memref_squeeze %dma_wait3A_648 : memref<1x16x128xf32, #tpu.memory_space<vmem>> -> memref<16x128xf32, #tpu.memory_space<vmem>>
    %dma_wait3A_650 = arith.constant 0 : i32
    %dma_wait3A_651 = tpu.memref_slice %arg3[%dma_wait3A_650, %multiple_of3A] : memref<16x1000000xf32, #tpu.memory_space<hbm>> -> memref<16x128xf32, #tpu.memory_space<hbm>>
    tpu.wait_dma2 semaphore(%arg11 : memref<!tpu.dma_semaphore, #tpu.memory_space<semaphore_mem>>) src(%dma_wait3A_651 : memref<16x128xf32, #tpu.memory_space<hbm>>) dst(%dma_wait3A_649 : memref<16x128xf32, #tpu.memory_space<vmem>>)
    %dma_wait3A_652 = arith.constant 1 : i32
    %dma_wait3A_653 = arith.constant 0 : i32
    %dma_wait3A_654 = arith.constant 0 : i32
    %dma_wait3A_655 = tpu.memref_slice %arg6[%dma_wait3A_652, %dma_wait3A_653, %dma_wait3A_654] : memref<32x16x128xf32, #tpu.memory_space<vmem>> -> memref<1x16x128xf32, #tpu.memory_space<vmem>>
    %dma_wait3A_656 = tpu.memref_squeeze %dma_wait3A_655 : memref<1x16x128xf32, #tpu.memory_space<vmem>> -> memref<16x128xf32, #tpu.memory_space<vmem>>
    %dma_wait3A_657 = arith.constant 0 : i32
    %dma_wait3A_658 = tpu.memref_slice %arg3[%dma_wait3A_657, %multiple_of3A_14] : memref<16x1000000xf32, #tpu.memory_space<hbm>> -> memref<16x128xf32, #tpu.memory_space<hbm>>
    %dma_wait3A_659 = arith.constant 0 : i32
    %dma_wait3A_660 = arith.constant 0 : i32
    %dma_wait3A_661 = tpu.memref_slice %arg6[%dma_wait3A_652, %dma_wait3A_659, %dma_wait3A_660] : memref<32x16x128xf32, #tpu.memory_space<vmem>> -> memref<1x16x128xf32, #tpu.memory_space<vmem>>
    %dma_wait3A_662 = tpu.memref_squeeze %dma_wait3A_661 : memref<1x16x128xf32, #tpu.memory_space<vmem>> -> memref<16x128xf32, #tpu.memory_space<vmem>>
    %dma_wait3A_663 = arith.constant 0 : i32
    %dma_wait3A_664 = tpu.memref_slice %arg3[%dma_wait3A_663, %multiple_of3A_14] : memref<16x1000000xf32, #tpu.memory_space<hbm>> -> memref<16x128xf32, #tpu.memory_space<hbm>>
    tpu.wait_dma2 semaphore(%arg11 : memref<!tpu.dma_semaphore, #tpu.memory_space<semaphore_mem>>) src(%dma_wait3A_664 : memref<16x128xf32, #tpu.memory_space<hbm>>) dst(%dma_wait3A_662 : memref<16x128xf32, #tpu.memory_space<vmem>>)
    %dma_wait3A_665 = arith.constant 2 : i32
    %dma_wait3A_666 = arith.constant 0 : i32
    %dma_wait3A_667 = arith.constant 0 : i32
    %dma_wait3A_668 = tpu.memref_slice %arg6[%dma_wait3A_665, %dma_wait3A_666, %dma_wait3A_667] : memref<32x16x128xf32, #tpu.memory_space<vmem>> -> memref<1x16x128xf32, #tpu.memory_space<vmem>>
    %dma_wait3A_669 = tpu.memref_squeeze %dma_wait3A_668 : memref<1x16x128xf32, #tpu.memory_space<vmem>> -> memref<16x128xf32, #tpu.memory_space<vmem>>
    %dma_wait3A_670 = arith.constant 0 : i32
    %dma_wait3A_671 = tpu.memref_slice %arg3[%dma_wait3A_670, %multiple_of3A_21] : memref<16x1000000xf32, #tpu.memory_space<hbm>> -> memref<16x128xf32, #tpu.memory_space<hbm>>
    %dma_wait3A_672 = arith.constant 0 : i32
    %dma_wait3A_673 = arith.constant 0 : i32
    %dma_wait3A_674 = tpu.memref_slice %arg6[%dma_wait3A_665, %dma_wait3A_672, %dma_wait3A_673] : memref<32x16x128xf32, #tpu.memory_space<vmem>> -> memref<1x16x128xf32, #tpu.memory_space<vmem>>
    %dma_wait3A_675 = tpu.memref_squeeze %dma_wait3A_674 : memref<1x16x128xf32, #tpu.memory_space<vmem>> -> memref<16x128xf32, #tpu.memory_space<vmem>>
    %dma_wait3A_676 = arith.constant 0 : i32
    %dma_wait3A_677 = tpu.memref_slice %arg3[%dma_wait3A_676, %multiple_of3A_21] : memref<16x1000000xf32, #tpu.memory_space<hbm>> -> memref<16x128xf32, #tpu.memory_space<hbm>>
    tpu.wait_dma2 semaphore(%arg11 : memref<!tpu.dma_semaphore, #tpu.memory_space<semaphore_mem>>) src(%dma_wait3A_677 : memref<16x128xf32, #tpu.memory_space<hbm>>) dst(%dma_wait3A_675 : memref<16x128xf32, #tpu.memory_space<vmem>>)
    %dma_wait3A_678 = arith.constant 3 : i32
    %dma_wait3A_679 = arith.constant 0 : i32
    %dma_wait3A_680 = arith.constant 0 : i32
    %dma_wait3A_681 = tpu.memref_slice %arg6[%dma_wait3A_678, %dma_wait3A_679, %dma_wait3A_680] : memref<32x16x128xf32, #tpu.memory_space<vmem>> -> memref<1x16x128xf32, #tpu.memory_space<vmem>>
    %dma_wait3A_682 = tpu.memref_squeeze %dma_wait3A_681 : memref<1x16x128xf32, #tpu.memory_space<vmem>> -> memref<16x128xf32, #tpu.memory_space<vmem>>
    %dma_wait3A_683 = arith.constant 0 : i32
    %dma_wait3A_684 = tpu.memref_slice %arg3[%dma_wait3A_683, %multiple_of3A_28] : memref<16x1000000xf32, #tpu.memory_space<hbm>> -> memref<16x128xf32, #tpu.memory_space<hbm>>
    %dma_wait3A_685 = arith.constant 0 : i32
    %dma_wait3A_686 = arith.constant 0 : i32
    %dma_wait3A_687 = tpu.memref_slice %arg6[%dma_wait3A_678, %dma_wait3A_685, %dma_wait3A_686] : memref<32x16x128xf32, #tpu.memory_space<vmem>> -> memref<1x16x128xf32, #tpu.memory_space<vmem>>
    %dma_wait3A_688 = tpu.memref_squeeze %dma_wait3A_687 : memref<1x16x128xf32, #tpu.memory_space<vmem>> -> memref<16x128xf32, #tpu.memory_space<vmem>>
    %dma_wait3A_689 = arith.constant 0 : i32
    %dma_wait3A_690 = tpu.memref_slice %arg3[%dma_wait3A_689, %multiple_of3A_28] : memref<16x1000000xf32, #tpu.memory_space<hbm>> -> memref<16x128xf32, #tpu.memory_space<hbm>>
    tpu.wait_dma2 semaphore(%arg11 : memref<!tpu.dma_semaphore, #tpu.memory_space<semaphore_mem>>) src(%dma_wait3A_690 : memref<16x128xf32, #tpu.memory_space<hbm>>) dst(%dma_wait3A_688 : memref<16x128xf32, #tpu.memory_space<vmem>>)
    %dma_wait3A_691 = arith.constant 4 : i32
    %dma_wait3A_692 = arith.constant 0 : i32
    %dma_wait3A_693 = arith.constant 0 : i32
    %dma_wait3A_694 = tpu.memref_slice %arg6[%dma_wait3A_691, %dma_wait3A_692, %dma_wait3A_693] : memref<32x16x128xf32, #tpu.memory_space<vmem>> -> memref<1x16x128xf32, #tpu.memory_space<vmem>>
    %dma_wait3A_695 = tpu.memref_squeeze %dma_wait3A_694 : memref<1x16x128xf32, #tpu.memory_space<vmem>> -> memref<16x128xf32, #tpu.memory_space<vmem>>
    %dma_wait3A_696 = arith.constant 0 : i32
    %dma_wait3A_697 = tpu.memref_slice %arg3[%dma_wait3A_696, %multiple_of3A_35] : memref<16x1000000xf32, #tpu.memory_space<hbm>> -> memref<16x128xf32, #tpu.memory_space<hbm>>
    %dma_wait3A_698 = arith.constant 0 : i32
    %dma_wait3A_699 = arith.constant 0 : i32
    %dma_wait3A_700 = tpu.memref_slice %arg6[%dma_wait3A_691, %dma_wait3A_698, %dma_wait3A_699] : memref<32x16x128xf32, #tpu.memory_space<vmem>> -> memref<1x16x128xf32, #tpu.memory_space<vmem>>
    %dma_wait3A_701 = tpu.memref_squeeze %dma_wait3A_700 : memref<1x16x128xf32, #tpu.memory_space<vmem>> -> memref<16x128xf32, #tpu.memory_space<vmem>>
    %dma_wait3A_702 = arith.constant 0 : i32
    %dma_wait3A_703 = tpu.memref_slice %arg3[%dma_wait3A_702, %multiple_of3A_35] : memref<16x1000000xf32, #tpu.memory_space<hbm>> -> memref<16x128xf32, #tpu.memory_space<hbm>>
    tpu.wait_dma2 semaphore(%arg11 : memref<!tpu.dma_semaphore, #tpu.memory_space<semaphore_mem>>) src(%dma_wait3A_703 : memref<16x128xf32, #tpu.memory_space<hbm>>) dst(%dma_wait3A_701 : memref<16x128xf32, #tpu.memory_space<vmem>>)
    %dma_wait3A_704 = arith.constant 5 : i32
    %dma_wait3A_705 = arith.constant 0 : i32
    %dma_wait3A_706 = arith.constant 0 : i32
    %dma_wait3A_707 = tpu.memref_slice %arg6[%dma_wait3A_704, %dma_wait3A_705, %dma_wait3A_706] : memref<32x16x128xf32, #tpu.memory_space<vmem>> -> memref<1x16x128xf32, #tpu.memory_space<vmem>>
    %dma_wait3A_708 = tpu.memref_squeeze %dma_wait3A_707 : memref<1x16x128xf32, #tpu.memory_space<vmem>> -> memref<16x128xf32, #tpu.memory_space<vmem>>
    %dma_wait3A_709 = arith.constant 0 : i32
    %dma_wait3A_710 = tpu.memref_slice %arg3[%dma_wait3A_709, %multiple_of3A_42] : memref<16x1000000xf32, #tpu.memory_space<hbm>> -> memref<16x128xf32, #tpu.memory_space<hbm>>
    %dma_wait3A_711 = arith.constant 0 : i32
    %dma_wait3A_712 = arith.constant 0 : i32
    %dma_wait3A_713 = tpu.memref_slice %arg6[%dma_wait3A_704, %dma_wait3A_711, %dma_wait3A_712] : memref<32x16x128xf32, #tpu.memory_space<vmem>> -> memref<1x16x128xf32, #tpu.memory_space<vmem>>
    %dma_wait3A_714 = tpu.memref_squeeze %dma_wait3A_713 : memref<1x16x128xf32, #tpu.memory_space<vmem>> -> memref<16x128xf32, #tpu.memory_space<vmem>>
    %dma_wait3A_715 = arith.constant 0 : i32
    %dma_wait3A_716 = tpu.memref_slice %arg3[%dma_wait3A_715, %multiple_of3A_42] : memref<16x1000000xf32, #tpu.memory_space<hbm>> -> memref<16x128xf32, #tpu.memory_space<hbm>>
    tpu.wait_dma2 semaphore(%arg11 : memref<!tpu.dma_semaphore, #tpu.memory_space<semaphore_mem>>) src(%dma_wait3A_716 : memref<16x128xf32, #tpu.memory_space<hbm>>) dst(%dma_wait3A_714 : memref<16x128xf32, #tpu.memory_space<vmem>>)
    %dma_wait3A_717 = arith.constant 6 : i32
    %dma_wait3A_718 = arith.constant 0 : i32
    %dma_wait3A_719 = arith.constant 0 : i32
    %dma_wait3A_720 = tpu.memref_slice %arg6[%dma_wait3A_717, %dma_wait3A_718, %dma_wait3A_719] : memref<32x16x128xf32, #tpu.memory_space<vmem>> -> memref<1x16x128xf32, #tpu.memory_space<vmem>>
    %dma_wait3A_721 = tpu.memref_squeeze %dma_wait3A_720 : memref<1x16x128xf32, #tpu.memory_space<vmem>> -> memref<16x128xf32, #tpu.memory_space<vmem>>
    %dma_wait3A_722 = arith.constant 0 : i32
    %dma_wait3A_723 = tpu.memref_slice %arg3[%dma_wait3A_722, %multiple_of3A_49] : memref<16x1000000xf32, #tpu.memory_space<hbm>> -> memref<16x128xf32, #tpu.memory_space<hbm>>
    %dma_wait3A_724 = arith.constant 0 : i32
    %dma_wait3A_725 = arith.constant 0 : i32
    %dma_wait3A_726 = tpu.memref_slice %arg6[%dma_wait3A_717, %dma_wait3A_724, %dma_wait3A_725] : memref<32x16x128xf32, #tpu.memory_space<vmem>> -> memref<1x16x128xf32, #tpu.memory_space<vmem>>
    %dma_wait3A_727 = tpu.memref_squeeze %dma_wait3A_726 : memref<1x16x128xf32, #tpu.memory_space<vmem>> -> memref<16x128xf32, #tpu.memory_space<vmem>>
    %dma_wait3A_728 = arith.constant 0 : i32
    %dma_wait3A_729 = tpu.memref_slice %arg3[%dma_wait3A_728, %multiple_of3A_49] : memref<16x1000000xf32, #tpu.memory_space<hbm>> -> memref<16x128xf32, #tpu.memory_space<hbm>>
    tpu.wait_dma2 semaphore(%arg11 : memref<!tpu.dma_semaphore, #tpu.memory_space<semaphore_mem>>) src(%dma_wait3A_729 : memref<16x128xf32, #tpu.memory_space<hbm>>) dst(%dma_wait3A_727 : memref<16x128xf32, #tpu.memory_space<vmem>>)
    %dma_wait3A_730 = arith.constant 7 : i32
    %dma_wait3A_731 = arith.constant 0 : i32
    %dma_wait3A_732 = arith.constant 0 : i32
    %dma_wait3A_733 = tpu.memref_slice %arg6[%dma_wait3A_730, %dma_wait3A_731, %dma_wait3A_732] : memref<32x16x128xf32, #tpu.memory_space<vmem>> -> memref<1x16x128xf32, #tpu.memory_space<vmem>>
    %dma_wait3A_734 = tpu.memref_squeeze %dma_wait3A_733 : memref<1x16x128xf32, #tpu.memory_space<vmem>> -> memref<16x128xf32, #tpu.memory_space<vmem>>
    %dma_wait3A_735 = arith.constant 0 : i32
    %dma_wait3A_736 = tpu.memref_slice %arg3[%dma_wait3A_735, %multiple_of3A_56] : memref<16x1000000xf32, #tpu.memory_space<hbm>> -> memref<16x128xf32, #tpu.memory_space<hbm>>
    %dma_wait3A_737 = arith.constant 0 : i32
    %dma_wait3A_738 = arith.constant 0 : i32
    %dma_wait3A_739 = tpu.memref_slice %arg6[%dma_wait3A_730, %dma_wait3A_737, %dma_wait3A_738] : memref<32x16x128xf32, #tpu.memory_space<vmem>> -> memref<1x16x128xf32, #tpu.memory_space<vmem>>
    %dma_wait3A_740 = tpu.memref_squeeze %dma_wait3A_739 : memref<1x16x128xf32, #tpu.memory_space<vmem>> -> memref<16x128xf32, #tpu.memory_space<vmem>>
    %dma_wait3A_741 = arith.constant 0 : i32
    %dma_wait3A_742 = tpu.memref_slice %arg3[%dma_wait3A_741, %multiple_of3A_56] : memref<16x1000000xf32, #tpu.memory_space<hbm>> -> memref<16x128xf32, #tpu.memory_space<hbm>>
    tpu.wait_dma2 semaphore(%arg11 : memref<!tpu.dma_semaphore, #tpu.memory_space<semaphore_mem>>) src(%dma_wait3A_742 : memref<16x128xf32, #tpu.memory_space<hbm>>) dst(%dma_wait3A_740 : memref<16x128xf32, #tpu.memory_space<vmem>>)
    %dma_wait3A_743 = arith.constant 8 : i32
    %dma_wait3A_744 = arith.constant 0 : i32
    %dma_wait3A_745 = arith.constant 0 : i32
    %dma_wait3A_746 = tpu.memref_slice %arg6[%dma_wait3A_743, %dma_wait3A_744, %dma_wait3A_745] : memref<32x16x128xf32, #tpu.memory_space<vmem>> -> memref<1x16x128xf32, #tpu.memory_space<vmem>>
    %dma_wait3A_747 = tpu.memref_squeeze %dma_wait3A_746 : memref<1x16x128xf32, #tpu.memory_space<vmem>> -> memref<16x128xf32, #tpu.memory_space<vmem>>
    %dma_wait3A_748 = arith.constant 0 : i32
    %dma_wait3A_749 = tpu.memref_slice %arg3[%dma_wait3A_748, %multiple_of3A_63] : memref<16x1000000xf32, #tpu.memory_space<hbm>> -> memref<16x128xf32, #tpu.memory_space<hbm>>
    %dma_wait3A_750 = arith.constant 0 : i32
    %dma_wait3A_751 = arith.constant 0 : i32
    %dma_wait3A_752 = tpu.memref_slice %arg6[%dma_wait3A_743, %dma_wait3A_750, %dma_wait3A_751] : memref<32x16x128xf32, #tpu.memory_space<vmem>> -> memref<1x16x128xf32, #tpu.memory_space<vmem>>
    %dma_wait3A_753 = tpu.memref_squeeze %dma_wait3A_752 : memref<1x16x128xf32, #tpu.memory_space<vmem>> -> memref<16x128xf32, #tpu.memory_space<vmem>>
    %dma_wait3A_754 = arith.constant 0 : i32
    %dma_wait3A_755 = tpu.memref_slice %arg3[%dma_wait3A_754, %multiple_of3A_63] : memref<16x1000000xf32, #tpu.memory_space<hbm>> -> memref<16x128xf32, #tpu.memory_space<hbm>>
    tpu.wait_dma2 semaphore(%arg11 : memref<!tpu.dma_semaphore, #tpu.memory_space<semaphore_mem>>) src(%dma_wait3A_755 : memref<16x128xf32, #tpu.memory_space<hbm>>) dst(%dma_wait3A_753 : memref<16x128xf32, #tpu.memory_space<vmem>>)
    %dma_wait3A_756 = arith.constant 9 : i32
    %dma_wait3A_757 = arith.constant 0 : i32
    %dma_wait3A_758 = arith.constant 0 : i32
    %dma_wait3A_759 = tpu.memref_slice %arg6[%dma_wait3A_756, %dma_wait3A_757, %dma_wait3A_758] : memref<32x16x128xf32, #tpu.memory_space<vmem>> -> memref<1x16x128xf32, #tpu.memory_space<vmem>>
    %dma_wait3A_760 = tpu.memref_squeeze %dma_wait3A_759 : memref<1x16x128xf32, #tpu.memory_space<vmem>> -> memref<16x128xf32, #tpu.memory_space<vmem>>
    %dma_wait3A_761 = arith.constant 0 : i32
    %dma_wait3A_762 = tpu.memref_slice %arg3[%dma_wait3A_761, %multiple_of3A_70] : memref<16x1000000xf32, #tpu.memory_space<hbm>> -> memref<16x128xf32, #tpu.memory_space<hbm>>
    %dma_wait3A_763 = arith.constant 0 : i32
    %dma_wait3A_764 = arith.constant 0 : i32
    %dma_wait3A_765 = tpu.memref_slice %arg6[%dma_wait3A_756, %dma_wait3A_763, %dma_wait3A_764] : memref<32x16x128xf32, #tpu.memory_space<vmem>> -> memref<1x16x128xf32, #tpu.memory_space<vmem>>
    %dma_wait3A_766 = tpu.memref_squeeze %dma_wait3A_765 : memref<1x16x128xf32, #tpu.memory_space<vmem>> -> memref<16x128xf32, #tpu.memory_space<vmem>>
    %dma_wait3A_767 = arith.constant 0 : i32
    %dma_wait3A_768 = tpu.memref_slice %arg3[%dma_wait3A_767, %multiple_of3A_70] : memref<16x1000000xf32, #tpu.memory_space<hbm>> -> memref<16x128xf32, #tpu.memory_space<hbm>>
    tpu.wait_dma2 semaphore(%arg11 : memref<!tpu.dma_semaphore, #tpu.memory_space<semaphore_mem>>) src(%dma_wait3A_768 : memref<16x128xf32, #tpu.memory_space<hbm>>) dst(%dma_wait3A_766 : memref<16x128xf32, #tpu.memory_space<vmem>>)
    %dma_wait3A_769 = arith.constant 10 : i32
    %dma_wait3A_770 = arith.constant 0 : i32
    %dma_wait3A_771 = arith.constant 0 : i32
    %dma_wait3A_772 = tpu.memref_slice %arg6[%dma_wait3A_769, %dma_wait3A_770, %dma_wait3A_771] : memref<32x16x128xf32, #tpu.memory_space<vmem>> -> memref<1x16x128xf32, #tpu.memory_space<vmem>>
    %dma_wait3A_773 = tpu.memref_squeeze %dma_wait3A_772 : memref<1x16x128xf32, #tpu.memory_space<vmem>> -> memref<16x128xf32, #tpu.memory_space<vmem>>
    %dma_wait3A_774 = arith.constant 0 : i32
    %dma_wait3A_775 = tpu.memref_slice %arg3[%dma_wait3A_774, %multiple_of3A_77] : memref<16x1000000xf32, #tpu.memory_space<hbm>> -> memref<16x128xf32, #tpu.memory_space<hbm>>
    %dma_wait3A_776 = arith.constant 0 : i32
    %dma_wait3A_777 = arith.constant 0 : i32
    %dma_wait3A_778 = tpu.memref_slice %arg6[%dma_wait3A_769, %dma_wait3A_776, %dma_wait3A_777] : memref<32x16x128xf32, #tpu.memory_space<vmem>> -> memref<1x16x128xf32, #tpu.memory_space<vmem>>
    %dma_wait3A_779 = tpu.memref_squeeze %dma_wait3A_778 : memref<1x16x128xf32, #tpu.memory_space<vmem>> -> memref<16x128xf32, #tpu.memory_space<vmem>>
    %dma_wait3A_780 = arith.constant 0 : i32
    %dma_wait3A_781 = tpu.memref_slice %arg3[%dma_wait3A_780, %multiple_of3A_77] : memref<16x1000000xf32, #tpu.memory_space<hbm>> -> memref<16x128xf32, #tpu.memory_space<hbm>>
    tpu.wait_dma2 semaphore(%arg11 : memref<!tpu.dma_semaphore, #tpu.memory_space<semaphore_mem>>) src(%dma_wait3A_781 : memref<16x128xf32, #tpu.memory_space<hbm>>) dst(%dma_wait3A_779 : memref<16x128xf32, #tpu.memory_space<vmem>>)
    %dma_wait3A_782 = arith.constant 11 : i32
    %dma_wait3A_783 = arith.constant 0 : i32
    %dma_wait3A_784 = arith.constant 0 : i32
    %dma_wait3A_785 = tpu.memref_slice %arg6[%dma_wait3A_782, %dma_wait3A_783, %dma_wait3A_784] : memref<32x16x128xf32, #tpu.memory_space<vmem>> -> memref<1x16x128xf32, #tpu.memory_space<vmem>>
    %dma_wait3A_786 = tpu.memref_squeeze %dma_wait3A_785 : memref<1x16x128xf32, #tpu.memory_space<vmem>> -> memref<16x128xf32, #tpu.memory_space<vmem>>
    %dma_wait3A_787 = arith.constant 0 : i32
    %dma_wait3A_788 = tpu.memref_slice %arg3[%dma_wait3A_787, %multiple_of3A_84] : memref<16x1000000xf32, #tpu.memory_space<hbm>> -> memref<16x128xf32, #tpu.memory_space<hbm>>
    %dma_wait3A_789 = arith.constant 0 : i32
    %dma_wait3A_790 = arith.constant 0 : i32
    %dma_wait3A_791 = tpu.memref_slice %arg6[%dma_wait3A_782, %dma_wait3A_789, %dma_wait3A_790] : memref<32x16x128xf32, #tpu.memory_space<vmem>> -> memref<1x16x128xf32, #tpu.memory_space<vmem>>
    %dma_wait3A_792 = tpu.memref_squeeze %dma_wait3A_791 : memref<1x16x128xf32, #tpu.memory_space<vmem>> -> memref<16x128xf32, #tpu.memory_space<vmem>>
    %dma_wait3A_793 = arith.constant 0 : i32
    %dma_wait3A_794 = tpu.memref_slice %arg3[%dma_wait3A_793, %multiple_of3A_84] : memref<16x1000000xf32, #tpu.memory_space<hbm>> -> memref<16x128xf32, #tpu.memory_space<hbm>>
    tpu.wait_dma2 semaphore(%arg11 : memref<!tpu.dma_semaphore, #tpu.memory_space<semaphore_mem>>) src(%dma_wait3A_794 : memref<16x128xf32, #tpu.memory_space<hbm>>) dst(%dma_wait3A_792 : memref<16x128xf32, #tpu.memory_space<vmem>>)
    %dma_wait3A_795 = arith.constant 12 : i32
    %dma_wait3A_796 = arith.constant 0 : i32
    %dma_wait3A_797 = arith.constant 0 : i32
    %dma_wait3A_798 = tpu.memref_slice %arg6[%dma_wait3A_795, %dma_wait3A_796, %dma_wait3A_797] : memref<32x16x128xf32, #tpu.memory_space<vmem>> -> memref<1x16x128xf32, #tpu.memory_space<vmem>>
    %dma_wait3A_799 = tpu.memref_squeeze %dma_wait3A_798 : memref<1x16x128xf32, #tpu.memory_space<vmem>> -> memref<16x128xf32, #tpu.memory_space<vmem>>
    %dma_wait3A_800 = arith.constant 0 : i32
    %dma_wait3A_801 = tpu.memref_slice %arg3[%dma_wait3A_800, %multiple_of3A_91] : memref<16x1000000xf32, #tpu.memory_space<hbm>> -> memref<16x128xf32, #tpu.memory_space<hbm>>
    %dma_wait3A_802 = arith.constant 0 : i32
    %dma_wait3A_803 = arith.constant 0 : i32
    %dma_wait3A_804 = tpu.memref_slice %arg6[%dma_wait3A_795, %dma_wait3A_802, %dma_wait3A_803] : memref<32x16x128xf32, #tpu.memory_space<vmem>> -> memref<1x16x128xf32, #tpu.memory_space<vmem>>
    %dma_wait3A_805 = tpu.memref_squeeze %dma_wait3A_804 : memref<1x16x128xf32, #tpu.memory_space<vmem>> -> memref<16x128xf32, #tpu.memory_space<vmem>>
    %dma_wait3A_806 = arith.constant 0 : i32
    %dma_wait3A_807 = tpu.memref_slice %arg3[%dma_wait3A_806, %multiple_of3A_91] : memref<16x1000000xf32, #tpu.memory_space<hbm>> -> memref<16x128xf32, #tpu.memory_space<hbm>>
    tpu.wait_dma2 semaphore(%arg11 : memref<!tpu.dma_semaphore, #tpu.memory_space<semaphore_mem>>) src(%dma_wait3A_807 : memref<16x128xf32, #tpu.memory_space<hbm>>) dst(%dma_wait3A_805 : memref<16x128xf32, #tpu.memory_space<vmem>>)
    %dma_wait3A_808 = arith.constant 13 : i32
    %dma_wait3A_809 = arith.constant 0 : i32
    %dma_wait3A_810 = arith.constant 0 : i32
    %dma_wait3A_811 = tpu.memref_slice %arg6[%dma_wait3A_808, %dma_wait3A_809, %dma_wait3A_810] : memref<32x16x128xf32, #tpu.memory_space<vmem>> -> memref<1x16x128xf32, #tpu.memory_space<vmem>>
    %dma_wait3A_812 = tpu.memref_squeeze %dma_wait3A_811 : memref<1x16x128xf32, #tpu.memory_space<vmem>> -> memref<16x128xf32, #tpu.memory_space<vmem>>
    %dma_wait3A_813 = arith.constant 0 : i32
    %dma_wait3A_814 = tpu.memref_slice %arg3[%dma_wait3A_813, %multiple_of3A_98] : memref<16x1000000xf32, #tpu.memory_space<hbm>> -> memref<16x128xf32, #tpu.memory_space<hbm>>
    %dma_wait3A_815 = arith.constant 0 : i32
    %dma_wait3A_816 = arith.constant 0 : i32
    %dma_wait3A_817 = tpu.memref_slice %arg6[%dma_wait3A_808, %dma_wait3A_815, %dma_wait3A_816] : memref<32x16x128xf32, #tpu.memory_space<vmem>> -> memref<1x16x128xf32, #tpu.memory_space<vmem>>
    %dma_wait3A_818 = tpu.memref_squeeze %dma_wait3A_817 : memref<1x16x128xf32, #tpu.memory_space<vmem>> -> memref<16x128xf32, #tpu.memory_space<vmem>>
    %dma_wait3A_819 = arith.constant 0 : i32
    %dma_wait3A_820 = tpu.memref_slice %arg3[%dma_wait3A_819, %multiple_of3A_98] : memref<16x1000000xf32, #tpu.memory_space<hbm>> -> memref<16x128xf32, #tpu.memory_space<hbm>>
    tpu.wait_dma2 semaphore(%arg11 : memref<!tpu.dma_semaphore, #tpu.memory_space<semaphore_mem>>) src(%dma_wait3A_820 : memref<16x128xf32, #tpu.memory_space<hbm>>) dst(%dma_wait3A_818 : memref<16x128xf32, #tpu.memory_space<vmem>>)
    %dma_wait3A_821 = arith.constant 14 : i32
    %dma_wait3A_822 = arith.constant 0 : i32
    %dma_wait3A_823 = arith.constant 0 : i32
    %dma_wait3A_824 = tpu.memref_slice %arg6[%dma_wait3A_821, %dma_wait3A_822, %dma_wait3A_823] : memref<32x16x128xf32, #tpu.memory_space<vmem>> -> memref<1x16x128xf32, #tpu.memory_space<vmem>>
    %dma_wait3A_825 = tpu.memref_squeeze %dma_wait3A_824 : memref<1x16x128xf32, #tpu.memory_space<vmem>> -> memref<16x128xf32, #tpu.memory_space<vmem>>
    %dma_wait3A_826 = arith.constant 0 : i32
    %dma_wait3A_827 = tpu.memref_slice %arg3[%dma_wait3A_826, %multiple_of3A_105] : memref<16x1000000xf32, #tpu.memory_space<hbm>> -> memref<16x128xf32, #tpu.memory_space<hbm>>
    %dma_wait3A_828 = arith.constant 0 : i32
    %dma_wait3A_829 = arith.constant 0 : i32
    %dma_wait3A_830 = tpu.memref_slice %arg6[%dma_wait3A_821, %dma_wait3A_828, %dma_wait3A_829] : memref<32x16x128xf32, #tpu.memory_space<vmem>> -> memref<1x16x128xf32, #tpu.memory_space<vmem>>
    %dma_wait3A_831 = tpu.memref_squeeze %dma_wait3A_830 : memref<1x16x128xf32, #tpu.memory_space<vmem>> -> memref<16x128xf32, #tpu.memory_space<vmem>>
    %dma_wait3A_832 = arith.constant 0 : i32
    %dma_wait3A_833 = tpu.memref_slice %arg3[%dma_wait3A_832, %multiple_of3A_105] : memref<16x1000000xf32, #tpu.memory_space<hbm>> -> memref<16x128xf32, #tpu.memory_space<hbm>>
    tpu.wait_dma2 semaphore(%arg11 : memref<!tpu.dma_semaphore, #tpu.memory_space<semaphore_mem>>) src(%dma_wait3A_833 : memref<16x128xf32, #tpu.memory_space<hbm>>) dst(%dma_wait3A_831 : memref<16x128xf32, #tpu.memory_space<vmem>>)
    %dma_wait3A_834 = arith.constant 15 : i32
    %dma_wait3A_835 = arith.constant 0 : i32
    %dma_wait3A_836 = arith.constant 0 : i32
    %dma_wait3A_837 = tpu.memref_slice %arg6[%dma_wait3A_834, %dma_wait3A_835, %dma_wait3A_836] : memref<32x16x128xf32, #tpu.memory_space<vmem>> -> memref<1x16x128xf32, #tpu.memory_space<vmem>>
    %dma_wait3A_838 = tpu.memref_squeeze %dma_wait3A_837 : memref<1x16x128xf32, #tpu.memory_space<vmem>> -> memref<16x128xf32, #tpu.memory_space<vmem>>
    %dma_wait3A_839 = arith.constant 0 : i32
    %dma_wait3A_840 = tpu.memref_slice %arg3[%dma_wait3A_839, %multiple_of3A_112] : memref<16x1000000xf32, #tpu.memory_space<hbm>> -> memref<16x128xf32, #tpu.memory_space<hbm>>
    %dma_wait3A_841 = arith.constant 0 : i32
    %dma_wait3A_842 = arith.constant 0 : i32
    %dma_wait3A_843 = tpu.memref_slice %arg6[%dma_wait3A_834, %dma_wait3A_841, %dma_wait3A_842] : memref<32x16x128xf32, #tpu.memory_space<vmem>> -> memref<1x16x128xf32, #tpu.memory_space<vmem>>
    %dma_wait3A_844 = tpu.memref_squeeze %dma_wait3A_843 : memref<1x16x128xf32, #tpu.memory_space<vmem>> -> memref<16x128xf32, #tpu.memory_space<vmem>>
    %dma_wait3A_845 = arith.constant 0 : i32
    %dma_wait3A_846 = tpu.memref_slice %arg3[%dma_wait3A_845, %multiple_of3A_112] : memref<16x1000000xf32, #tpu.memory_space<hbm>> -> memref<16x128xf32, #tpu.memory_space<hbm>>
    tpu.wait_dma2 semaphore(%arg11 : memref<!tpu.dma_semaphore, #tpu.memory_space<semaphore_mem>>) src(%dma_wait3A_846 : memref<16x128xf32, #tpu.memory_space<hbm>>) dst(%dma_wait3A_844 : memref<16x128xf32, #tpu.memory_space<vmem>>)
    %dma_wait3A_847 = arith.constant 16 : i32
    %dma_wait3A_848 = arith.constant 0 : i32
    %dma_wait3A_849 = arith.constant 0 : i32
    %dma_wait3A_850 = tpu.memref_slice %arg6[%dma_wait3A_847, %dma_wait3A_848, %dma_wait3A_849] : memref<32x16x128xf32, #tpu.memory_space<vmem>> -> memref<1x16x128xf32, #tpu.memory_space<vmem>>
    %dma_wait3A_851 = tpu.memref_squeeze %dma_wait3A_850 : memref<1x16x128xf32, #tpu.memory_space<vmem>> -> memref<16x128xf32, #tpu.memory_space<vmem>>
    %dma_wait3A_852 = arith.constant 0 : i32
    %dma_wait3A_853 = tpu.memref_slice %arg3[%dma_wait3A_852, %multiple_of3A_119] : memref<16x1000000xf32, #tpu.memory_space<hbm>> -> memref<16x128xf32, #tpu.memory_space<hbm>>
    %dma_wait3A_854 = arith.constant 0 : i32
    %dma_wait3A_855 = arith.constant 0 : i32
    %dma_wait3A_856 = tpu.memref_slice %arg6[%dma_wait3A_847, %dma_wait3A_854, %dma_wait3A_855] : memref<32x16x128xf32, #tpu.memory_space<vmem>> -> memref<1x16x128xf32, #tpu.memory_space<vmem>>
    %dma_wait3A_857 = tpu.memref_squeeze %dma_wait3A_856 : memref<1x16x128xf32, #tpu.memory_space<vmem>> -> memref<16x128xf32, #tpu.memory_space<vmem>>
    %dma_wait3A_858 = arith.constant 0 : i32
    %dma_wait3A_859 = tpu.memref_slice %arg3[%dma_wait3A_858, %multiple_of3A_119] : memref<16x1000000xf32, #tpu.memory_space<hbm>> -> memref<16x128xf32, #tpu.memory_space<hbm>>
    tpu.wait_dma2 semaphore(%arg11 : memref<!tpu.dma_semaphore, #tpu.memory_space<semaphore_mem>>) src(%dma_wait3A_859 : memref<16x128xf32, #tpu.memory_space<hbm>>) dst(%dma_wait3A_857 : memref<16x128xf32, #tpu.memory_space<vmem>>)
    %dma_wait3A_860 = arith.constant 17 : i32
    %dma_wait3A_861 = arith.constant 0 : i32
    %dma_wait3A_862 = arith.constant 0 : i32
    %dma_wait3A_863 = tpu.memref_slice %arg6[%dma_wait3A_860, %dma_wait3A_861, %dma_wait3A_862] : memref<32x16x128xf32, #tpu.memory_space<vmem>> -> memref<1x16x128xf32, #tpu.memory_space<vmem>>
    %dma_wait3A_864 = tpu.memref_squeeze %dma_wait3A_863 : memref<1x16x128xf32, #tpu.memory_space<vmem>> -> memref<16x128xf32, #tpu.memory_space<vmem>>
    %dma_wait3A_865 = arith.constant 0 : i32
    %dma_wait3A_866 = tpu.memref_slice %arg3[%dma_wait3A_865, %multiple_of3A_126] : memref<16x1000000xf32, #tpu.memory_space<hbm>> -> memref<16x128xf32, #tpu.memory_space<hbm>>
    %dma_wait3A_867 = arith.constant 0 : i32
    %dma_wait3A_868 = arith.constant 0 : i32
    %dma_wait3A_869 = tpu.memref_slice %arg6[%dma_wait3A_860, %dma_wait3A_867, %dma_wait3A_868] : memref<32x16x128xf32, #tpu.memory_space<vmem>> -> memref<1x16x128xf32, #tpu.memory_space<vmem>>
    %dma_wait3A_870 = tpu.memref_squeeze %dma_wait3A_869 : memref<1x16x128xf32, #tpu.memory_space<vmem>> -> memref<16x128xf32, #tpu.memory_space<vmem>>
    %dma_wait3A_871 = arith.constant 0 : i32
    %dma_wait3A_872 = tpu.memref_slice %arg3[%dma_wait3A_871, %multiple_of3A_126] : memref<16x1000000xf32, #tpu.memory_space<hbm>> -> memref<16x128xf32, #tpu.memory_space<hbm>>
    tpu.wait_dma2 semaphore(%arg11 : memref<!tpu.dma_semaphore, #tpu.memory_space<semaphore_mem>>) src(%dma_wait3A_872 : memref<16x128xf32, #tpu.memory_space<hbm>>) dst(%dma_wait3A_870 : memref<16x128xf32, #tpu.memory_space<vmem>>)
    %dma_wait3A_873 = arith.constant 18 : i32
    %dma_wait3A_874 = arith.constant 0 : i32
    %dma_wait3A_875 = arith.constant 0 : i32
    %dma_wait3A_876 = tpu.memref_slice %arg6[%dma_wait3A_873, %dma_wait3A_874, %dma_wait3A_875] : memref<32x16x128xf32, #tpu.memory_space<vmem>> -> memref<1x16x128xf32, #tpu.memory_space<vmem>>
    %dma_wait3A_877 = tpu.memref_squeeze %dma_wait3A_876 : memref<1x16x128xf32, #tpu.memory_space<vmem>> -> memref<16x128xf32, #tpu.memory_space<vmem>>
    %dma_wait3A_878 = arith.constant 0 : i32
    %dma_wait3A_879 = tpu.memref_slice %arg3[%dma_wait3A_878, %multiple_of3A_133] : memref<16x1000000xf32, #tpu.memory_space<hbm>> -> memref<16x128xf32, #tpu.memory_space<hbm>>
    %dma_wait3A_880 = arith.constant 0 : i32
    %dma_wait3A_881 = arith.constant 0 : i32
    %dma_wait3A_882 = tpu.memref_slice %arg6[%dma_wait3A_873, %dma_wait3A_880, %dma_wait3A_881] : memref<32x16x128xf32, #tpu.memory_space<vmem>> -> memref<1x16x128xf32, #tpu.memory_space<vmem>>
    %dma_wait3A_883 = tpu.memref_squeeze %dma_wait3A_882 : memref<1x16x128xf32, #tpu.memory_space<vmem>> -> memref<16x128xf32, #tpu.memory_space<vmem>>
    %dma_wait3A_884 = arith.constant 0 : i32
    %dma_wait3A_885 = tpu.memref_slice %arg3[%dma_wait3A_884, %multiple_of3A_133] : memref<16x1000000xf32, #tpu.memory_space<hbm>> -> memref<16x128xf32, #tpu.memory_space<hbm>>
    tpu.wait_dma2 semaphore(%arg11 : memref<!tpu.dma_semaphore, #tpu.memory_space<semaphore_mem>>) src(%dma_wait3A_885 : memref<16x128xf32, #tpu.memory_space<hbm>>) dst(%dma_wait3A_883 : memref<16x128xf32, #tpu.memory_space<vmem>>)
    %dma_wait3A_886 = arith.constant 19 : i32
    %dma_wait3A_887 = arith.constant 0 : i32
    %dma_wait3A_888 = arith.constant 0 : i32
    %dma_wait3A_889 = tpu.memref_slice %arg6[%dma_wait3A_886, %dma_wait3A_887, %dma_wait3A_888] : memref<32x16x128xf32, #tpu.memory_space<vmem>> -> memref<1x16x128xf32, #tpu.memory_space<vmem>>
    %dma_wait3A_890 = tpu.memref_squeeze %dma_wait3A_889 : memref<1x16x128xf32, #tpu.memory_space<vmem>> -> memref<16x128xf32, #tpu.memory_space<vmem>>
    %dma_wait3A_891 = arith.constant 0 : i32
    %dma_wait3A_892 = tpu.memref_slice %arg3[%dma_wait3A_891, %multiple_of3A_140] : memref<16x1000000xf32, #tpu.memory_space<hbm>> -> memref<16x128xf32, #tpu.memory_space<hbm>>
    %dma_wait3A_893 = arith.constant 0 : i32
    %dma_wait3A_894 = arith.constant 0 : i32
    %dma_wait3A_895 = tpu.memref_slice %arg6[%dma_wait3A_886, %dma_wait3A_893, %dma_wait3A_894] : memref<32x16x128xf32, #tpu.memory_space<vmem>> -> memref<1x16x128xf32, #tpu.memory_space<vmem>>
    %dma_wait3A_896 = tpu.memref_squeeze %dma_wait3A_895 : memref<1x16x128xf32, #tpu.memory_space<vmem>> -> memref<16x128xf32, #tpu.memory_space<vmem>>
    %dma_wait3A_897 = arith.constant 0 : i32
    %dma_wait3A_898 = tpu.memref_slice %arg3[%dma_wait3A_897, %multiple_of3A_140] : memref<16x1000000xf32, #tpu.memory_space<hbm>> -> memref<16x128xf32, #tpu.memory_space<hbm>>
    tpu.wait_dma2 semaphore(%arg11 : memref<!tpu.dma_semaphore, #tpu.memory_space<semaphore_mem>>) src(%dma_wait3A_898 : memref<16x128xf32, #tpu.memory_space<hbm>>) dst(%dma_wait3A_896 : memref<16x128xf32, #tpu.memory_space<vmem>>)
    %dma_wait3A_899 = arith.constant 20 : i32
    %dma_wait3A_900 = arith.constant 0 : i32
    %dma_wait3A_901 = arith.constant 0 : i32
    %dma_wait3A_902 = tpu.memref_slice %arg6[%dma_wait3A_899, %dma_wait3A_900, %dma_wait3A_901] : memref<32x16x128xf32, #tpu.memory_space<vmem>> -> memref<1x16x128xf32, #tpu.memory_space<vmem>>
    %dma_wait3A_903 = tpu.memref_squeeze %dma_wait3A_902 : memref<1x16x128xf32, #tpu.memory_space<vmem>> -> memref<16x128xf32, #tpu.memory_space<vmem>>
    %dma_wait3A_904 = arith.constant 0 : i32
    %dma_wait3A_905 = tpu.memref_slice %arg3[%dma_wait3A_904, %multiple_of3A_147] : memref<16x1000000xf32, #tpu.memory_space<hbm>> -> memref<16x128xf32, #tpu.memory_space<hbm>>
    %dma_wait3A_906 = arith.constant 0 : i32
    %dma_wait3A_907 = arith.constant 0 : i32
    %dma_wait3A_908 = tpu.memref_slice %arg6[%dma_wait3A_899, %dma_wait3A_906, %dma_wait3A_907] : memref<32x16x128xf32, #tpu.memory_space<vmem>> -> memref<1x16x128xf32, #tpu.memory_space<vmem>>
    %dma_wait3A_909 = tpu.memref_squeeze %dma_wait3A_908 : memref<1x16x128xf32, #tpu.memory_space<vmem>> -> memref<16x128xf32, #tpu.memory_space<vmem>>
    %dma_wait3A_910 = arith.constant 0 : i32
    %dma_wait3A_911 = tpu.memref_slice %arg3[%dma_wait3A_910, %multiple_of3A_147] : memref<16x1000000xf32, #tpu.memory_space<hbm>> -> memref<16x128xf32, #tpu.memory_space<hbm>>
    tpu.wait_dma2 semaphore(%arg11 : memref<!tpu.dma_semaphore, #tpu.memory_space<semaphore_mem>>) src(%dma_wait3A_911 : memref<16x128xf32, #tpu.memory_space<hbm>>) dst(%dma_wait3A_909 : memref<16x128xf32, #tpu.memory_space<vmem>>)
    %dma_wait3A_912 = arith.constant 21 : i32
    %dma_wait3A_913 = arith.constant 0 : i32
    %dma_wait3A_914 = arith.constant 0 : i32
    %dma_wait3A_915 = tpu.memref_slice %arg6[%dma_wait3A_912, %dma_wait3A_913, %dma_wait3A_914] : memref<32x16x128xf32, #tpu.memory_space<vmem>> -> memref<1x16x128xf32, #tpu.memory_space<vmem>>
    %dma_wait3A_916 = tpu.memref_squeeze %dma_wait3A_915 : memref<1x16x128xf32, #tpu.memory_space<vmem>> -> memref<16x128xf32, #tpu.memory_space<vmem>>
    %dma_wait3A_917 = arith.constant 0 : i32
    %dma_wait3A_918 = tpu.memref_slice %arg3[%dma_wait3A_917, %multiple_of3A_154] : memref<16x1000000xf32, #tpu.memory_space<hbm>> -> memref<16x128xf32, #tpu.memory_space<hbm>>
    %dma_wait3A_919 = arith.constant 0 : i32
    %dma_wait3A_920 = arith.constant 0 : i32
    %dma_wait3A_921 = tpu.memref_slice %arg6[%dma_wait3A_912, %dma_wait3A_919, %dma_wait3A_920] : memref<32x16x128xf32, #tpu.memory_space<vmem>> -> memref<1x16x128xf32, #tpu.memory_space<vmem>>
    %dma_wait3A_922 = tpu.memref_squeeze %dma_wait3A_921 : memref<1x16x128xf32, #tpu.memory_space<vmem>> -> memref<16x128xf32, #tpu.memory_space<vmem>>
    %dma_wait3A_923 = arith.constant 0 : i32
    %dma_wait3A_924 = tpu.memref_slice %arg3[%dma_wait3A_923, %multiple_of3A_154] : memref<16x1000000xf32, #tpu.memory_space<hbm>> -> memref<16x128xf32, #tpu.memory_space<hbm>>
    tpu.wait_dma2 semaphore(%arg11 : memref<!tpu.dma_semaphore, #tpu.memory_space<semaphore_mem>>) src(%dma_wait3A_924 : memref<16x128xf32, #tpu.memory_space<hbm>>) dst(%dma_wait3A_922 : memref<16x128xf32, #tpu.memory_space<vmem>>)
    %dma_wait3A_925 = arith.constant 22 : i32
    %dma_wait3A_926 = arith.constant 0 : i32
    %dma_wait3A_927 = arith.constant 0 : i32
    %dma_wait3A_928 = tpu.memref_slice %arg6[%dma_wait3A_925, %dma_wait3A_926, %dma_wait3A_927] : memref<32x16x128xf32, #tpu.memory_space<vmem>> -> memref<1x16x128xf32, #tpu.memory_space<vmem>>
    %dma_wait3A_929 = tpu.memref_squeeze %dma_wait3A_928 : memref<1x16x128xf32, #tpu.memory_space<vmem>> -> memref<16x128xf32, #tpu.memory_space<vmem>>
    %dma_wait3A_930 = arith.constant 0 : i32
    %dma_wait3A_931 = tpu.memref_slice %arg3[%dma_wait3A_930, %multiple_of3A_161] : memref<16x1000000xf32, #tpu.memory_space<hbm>> -> memref<16x128xf32, #tpu.memory_space<hbm>>
    %dma_wait3A_932 = arith.constant 0 : i32
    %dma_wait3A_933 = arith.constant 0 : i32
    %dma_wait3A_934 = tpu.memref_slice %arg6[%dma_wait3A_925, %dma_wait3A_932, %dma_wait3A_933] : memref<32x16x128xf32, #tpu.memory_space<vmem>> -> memref<1x16x128xf32, #tpu.memory_space<vmem>>
    %dma_wait3A_935 = tpu.memref_squeeze %dma_wait3A_934 : memref<1x16x128xf32, #tpu.memory_space<vmem>> -> memref<16x128xf32, #tpu.memory_space<vmem>>
    %dma_wait3A_936 = arith.constant 0 : i32
    %dma_wait3A_937 = tpu.memref_slice %arg3[%dma_wait3A_936, %multiple_of3A_161] : memref<16x1000000xf32, #tpu.memory_space<hbm>> -> memref<16x128xf32, #tpu.memory_space<hbm>>
    tpu.wait_dma2 semaphore(%arg11 : memref<!tpu.dma_semaphore, #tpu.memory_space<semaphore_mem>>) src(%dma_wait3A_937 : memref<16x128xf32, #tpu.memory_space<hbm>>) dst(%dma_wait3A_935 : memref<16x128xf32, #tpu.memory_space<vmem>>)
    %dma_wait3A_938 = arith.constant 23 : i32
    %dma_wait3A_939 = arith.constant 0 : i32
    %dma_wait3A_940 = arith.constant 0 : i32
    %dma_wait3A_941 = tpu.memref_slice %arg6[%dma_wait3A_938, %dma_wait3A_939, %dma_wait3A_940] : memref<32x16x128xf32, #tpu.memory_space<vmem>> -> memref<1x16x128xf32, #tpu.memory_space<vmem>>
    %dma_wait3A_942 = tpu.memref_squeeze %dma_wait3A_941 : memref<1x16x128xf32, #tpu.memory_space<vmem>> -> memref<16x128xf32, #tpu.memory_space<vmem>>
    %dma_wait3A_943 = arith.constant 0 : i32
    %dma_wait3A_944 = tpu.memref_slice %arg3[%dma_wait3A_943, %multiple_of3A_168] : memref<16x1000000xf32, #tpu.memory_space<hbm>> -> memref<16x128xf32, #tpu.memory_space<hbm>>
    %dma_wait3A_945 = arith.constant 0 : i32
    %dma_wait3A_946 = arith.constant 0 : i32
    %dma_wait3A_947 = tpu.memref_slice %arg6[%dma_wait3A_938, %dma_wait3A_945, %dma_wait3A_946] : memref<32x16x128xf32, #tpu.memory_space<vmem>> -> memref<1x16x128xf32, #tpu.memory_space<vmem>>
    %dma_wait3A_948 = tpu.memref_squeeze %dma_wait3A_947 : memref<1x16x128xf32, #tpu.memory_space<vmem>> -> memref<16x128xf32, #tpu.memory_space<vmem>>
    %dma_wait3A_949 = arith.constant 0 : i32
    %dma_wait3A_950 = tpu.memref_slice %arg3[%dma_wait3A_949, %multiple_of3A_168] : memref<16x1000000xf32, #tpu.memory_space<hbm>> -> memref<16x128xf32, #tpu.memory_space<hbm>>
    tpu.wait_dma2 semaphore(%arg11 : memref<!tpu.dma_semaphore, #tpu.memory_space<semaphore_mem>>) src(%dma_wait3A_950 : memref<16x128xf32, #tpu.memory_space<hbm>>) dst(%dma_wait3A_948 : memref<16x128xf32, #tpu.memory_space<vmem>>)
    %dma_wait3A_951 = arith.constant 24 : i32
    %dma_wait3A_952 = arith.constant 0 : i32
    %dma_wait3A_953 = arith.constant 0 : i32
    %dma_wait3A_954 = tpu.memref_slice %arg6[%dma_wait3A_951, %dma_wait3A_952, %dma_wait3A_953] : memref<32x16x128xf32, #tpu.memory_space<vmem>> -> memref<1x16x128xf32, #tpu.memory_space<vmem>>
    %dma_wait3A_955 = tpu.memref_squeeze %dma_wait3A_954 : memref<1x16x128xf32, #tpu.memory_space<vmem>> -> memref<16x128xf32, #tpu.memory_space<vmem>>
    %dma_wait3A_956 = arith.constant 0 : i32
    %dma_wait3A_957 = tpu.memref_slice %arg3[%dma_wait3A_956, %multiple_of3A_175] : memref<16x1000000xf32, #tpu.memory_space<hbm>> -> memref<16x128xf32, #tpu.memory_space<hbm>>
    %dma_wait3A_958 = arith.constant 0 : i32
    %dma_wait3A_959 = arith.constant 0 : i32
    %dma_wait3A_960 = tpu.memref_slice %arg6[%dma_wait3A_951, %dma_wait3A_958, %dma_wait3A_959] : memref<32x16x128xf32, #tpu.memory_space<vmem>> -> memref<1x16x128xf32, #tpu.memory_space<vmem>>
    %dma_wait3A_961 = tpu.memref_squeeze %dma_wait3A_960 : memref<1x16x128xf32, #tpu.memory_space<vmem>> -> memref<16x128xf32, #tpu.memory_space<vmem>>
    %dma_wait3A_962 = arith.constant 0 : i32
    %dma_wait3A_963 = tpu.memref_slice %arg3[%dma_wait3A_962, %multiple_of3A_175] : memref<16x1000000xf32, #tpu.memory_space<hbm>> -> memref<16x128xf32, #tpu.memory_space<hbm>>
    tpu.wait_dma2 semaphore(%arg11 : memref<!tpu.dma_semaphore, #tpu.memory_space<semaphore_mem>>) src(%dma_wait3A_963 : memref<16x128xf32, #tpu.memory_space<hbm>>) dst(%dma_wait3A_961 : memref<16x128xf32, #tpu.memory_space<vmem>>)
    %dma_wait3A_964 = arith.constant 25 : i32
    %dma_wait3A_965 = arith.constant 0 : i32
    %dma_wait3A_966 = arith.constant 0 : i32
    %dma_wait3A_967 = tpu.memref_slice %arg6[%dma_wait3A_964, %dma_wait3A_965, %dma_wait3A_966] : memref<32x16x128xf32, #tpu.memory_space<vmem>> -> memref<1x16x128xf32, #tpu.memory_space<vmem>>
    %dma_wait3A_968 = tpu.memref_squeeze %dma_wait3A_967 : memref<1x16x128xf32, #tpu.memory_space<vmem>> -> memref<16x128xf32, #tpu.memory_space<vmem>>
    %dma_wait3A_969 = arith.constant 0 : i32
    %dma_wait3A_970 = tpu.memref_slice %arg3[%dma_wait3A_969, %multiple_of3A_182] : memref<16x1000000xf32, #tpu.memory_space<hbm>> -> memref<16x128xf32, #tpu.memory_space<hbm>>
    %dma_wait3A_971 = arith.constant 0 : i32
    %dma_wait3A_972 = arith.constant 0 : i32
    %dma_wait3A_973 = tpu.memref_slice %arg6[%dma_wait3A_964, %dma_wait3A_971, %dma_wait3A_972] : memref<32x16x128xf32, #tpu.memory_space<vmem>> -> memref<1x16x128xf32, #tpu.memory_space<vmem>>
    %dma_wait3A_974 = tpu.memref_squeeze %dma_wait3A_973 : memref<1x16x128xf32, #tpu.memory_space<vmem>> -> memref<16x128xf32, #tpu.memory_space<vmem>>
    %dma_wait3A_975 = arith.constant 0 : i32
    %dma_wait3A_976 = tpu.memref_slice %arg3[%dma_wait3A_975, %multiple_of3A_182] : memref<16x1000000xf32, #tpu.memory_space<hbm>> -> memref<16x128xf32, #tpu.memory_space<hbm>>
    tpu.wait_dma2 semaphore(%arg11 : memref<!tpu.dma_semaphore, #tpu.memory_space<semaphore_mem>>) src(%dma_wait3A_976 : memref<16x128xf32, #tpu.memory_space<hbm>>) dst(%dma_wait3A_974 : memref<16x128xf32, #tpu.memory_space<vmem>>)
    %dma_wait3A_977 = arith.constant 26 : i32
    %dma_wait3A_978 = arith.constant 0 : i32
    %dma_wait3A_979 = arith.constant 0 : i32
    %dma_wait3A_980 = tpu.memref_slice %arg6[%dma_wait3A_977, %dma_wait3A_978, %dma_wait3A_979] : memref<32x16x128xf32, #tpu.memory_space<vmem>> -> memref<1x16x128xf32, #tpu.memory_space<vmem>>
    %dma_wait3A_981 = tpu.memref_squeeze %dma_wait3A_980 : memref<1x16x128xf32, #tpu.memory_space<vmem>> -> memref<16x128xf32, #tpu.memory_space<vmem>>
    %dma_wait3A_982 = arith.constant 0 : i32
    %dma_wait3A_983 = tpu.memref_slice %arg3[%dma_wait3A_982, %multiple_of3A_189] : memref<16x1000000xf32, #tpu.memory_space<hbm>> -> memref<16x128xf32, #tpu.memory_space<hbm>>
    %dma_wait3A_984 = arith.constant 0 : i32
    %dma_wait3A_985 = arith.constant 0 : i32
    %dma_wait3A_986 = tpu.memref_slice %arg6[%dma_wait3A_977, %dma_wait3A_984, %dma_wait3A_985] : memref<32x16x128xf32, #tpu.memory_space<vmem>> -> memref<1x16x128xf32, #tpu.memory_space<vmem>>
    %dma_wait3A_987 = tpu.memref_squeeze %dma_wait3A_986 : memref<1x16x128xf32, #tpu.memory_space<vmem>> -> memref<16x128xf32, #tpu.memory_space<vmem>>
    %dma_wait3A_988 = arith.constant 0 : i32
    %dma_wait3A_989 = tpu.memref_slice %arg3[%dma_wait3A_988, %multiple_of3A_189] : memref<16x1000000xf32, #tpu.memory_space<hbm>> -> memref<16x128xf32, #tpu.memory_space<hbm>>
    tpu.wait_dma2 semaphore(%arg11 : memref<!tpu.dma_semaphore, #tpu.memory_space<semaphore_mem>>) src(%dma_wait3A_989 : memref<16x128xf32, #tpu.memory_space<hbm>>) dst(%dma_wait3A_987 : memref<16x128xf32, #tpu.memory_space<vmem>>)
    %dma_wait3A_990 = arith.constant 27 : i32
    %dma_wait3A_991 = arith.constant 0 : i32
    %dma_wait3A_992 = arith.constant 0 : i32
    %dma_wait3A_993 = tpu.memref_slice %arg6[%dma_wait3A_990, %dma_wait3A_991, %dma_wait3A_992] : memref<32x16x128xf32, #tpu.memory_space<vmem>> -> memref<1x16x128xf32, #tpu.memory_space<vmem>>
    %dma_wait3A_994 = tpu.memref_squeeze %dma_wait3A_993 : memref<1x16x128xf32, #tpu.memory_space<vmem>> -> memref<16x128xf32, #tpu.memory_space<vmem>>
    %dma_wait3A_995 = arith.constant 0 : i32
    %dma_wait3A_996 = tpu.memref_slice %arg3[%dma_wait3A_995, %multiple_of3A_196] : memref<16x1000000xf32, #tpu.memory_space<hbm>> -> memref<16x128xf32, #tpu.memory_space<hbm>>
    %dma_wait3A_997 = arith.constant 0 : i32
    %dma_wait3A_998 = arith.constant 0 : i32
    %dma_wait3A_999 = tpu.memref_slice %arg6[%dma_wait3A_990, %dma_wait3A_997, %dma_wait3A_998] : memref<32x16x128xf32, #tpu.memory_space<vmem>> -> memref<1x16x128xf32, #tpu.memory_space<vmem>>
    %dma_wait3A_1000 = tpu.memref_squeeze %dma_wait3A_999 : memref<1x16x128xf32, #tpu.memory_space<vmem>> -> memref<16x128xf32, #tpu.memory_space<vmem>>
    %dma_wait3A_1001 = arith.constant 0 : i32
    %dma_wait3A_1002 = tpu.memref_slice %arg3[%dma_wait3A_1001, %multiple_of3A_196] : memref<16x1000000xf32, #tpu.memory_space<hbm>> -> memref<16x128xf32, #tpu.memory_space<hbm>>
    tpu.wait_dma2 semaphore(%arg11 : memref<!tpu.dma_semaphore, #tpu.memory_space<semaphore_mem>>) src(%dma_wait3A_1002 : memref<16x128xf32, #tpu.memory_space<hbm>>) dst(%dma_wait3A_1000 : memref<16x128xf32, #tpu.memory_space<vmem>>)
    %dma_wait3A_1003 = arith.constant 28 : i32
    %dma_wait3A_1004 = arith.constant 0 : i32
    %dma_wait3A_1005 = arith.constant 0 : i32
    %dma_wait3A_1006 = tpu.memref_slice %arg6[%dma_wait3A_1003, %dma_wait3A_1004, %dma_wait3A_1005] : memref<32x16x128xf32, #tpu.memory_space<vmem>> -> memref<1x16x128xf32, #tpu.memory_space<vmem>>
    %dma_wait3A_1007 = tpu.memref_squeeze %dma_wait3A_1006 : memref<1x16x128xf32, #tpu.memory_space<vmem>> -> memref<16x128xf32, #tpu.memory_space<vmem>>
    %dma_wait3A_1008 = arith.constant 0 : i32
    %dma_wait3A_1009 = tpu.memref_slice %arg3[%dma_wait3A_1008, %multiple_of3A_203] : memref<16x1000000xf32, #tpu.memory_space<hbm>> -> memref<16x128xf32, #tpu.memory_space<hbm>>
    %dma_wait3A_1010 = arith.constant 0 : i32
    %dma_wait3A_1011 = arith.constant 0 : i32
    %dma_wait3A_1012 = tpu.memref_slice %arg6[%dma_wait3A_1003, %dma_wait3A_1010, %dma_wait3A_1011] : memref<32x16x128xf32, #tpu.memory_space<vmem>> -> memref<1x16x128xf32, #tpu.memory_space<vmem>>
    %dma_wait3A_1013 = tpu.memref_squeeze %dma_wait3A_1012 : memref<1x16x128xf32, #tpu.memory_space<vmem>> -> memref<16x128xf32, #tpu.memory_space<vmem>>
    %dma_wait3A_1014 = arith.constant 0 : i32
    %dma_wait3A_1015 = tpu.memref_slice %arg3[%dma_wait3A_1014, %multiple_of3A_203] : memref<16x1000000xf32, #tpu.memory_space<hbm>> -> memref<16x128xf32, #tpu.memory_space<hbm>>
    tpu.wait_dma2 semaphore(%arg11 : memref<!tpu.dma_semaphore, #tpu.memory_space<semaphore_mem>>) src(%dma_wait3A_1015 : memref<16x128xf32, #tpu.memory_space<hbm>>) dst(%dma_wait3A_1013 : memref<16x128xf32, #tpu.memory_space<vmem>>)
    %dma_wait3A_1016 = arith.constant 29 : i32
    %dma_wait3A_1017 = arith.constant 0 : i32
    %dma_wait3A_1018 = arith.constant 0 : i32
    %dma_wait3A_1019 = tpu.memref_slice %arg6[%dma_wait3A_1016, %dma_wait3A_1017, %dma_wait3A_1018] : memref<32x16x128xf32, #tpu.memory_space<vmem>> -> memref<1x16x128xf32, #tpu.memory_space<vmem>>
    %dma_wait3A_1020 = tpu.memref_squeeze %dma_wait3A_1019 : memref<1x16x128xf32, #tpu.memory_space<vmem>> -> memref<16x128xf32, #tpu.memory_space<vmem>>
    %dma_wait3A_1021 = arith.constant 0 : i32
    %dma_wait3A_1022 = tpu.memref_slice %arg3[%dma_wait3A_1021, %multiple_of3A_210] : memref<16x1000000xf32, #tpu.memory_space<hbm>> -> memref<16x128xf32, #tpu.memory_space<hbm>>
    %dma_wait3A_1023 = arith.constant 0 : i32
    %dma_wait3A_1024 = arith.constant 0 : i32
    %dma_wait3A_1025 = tpu.memref_slice %arg6[%dma_wait3A_1016, %dma_wait3A_1023, %dma_wait3A_1024] : memref<32x16x128xf32, #tpu.memory_space<vmem>> -> memref<1x16x128xf32, #tpu.memory_space<vmem>>
    %dma_wait3A_1026 = tpu.memref_squeeze %dma_wait3A_1025 : memref<1x16x128xf32, #tpu.memory_space<vmem>> -> memref<16x128xf32, #tpu.memory_space<vmem>>
    %dma_wait3A_1027 = arith.constant 0 : i32
    %dma_wait3A_1028 = tpu.memref_slice %arg3[%dma_wait3A_1027, %multiple_of3A_210] : memref<16x1000000xf32, #tpu.memory_space<hbm>> -> memref<16x128xf32, #tpu.memory_space<hbm>>
    tpu.wait_dma2 semaphore(%arg11 : memref<!tpu.dma_semaphore, #tpu.memory_space<semaphore_mem>>) src(%dma_wait3A_1028 : memref<16x128xf32, #tpu.memory_space<hbm>>) dst(%dma_wait3A_1026 : memref<16x128xf32, #tpu.memory_space<vmem>>)
    %dma_wait3A_1029 = arith.constant 30 : i32
    %dma_wait3A_1030 = arith.constant 0 : i32
    %dma_wait3A_1031 = arith.constant 0 : i32
    %dma_wait3A_1032 = tpu.memref_slice %arg6[%dma_wait3A_1029, %dma_wait3A_1030, %dma_wait3A_1031] : memref<32x16x128xf32, #tpu.memory_space<vmem>> -> memref<1x16x128xf32, #tpu.memory_space<vmem>>
    %dma_wait3A_1033 = tpu.memref_squeeze %dma_wait3A_1032 : memref<1x16x128xf32, #tpu.memory_space<vmem>> -> memref<16x128xf32, #tpu.memory_space<vmem>>
    %dma_wait3A_1034 = arith.constant 0 : i32
    %dma_wait3A_1035 = tpu.memref_slice %arg3[%dma_wait3A_1034, %multiple_of3A_217] : memref<16x1000000xf32, #tpu.memory_space<hbm>> -> memref<16x128xf32, #tpu.memory_space<hbm>>
    %dma_wait3A_1036 = arith.constant 0 : i32
    %dma_wait3A_1037 = arith.constant 0 : i32
    %dma_wait3A_1038 = tpu.memref_slice %arg6[%dma_wait3A_1029, %dma_wait3A_1036, %dma_wait3A_1037] : memref<32x16x128xf32, #tpu.memory_space<vmem>> -> memref<1x16x128xf32, #tpu.memory_space<vmem>>
    %dma_wait3A_1039 = tpu.memref_squeeze %dma_wait3A_1038 : memref<1x16x128xf32, #tpu.memory_space<vmem>> -> memref<16x128xf32, #tpu.memory_space<vmem>>
    %dma_wait3A_1040 = arith.constant 0 : i32
    %dma_wait3A_1041 = tpu.memref_slice %arg3[%dma_wait3A_1040, %multiple_of3A_217] : memref<16x1000000xf32, #tpu.memory_space<hbm>> -> memref<16x128xf32, #tpu.memory_space<hbm>>
    tpu.wait_dma2 semaphore(%arg11 : memref<!tpu.dma_semaphore, #tpu.memory_space<semaphore_mem>>) src(%dma_wait3A_1041 : memref<16x128xf32, #tpu.memory_space<hbm>>) dst(%dma_wait3A_1039 : memref<16x128xf32, #tpu.memory_space<vmem>>)
    %dma_wait3A_1042 = arith.constant 31 : i32
    %dma_wait3A_1043 = arith.constant 0 : i32
    %dma_wait3A_1044 = arith.constant 0 : i32
    %dma_wait3A_1045 = tpu.memref_slice %arg6[%dma_wait3A_1042, %dma_wait3A_1043, %dma_wait3A_1044] : memref<32x16x128xf32, #tpu.memory_space<vmem>> -> memref<1x16x128xf32, #tpu.memory_space<vmem>>
    %dma_wait3A_1046 = tpu.memref_squeeze %dma_wait3A_1045 : memref<1x16x128xf32, #tpu.memory_space<vmem>> -> memref<16x128xf32, #tpu.memory_space<vmem>>
    %dma_wait3A_1047 = arith.constant 0 : i32
    %dma_wait3A_1048 = tpu.memref_slice %arg3[%dma_wait3A_1047, %multiple_of3A_224] : memref<16x1000000xf32, #tpu.memory_space<hbm>> -> memref<16x128xf32, #tpu.memory_space<hbm>>
    %dma_wait3A_1049 = arith.constant 0 : i32
    %dma_wait3A_1050 = arith.constant 0 : i32
    %dma_wait3A_1051 = tpu.memref_slice %arg6[%dma_wait3A_1042, %dma_wait3A_1049, %dma_wait3A_1050] : memref<32x16x128xf32, #tpu.memory_space<vmem>> -> memref<1x16x128xf32, #tpu.memory_space<vmem>>
    %dma_wait3A_1052 = tpu.memref_squeeze %dma_wait3A_1051 : memref<1x16x128xf32, #tpu.memory_space<vmem>> -> memref<16x128xf32, #tpu.memory_space<vmem>>
    %dma_wait3A_1053 = arith.constant 0 : i32
    %dma_wait3A_1054 = tpu.memref_slice %arg3[%dma_wait3A_1053, %multiple_of3A_224] : memref<16x1000000xf32, #tpu.memory_space<hbm>> -> memref<16x128xf32, #tpu.memory_space<hbm>>
    tpu.wait_dma2 semaphore(%arg11 : memref<!tpu.dma_semaphore, #tpu.memory_space<semaphore_mem>>) src(%dma_wait3A_1054 : memref<16x128xf32, #tpu.memory_space<hbm>>) dst(%dma_wait3A_1052 : memref<16x128xf32, #tpu.memory_space<vmem>>)
    %sub3A = arith.subi %squeeze3A, %multiple_of3A : i32
    %broadcast_in_dim3A = vector.broadcast %sub3A : i32 to vector<16xi32>
    %broadcast_in_dim3A_1055 = arith.constant 0 : i32
    %broadcast_in_dim3A_1056 = vector.broadcast %broadcast_in_dim3A_1055 : i32 to vector<16xi32>
    %gather3A = tpu.vector_load_idx %arg6[%broadcast_in_dim3A_1056, %iota3A, %broadcast_in_dim3A] : memref<32x16x128xf32, #tpu.memory_space<vmem>>[vector<16xi32>, vector<16xi32>, vector<16xi32>], vector<16xf32>,
    %mul3A_1057 = arith.constant 32 : i32
    %mul3A_1058 = vector.broadcast %mul3A_1057 : i32 to vector<16xi32>
    %mul3A_1059 = arith.muli %iota3A, %mul3A_1058 : vector<16xi32>
    %add3A_1060 = arith.constant 0 : i32
    %add3A_1061 = vector.broadcast %add3A_1060 : i32 to vector<16xi32>
    %add3A_1062 = arith.addi %mul3A_1059, %add3A_1061 : vector<16xi32>
    tpu.vector_store_idx %arg7[%add3A_1062], %gather3A : memref<512xf32, #tpu.memory_space<vmem>>[vector<16xi32>], vector<16xf32>,
    %sub3A_1063 = arith.subi %squeeze3A_9, %multiple_of3A_14 : i32
    %broadcast_in_dim3A_1064 = vector.broadcast %sub3A_1063 : i32 to vector<16xi32>
    %broadcast_in_dim3A_1065 = arith.constant 1 : i32
    %broadcast_in_dim3A_1066 = vector.broadcast %broadcast_in_dim3A_1065 : i32 to vector<16xi32>
    %gather3A_1067 = tpu.vector_load_idx %arg6[%broadcast_in_dim3A_1066, %iota3A, %broadcast_in_dim3A_1064] : memref<32x16x128xf32, #tpu.memory_space<vmem>>[vector<16xi32>, vector<16xi32>, vector<16xi32>], vector<16xf32>,
    %mul3A_1068 = arith.constant 32 : i32
    %mul3A_1069 = vector.broadcast %mul3A_1068 : i32 to vector<16xi32>
    %mul3A_1070 = arith.muli %iota3A, %mul3A_1069 : vector<16xi32>
    %add3A_1071 = arith.constant 1 : i32
    %add3A_1072 = vector.broadcast %add3A_1071 : i32 to vector<16xi32>
    %add3A_1073 = arith.addi %mul3A_1070, %add3A_1072 : vector<16xi32>
    tpu.vector_store_idx %arg7[%add3A_1073], %gather3A_1067 : memref<512xf32, #tpu.memory_space<vmem>>[vector<16xi32>], vector<16xf32>,
    %sub3A_1074 = arith.subi %squeeze3A_16, %multiple_of3A_21 : i32
    %broadcast_in_dim3A_1075 = vector.broadcast %sub3A_1074 : i32 to vector<16xi32>
    %broadcast_in_dim3A_1076 = arith.constant 2 : i32
    %broadcast_in_dim3A_1077 = vector.broadcast %broadcast_in_dim3A_1076 : i32 to vector<16xi32>
    %gather3A_1078 = tpu.vector_load_idx %arg6[%broadcast_in_dim3A_1077, %iota3A, %broadcast_in_dim3A_1075] : memref<32x16x128xf32, #tpu.memory_space<vmem>>[vector<16xi32>, vector<16xi32>, vector<16xi32>], vector<16xf32>,
    %mul3A_1079 = arith.constant 32 : i32
    %mul3A_1080 = vector.broadcast %mul3A_1079 : i32 to vector<16xi32>
    %mul3A_1081 = arith.muli %iota3A, %mul3A_1080 : vector<16xi32>
    %add3A_1082 = arith.constant 2 : i32
    %add3A_1083 = vector.broadcast %add3A_1082 : i32 to vector<16xi32>
    %add3A_1084 = arith.addi %mul3A_1081, %add3A_1083 : vector<16xi32>
    tpu.vector_store_idx %arg7[%add3A_1084], %gather3A_1078 : memref<512xf32, #tpu.memory_space<vmem>>[vector<16xi32>], vector<16xf32>,
    %sub3A_1085 = arith.subi %squeeze3A_23, %multiple_of3A_28 : i32
    %broadcast_in_dim3A_1086 = vector.broadcast %sub3A_1085 : i32 to vector<16xi32>
    %broadcast_in_dim3A_1087 = arith.constant 3 : i32
    %broadcast_in_dim3A_1088 = vector.broadcast %broadcast_in_dim3A_1087 : i32 to vector<16xi32>
    %gather3A_1089 = tpu.vector_load_idx %arg6[%broadcast_in_dim3A_1088, %iota3A, %broadcast_in_dim3A_1086] : memref<32x16x128xf32, #tpu.memory_space<vmem>>[vector<16xi32>, vector<16xi32>, vector<16xi32>], vector<16xf32>,
    %mul3A_1090 = arith.constant 32 : i32
    %mul3A_1091 = vector.broadcast %mul3A_1090 : i32 to vector<16xi32>
    %mul3A_1092 = arith.muli %iota3A, %mul3A_1091 : vector<16xi32>
    %add3A_1093 = arith.constant 3 : i32
    %add3A_1094 = vector.broadcast %add3A_1093 : i32 to vector<16xi32>
    %add3A_1095 = arith.addi %mul3A_1092, %add3A_1094 : vector<16xi32>
    tpu.vector_store_idx %arg7[%add3A_1095], %gather3A_1089 : memref<512xf32, #tpu.memory_space<vmem>>[vector<16xi32>], vector<16xf32>,
    %sub3A_1096 = arith.subi %squeeze3A_30, %multiple_of3A_35 : i32
    %broadcast_in_dim3A_1097 = vector.broadcast %sub3A_1096 : i32 to vector<16xi32>
    %broadcast_in_dim3A_1098 = arith.constant 4 : i32
    %broadcast_in_dim3A_1099 = vector.broadcast %broadcast_in_dim3A_1098 : i32 to vector<16xi32>
    %gather3A_1100 = tpu.vector_load_idx %arg6[%broadcast_in_dim3A_1099, %iota3A, %broadcast_in_dim3A_1097] : memref<32x16x128xf32, #tpu.memory_space<vmem>>[vector<16xi32>, vector<16xi32>, vector<16xi32>], vector<16xf32>,
    %mul3A_1101 = arith.constant 32 : i32
    %mul3A_1102 = vector.broadcast %mul3A_1101 : i32 to vector<16xi32>
    %mul3A_1103 = arith.muli %iota3A, %mul3A_1102 : vector<16xi32>
    %add3A_1104 = arith.constant 4 : i32
    %add3A_1105 = vector.broadcast %add3A_1104 : i32 to vector<16xi32>
    %add3A_1106 = arith.addi %mul3A_1103, %add3A_1105 : vector<16xi32>
    tpu.vector_store_idx %arg7[%add3A_1106], %gather3A_1100 : memref<512xf32, #tpu.memory_space<vmem>>[vector<16xi32>], vector<16xf32>,
    %sub3A_1107 = arith.subi %squeeze3A_37, %multiple_of3A_42 : i32
    %broadcast_in_dim3A_1108 = vector.broadcast %sub3A_1107 : i32 to vector<16xi32>
    %broadcast_in_dim3A_1109 = arith.constant 5 : i32
    %broadcast_in_dim3A_1110 = vector.broadcast %broadcast_in_dim3A_1109 : i32 to vector<16xi32>
    %gather3A_1111 = tpu.vector_load_idx %arg6[%broadcast_in_dim3A_1110, %iota3A, %broadcast_in_dim3A_1108] : memref<32x16x128xf32, #tpu.memory_space<vmem>>[vector<16xi32>, vector<16xi32>, vector<16xi32>], vector<16xf32>,
    %mul3A_1112 = arith.constant 32 : i32
    %mul3A_1113 = vector.broadcast %mul3A_1112 : i32 to vector<16xi32>
    %mul3A_1114 = arith.muli %iota3A, %mul3A_1113 : vector<16xi32>
    %add3A_1115 = arith.constant 5 : i32
    %add3A_1116 = vector.broadcast %add3A_1115 : i32 to vector<16xi32>
    %add3A_1117 = arith.addi %mul3A_1114, %add3A_1116 : vector<16xi32>
    tpu.vector_store_idx %arg7[%add3A_1117], %gather3A_1111 : memref<512xf32, #tpu.memory_space<vmem>>[vector<16xi32>], vector<16xf32>,
    %sub3A_1118 = arith.subi %squeeze3A_44, %multiple_of3A_49 : i32
    %broadcast_in_dim3A_1119 = vector.broadcast %sub3A_1118 : i32 to vector<16xi32>
    %broadcast_in_dim3A_1120 = arith.constant 6 : i32
    %broadcast_in_dim3A_1121 = vector.broadcast %broadcast_in_dim3A_1120 : i32 to vector<16xi32>
    %gather3A_1122 = tpu.vector_load_idx %arg6[%broadcast_in_dim3A_1121, %iota3A, %broadcast_in_dim3A_1119] : memref<32x16x128xf32, #tpu.memory_space<vmem>>[vector<16xi32>, vector<16xi32>, vector<16xi32>], vector<16xf32>,
    %mul3A_1123 = arith.constant 32 : i32
    %mul3A_1124 = vector.broadcast %mul3A_1123 : i32 to vector<16xi32>
    %mul3A_1125 = arith.muli %iota3A, %mul3A_1124 : vector<16xi32>
    %add3A_1126 = arith.constant 6 : i32
    %add3A_1127 = vector.broadcast %add3A_1126 : i32 to vector<16xi32>
    %add3A_1128 = arith.addi %mul3A_1125, %add3A_1127 : vector<16xi32>
    tpu.vector_store_idx %arg7[%add3A_1128], %gather3A_1122 : memref<512xf32, #tpu.memory_space<vmem>>[vector<16xi32>], vector<16xf32>,
    %sub3A_1129 = arith.subi %squeeze3A_51, %multiple_of3A_56 : i32
    %broadcast_in_dim3A_1130 = vector.broadcast %sub3A_1129 : i32 to vector<16xi32>
    %broadcast_in_dim3A_1131 = arith.constant 7 : i32
    %broadcast_in_dim3A_1132 = vector.broadcast %broadcast_in_dim3A_1131 : i32 to vector<16xi32>
    %gather3A_1133 = tpu.vector_load_idx %arg6[%broadcast_in_dim3A_1132, %iota3A, %broadcast_in_dim3A_1130] : memref<32x16x128xf32, #tpu.memory_space<vmem>>[vector<16xi32>, vector<16xi32>, vector<16xi32>], vector<16xf32>,
    %mul3A_1134 = arith.constant 32 : i32
    %mul3A_1135 = vector.broadcast %mul3A_1134 : i32 to vector<16xi32>
    %mul3A_1136 = arith.muli %iota3A, %mul3A_1135 : vector<16xi32>
    %add3A_1137 = arith.constant 7 : i32
    %add3A_1138 = vector.broadcast %add3A_1137 : i32 to vector<16xi32>
    %add3A_1139 = arith.addi %mul3A_1136, %add3A_1138 : vector<16xi32>
    tpu.vector_store_idx %arg7[%add3A_1139], %gather3A_1133 : memref<512xf32, #tpu.memory_space<vmem>>[vector<16xi32>], vector<16xf32>,
    %sub3A_1140 = arith.subi %squeeze3A_58, %multiple_of3A_63 : i32
    %broadcast_in_dim3A_1141 = vector.broadcast %sub3A_1140 : i32 to vector<16xi32>
    %broadcast_in_dim3A_1142 = arith.constant 8 : i32
    %broadcast_in_dim3A_1143 = vector.broadcast %broadcast_in_dim3A_1142 : i32 to vector<16xi32>
    %gather3A_1144 = tpu.vector_load_idx %arg6[%broadcast_in_dim3A_1143, %iota3A, %broadcast_in_dim3A_1141] : memref<32x16x128xf32, #tpu.memory_space<vmem>>[vector<16xi32>, vector<16xi32>, vector<16xi32>], vector<16xf32>,
    %mul3A_1145 = arith.constant 32 : i32
    %mul3A_1146 = vector.broadcast %mul3A_1145 : i32 to vector<16xi32>
    %mul3A_1147 = arith.muli %iota3A, %mul3A_1146 : vector<16xi32>
    %add3A_1148 = arith.constant 8 : i32
    %add3A_1149 = vector.broadcast %add3A_1148 : i32 to vector<16xi32>
    %add3A_1150 = arith.addi %mul3A_1147, %add3A_1149 : vector<16xi32>
    tpu.vector_store_idx %arg7[%add3A_1150], %gather3A_1144 : memref<512xf32, #tpu.memory_space<vmem>>[vector<16xi32>], vector<16xf32>,
    %sub3A_1151 = arith.subi %squeeze3A_65, %multiple_of3A_70 : i32
    %broadcast_in_dim3A_1152 = vector.broadcast %sub3A_1151 : i32 to vector<16xi32>
    %broadcast_in_dim3A_1153 = arith.constant 9 : i32
    %broadcast_in_dim3A_1154 = vector.broadcast %broadcast_in_dim3A_1153 : i32 to vector<16xi32>
    %gather3A_1155 = tpu.vector_load_idx %arg6[%broadcast_in_dim3A_1154, %iota3A, %broadcast_in_dim3A_1152] : memref<32x16x128xf32, #tpu.memory_space<vmem>>[vector<16xi32>, vector<16xi32>, vector<16xi32>], vector<16xf32>,
    %mul3A_1156 = arith.constant 32 : i32
    %mul3A_1157 = vector.broadcast %mul3A_1156 : i32 to vector<16xi32>
    %mul3A_1158 = arith.muli %iota3A, %mul3A_1157 : vector<16xi32>
    %add3A_1159 = arith.constant 9 : i32
    %add3A_1160 = vector.broadcast %add3A_1159 : i32 to vector<16xi32>
    %add3A_1161 = arith.addi %mul3A_1158, %add3A_1160 : vector<16xi32>
    tpu.vector_store_idx %arg7[%add3A_1161], %gather3A_1155 : memref<512xf32, #tpu.memory_space<vmem>>[vector<16xi32>], vector<16xf32>,
    %sub3A_1162 = arith.subi %squeeze3A_72, %multiple_of3A_77 : i32
    %broadcast_in_dim3A_1163 = vector.broadcast %sub3A_1162 : i32 to vector<16xi32>
    %broadcast_in_dim3A_1164 = arith.constant 10 : i32
    %broadcast_in_dim3A_1165 = vector.broadcast %broadcast_in_dim3A_1164 : i32 to vector<16xi32>
    %gather3A_1166 = tpu.vector_load_idx %arg6[%broadcast_in_dim3A_1165, %iota3A, %broadcast_in_dim3A_1163] : memref<32x16x128xf32, #tpu.memory_space<vmem>>[vector<16xi32>, vector<16xi32>, vector<16xi32>], vector<16xf32>,
    %mul3A_1167 = arith.constant 32 : i32
    %mul3A_1168 = vector.broadcast %mul3A_1167 : i32 to vector<16xi32>
    %mul3A_1169 = arith.muli %iota3A, %mul3A_1168 : vector<16xi32>
    %add3A_1170 = arith.constant 10 : i32
    %add3A_1171 = vector.broadcast %add3A_1170 : i32 to vector<16xi32>
    %add3A_1172 = arith.addi %mul3A_1169, %add3A_1171 : vector<16xi32>
    tpu.vector_store_idx %arg7[%add3A_1172], %gather3A_1166 : memref<512xf32, #tpu.memory_space<vmem>>[vector<16xi32>], vector<16xf32>,
    %sub3A_1173 = arith.subi %squeeze3A_79, %multiple_of3A_84 : i32
    %broadcast_in_dim3A_1174 = vector.broadcast %sub3A_1173 : i32 to vector<16xi32>
    %broadcast_in_dim3A_1175 = arith.constant 11 : i32
    %broadcast_in_dim3A_1176 = vector.broadcast %broadcast_in_dim3A_1175 : i32 to vector<16xi32>
    %gather3A_1177 = tpu.vector_load_idx %arg6[%broadcast_in_dim3A_1176, %iota3A, %broadcast_in_dim3A_1174] : memref<32x16x128xf32, #tpu.memory_space<vmem>>[vector<16xi32>, vector<16xi32>, vector<16xi32>], vector<16xf32>,
    %mul3A_1178 = arith.constant 32 : i32
    %mul3A_1179 = vector.broadcast %mul3A_1178 : i32 to vector<16xi32>
    %mul3A_1180 = arith.muli %iota3A, %mul3A_1179 : vector<16xi32>
    %add3A_1181 = arith.constant 11 : i32
    %add3A_1182 = vector.broadcast %add3A_1181 : i32 to vector<16xi32>
    %add3A_1183 = arith.addi %mul3A_1180, %add3A_1182 : vector<16xi32>
    tpu.vector_store_idx %arg7[%add3A_1183], %gather3A_1177 : memref<512xf32, #tpu.memory_space<vmem>>[vector<16xi32>], vector<16xf32>,
    %sub3A_1184 = arith.subi %squeeze3A_86, %multiple_of3A_91 : i32
    %broadcast_in_dim3A_1185 = vector.broadcast %sub3A_1184 : i32 to vector<16xi32>
    %broadcast_in_dim3A_1186 = arith.constant 12 : i32
    %broadcast_in_dim3A_1187 = vector.broadcast %broadcast_in_dim3A_1186 : i32 to vector<16xi32>
    %gather3A_1188 = tpu.vector_load_idx %arg6[%broadcast_in_dim3A_1187, %iota3A, %broadcast_in_dim3A_1185] : memref<32x16x128xf32, #tpu.memory_space<vmem>>[vector<16xi32>, vector<16xi32>, vector<16xi32>], vector<16xf32>,
    %mul3A_1189 = arith.constant 32 : i32
    %mul3A_1190 = vector.broadcast %mul3A_1189 : i32 to vector<16xi32>
    %mul3A_1191 = arith.muli %iota3A, %mul3A_1190 : vector<16xi32>
    %add3A_1192 = arith.constant 12 : i32
    %add3A_1193 = vector.broadcast %add3A_1192 : i32 to vector<16xi32>
    %add3A_1194 = arith.addi %mul3A_1191, %add3A_1193 : vector<16xi32>
    tpu.vector_store_idx %arg7[%add3A_1194], %gather3A_1188 : memref<512xf32, #tpu.memory_space<vmem>>[vector<16xi32>], vector<16xf32>,
    %sub3A_1195 = arith.subi %squeeze3A_93, %multiple_of3A_98 : i32
    %broadcast_in_dim3A_1196 = vector.broadcast %sub3A_1195 : i32 to vector<16xi32>
    %broadcast_in_dim3A_1197 = arith.constant 13 : i32
    %broadcast_in_dim3A_1198 = vector.broadcast %broadcast_in_dim3A_1197 : i32 to vector<16xi32>
    %gather3A_1199 = tpu.vector_load_idx %arg6[%broadcast_in_dim3A_1198, %iota3A, %broadcast_in_dim3A_1196] : memref<32x16x128xf32, #tpu.memory_space<vmem>>[vector<16xi32>, vector<16xi32>, vector<16xi32>], vector<16xf32>,
    %mul3A_1200 = arith.constant 32 : i32
    %mul3A_1201 = vector.broadcast %mul3A_1200 : i32 to vector<16xi32>
    %mul3A_1202 = arith.muli %iota3A, %mul3A_1201 : vector<16xi32>
    %add3A_1203 = arith.constant 13 : i32
    %add3A_1204 = vector.broadcast %add3A_1203 : i32 to vector<16xi32>
    %add3A_1205 = arith.addi %mul3A_1202, %add3A_1204 : vector<16xi32>
    tpu.vector_store_idx %arg7[%add3A_1205], %gather3A_1199 : memref<512xf32, #tpu.memory_space<vmem>>[vector<16xi32>], vector<16xf32>,
    %sub3A_1206 = arith.subi %squeeze3A_100, %multiple_of3A_105 : i32
    %broadcast_in_dim3A_1207 = vector.broadcast %sub3A_1206 : i32 to vector<16xi32>
    %broadcast_in_dim3A_1208 = arith.constant 14 : i32
    %broadcast_in_dim3A_1209 = vector.broadcast %broadcast_in_dim3A_1208 : i32 to vector<16xi32>
    %gather3A_1210 = tpu.vector_load_idx %arg6[%broadcast_in_dim3A_1209, %iota3A, %broadcast_in_dim3A_1207] : memref<32x16x128xf32, #tpu.memory_space<vmem>>[vector<16xi32>, vector<16xi32>, vector<16xi32>], vector<16xf32>,
    %mul3A_1211 = arith.constant 32 : i32
    %mul3A_1212 = vector.broadcast %mul3A_1211 : i32 to vector<16xi32>
    %mul3A_1213 = arith.muli %iota3A, %mul3A_1212 : vector<16xi32>
    %add3A_1214 = arith.constant 14 : i32
    %add3A_1215 = vector.broadcast %add3A_1214 : i32 to vector<16xi32>
    %add3A_1216 = arith.addi %mul3A_1213, %add3A_1215 : vector<16xi32>
    tpu.vector_store_idx %arg7[%add3A_1216], %gather3A_1210 : memref<512xf32, #tpu.memory_space<vmem>>[vector<16xi32>], vector<16xf32>,
    %sub3A_1217 = arith.subi %squeeze3A_107, %multiple_of3A_112 : i32
    %broadcast_in_dim3A_1218 = vector.broadcast %sub3A_1217 : i32 to vector<16xi32>
    %broadcast_in_dim3A_1219 = arith.constant 15 : i32
    %broadcast_in_dim3A_1220 = vector.broadcast %broadcast_in_dim3A_1219 : i32 to vector<16xi32>
    %gather3A_1221 = tpu.vector_load_idx %arg6[%broadcast_in_dim3A_1220, %iota3A, %broadcast_in_dim3A_1218] : memref<32x16x128xf32, #tpu.memory_space<vmem>>[vector<16xi32>, vector<16xi32>, vector<16xi32>], vector<16xf32>,
    %mul3A_1222 = arith.constant 32 : i32
    %mul3A_1223 = vector.broadcast %mul3A_1222 : i32 to vector<16xi32>
    %mul3A_1224 = arith.muli %iota3A, %mul3A_1223 : vector<16xi32>
    %add3A_1225 = arith.constant 15 : i32
    %add3A_1226 = vector.broadcast %add3A_1225 : i32 to vector<16xi32>
    %add3A_1227 = arith.addi %mul3A_1224, %add3A_1226 : vector<16xi32>
    tpu.vector_store_idx %arg7[%add3A_1227], %gather3A_1221 : memref<512xf32, #tpu.memory_space<vmem>>[vector<16xi32>], vector<16xf32>,
    %sub3A_1228 = arith.subi %squeeze3A_114, %multiple_of3A_119 : i32
    %broadcast_in_dim3A_1229 = vector.broadcast %sub3A_1228 : i32 to vector<16xi32>
    %broadcast_in_dim3A_1230 = arith.constant 16 : i32
    %broadcast_in_dim3A_1231 = vector.broadcast %broadcast_in_dim3A_1230 : i32 to vector<16xi32>
    %gather3A_1232 = tpu.vector_load_idx %arg6[%broadcast_in_dim3A_1231, %iota3A, %broadcast_in_dim3A_1229] : memref<32x16x128xf32, #tpu.memory_space<vmem>>[vector<16xi32>, vector<16xi32>, vector<16xi32>], vector<16xf32>,
    %mul3A_1233 = arith.constant 32 : i32
    %mul3A_1234 = vector.broadcast %mul3A_1233 : i32 to vector<16xi32>
    %mul3A_1235 = arith.muli %iota3A, %mul3A_1234 : vector<16xi32>
    %add3A_1236 = arith.constant 16 : i32
    %add3A_1237 = vector.broadcast %add3A_1236 : i32 to vector<16xi32>
    %add3A_1238 = arith.addi %mul3A_1235, %add3A_1237 : vector<16xi32>
    tpu.vector_store_idx %arg7[%add3A_1238], %gather3A_1232 : memref<512xf32, #tpu.memory_space<vmem>>[vector<16xi32>], vector<16xf32>,
    %sub3A_1239 = arith.subi %squeeze3A_121, %multiple_of3A_126 : i32
    %broadcast_in_dim3A_1240 = vector.broadcast %sub3A_1239 : i32 to vector<16xi32>
    %broadcast_in_dim3A_1241 = arith.constant 17 : i32
    %broadcast_in_dim3A_1242 = vector.broadcast %broadcast_in_dim3A_1241 : i32 to vector<16xi32>
    %gather3A_1243 = tpu.vector_load_idx %arg6[%broadcast_in_dim3A_1242, %iota3A, %broadcast_in_dim3A_1240] : memref<32x16x128xf32, #tpu.memory_space<vmem>>[vector<16xi32>, vector<16xi32>, vector<16xi32>], vector<16xf32>,
    %mul3A_1244 = arith.constant 32 : i32
    %mul3A_1245 = vector.broadcast %mul3A_1244 : i32 to vector<16xi32>
    %mul3A_1246 = arith.muli %iota3A, %mul3A_1245 : vector<16xi32>
    %add3A_1247 = arith.constant 17 : i32
    %add3A_1248 = vector.broadcast %add3A_1247 : i32 to vector<16xi32>
    %add3A_1249 = arith.addi %mul3A_1246, %add3A_1248 : vector<16xi32>
    tpu.vector_store_idx %arg7[%add3A_1249], %gather3A_1243 : memref<512xf32, #tpu.memory_space<vmem>>[vector<16xi32>], vector<16xf32>,
    %sub3A_1250 = arith.subi %squeeze3A_128, %multiple_of3A_133 : i32
    %broadcast_in_dim3A_1251 = vector.broadcast %sub3A_1250 : i32 to vector<16xi32>
    %broadcast_in_dim3A_1252 = arith.constant 18 : i32
    %broadcast_in_dim3A_1253 = vector.broadcast %broadcast_in_dim3A_1252 : i32 to vector<16xi32>
    %gather3A_1254 = tpu.vector_load_idx %arg6[%broadcast_in_dim3A_1253, %iota3A, %broadcast_in_dim3A_1251] : memref<32x16x128xf32, #tpu.memory_space<vmem>>[vector<16xi32>, vector<16xi32>, vector<16xi32>], vector<16xf32>,
    %mul3A_1255 = arith.constant 32 : i32
    %mul3A_1256 = vector.broadcast %mul3A_1255 : i32 to vector<16xi32>
    %mul3A_1257 = arith.muli %iota3A, %mul3A_1256 : vector<16xi32>
    %add3A_1258 = arith.constant 18 : i32
    %add3A_1259 = vector.broadcast %add3A_1258 : i32 to vector<16xi32>
    %add3A_1260 = arith.addi %mul3A_1257, %add3A_1259 : vector<16xi32>
    tpu.vector_store_idx %arg7[%add3A_1260], %gather3A_1254 : memref<512xf32, #tpu.memory_space<vmem>>[vector<16xi32>], vector<16xf32>,
    %sub3A_1261 = arith.subi %squeeze3A_135, %multiple_of3A_140 : i32
    %broadcast_in_dim3A_1262 = vector.broadcast %sub3A_1261 : i32 to vector<16xi32>
    %broadcast_in_dim3A_1263 = arith.constant 19 : i32
    %broadcast_in_dim3A_1264 = vector.broadcast %broadcast_in_dim3A_1263 : i32 to vector<16xi32>
    %gather3A_1265 = tpu.vector_load_idx %arg6[%broadcast_in_dim3A_1264, %iota3A, %broadcast_in_dim3A_1262] : memref<32x16x128xf32, #tpu.memory_space<vmem>>[vector<16xi32>, vector<16xi32>, vector<16xi32>], vector<16xf32>,
    %mul3A_1266 = arith.constant 32 : i32
    %mul3A_1267 = vector.broadcast %mul3A_1266 : i32 to vector<16xi32>
    %mul3A_1268 = arith.muli %iota3A, %mul3A_1267 : vector<16xi32>
    %add3A_1269 = arith.constant 19 : i32
    %add3A_1270 = vector.broadcast %add3A_1269 : i32 to vector<16xi32>
    %add3A_1271 = arith.addi %mul3A_1268, %add3A_1270 : vector<16xi32>
    tpu.vector_store_idx %arg7[%add3A_1271], %gather3A_1265 : memref<512xf32, #tpu.memory_space<vmem>>[vector<16xi32>], vector<16xf32>,
    %sub3A_1272 = arith.subi %squeeze3A_142, %multiple_of3A_147 : i32
    %broadcast_in_dim3A_1273 = vector.broadcast %sub3A_1272 : i32 to vector<16xi32>
    %broadcast_in_dim3A_1274 = arith.constant 20 : i32
    %broadcast_in_dim3A_1275 = vector.broadcast %broadcast_in_dim3A_1274 : i32 to vector<16xi32>
    %gather3A_1276 = tpu.vector_load_idx %arg6[%broadcast_in_dim3A_1275, %iota3A, %broadcast_in_dim3A_1273] : memref<32x16x128xf32, #tpu.memory_space<vmem>>[vector<16xi32>, vector<16xi32>, vector<16xi32>], vector<16xf32>,
    %mul3A_1277 = arith.constant 32 : i32
    %mul3A_1278 = vector.broadcast %mul3A_1277 : i32 to vector<16xi32>
    %mul3A_1279 = arith.muli %iota3A, %mul3A_1278 : vector<16xi32>
    %add3A_1280 = arith.constant 20 : i32
    %add3A_1281 = vector.broadcast %add3A_1280 : i32 to vector<16xi32>
    %add3A_1282 = arith.addi %mul3A_1279, %add3A_1281 : vector<16xi32>
    tpu.vector_store_idx %arg7[%add3A_1282], %gather3A_1276 : memref<512xf32, #tpu.memory_space<vmem>>[vector<16xi32>], vector<16xf32>,
    %sub3A_1283 = arith.subi %squeeze3A_149, %multiple_of3A_154 : i32
    %broadcast_in_dim3A_1284 = vector.broadcast %sub3A_1283 : i32 to vector<16xi32>
    %broadcast_in_dim3A_1285 = arith.constant 21 : i32
    %broadcast_in_dim3A_1286 = vector.broadcast %broadcast_in_dim3A_1285 : i32 to vector<16xi32>
    %gather3A_1287 = tpu.vector_load_idx %arg6[%broadcast_in_dim3A_1286, %iota3A, %broadcast_in_dim3A_1284] : memref<32x16x128xf32, #tpu.memory_space<vmem>>[vector<16xi32>, vector<16xi32>, vector<16xi32>], vector<16xf32>,
    %mul3A_1288 = arith.constant 32 : i32
    %mul3A_1289 = vector.broadcast %mul3A_1288 : i32 to vector<16xi32>
    %mul3A_1290 = arith.muli %iota3A, %mul3A_1289 : vector<16xi32>
    %add3A_1291 = arith.constant 21 : i32
    %add3A_1292 = vector.broadcast %add3A_1291 : i32 to vector<16xi32>
    %add3A_1293 = arith.addi %mul3A_1290, %add3A_1292 : vector<16xi32>
    tpu.vector_store_idx %arg7[%add3A_1293], %gather3A_1287 : memref<512xf32, #tpu.memory_space<vmem>>[vector<16xi32>], vector<16xf32>,
    %sub3A_1294 = arith.subi %squeeze3A_156, %multiple_of3A_161 : i32
    %broadcast_in_dim3A_1295 = vector.broadcast %sub3A_1294 : i32 to vector<16xi32>
    %broadcast_in_dim3A_1296 = arith.constant 22 : i32
    %broadcast_in_dim3A_1297 = vector.broadcast %broadcast_in_dim3A_1296 : i32 to vector<16xi32>
    %gather3A_1298 = tpu.vector_load_idx %arg6[%broadcast_in_dim3A_1297, %iota3A, %broadcast_in_dim3A_1295] : memref<32x16x128xf32, #tpu.memory_space<vmem>>[vector<16xi32>, vector<16xi32>, vector<16xi32>], vector<16xf32>,
    %mul3A_1299 = arith.constant 32 : i32
    %mul3A_1300 = vector.broadcast %mul3A_1299 : i32 to vector<16xi32>
    %mul3A_1301 = arith.muli %iota3A, %mul3A_1300 : vector<16xi32>
    %add3A_1302 = arith.constant 22 : i32
    %add3A_1303 = vector.broadcast %add3A_1302 : i32 to vector<16xi32>
    %add3A_1304 = arith.addi %mul3A_1301, %add3A_1303 : vector<16xi32>
    tpu.vector_store_idx %arg7[%add3A_1304], %gather3A_1298 : memref<512xf32, #tpu.memory_space<vmem>>[vector<16xi32>], vector<16xf32>,
    %sub3A_1305 = arith.subi %squeeze3A_163, %multiple_of3A_168 : i32
    %broadcast_in_dim3A_1306 = vector.broadcast %sub3A_1305 : i32 to vector<16xi32>
    %broadcast_in_dim3A_1307 = arith.constant 23 : i32
    %broadcast_in_dim3A_1308 = vector.broadcast %broadcast_in_dim3A_1307 : i32 to vector<16xi32>
    %gather3A_1309 = tpu.vector_load_idx %arg6[%broadcast_in_dim3A_1308, %iota3A, %broadcast_in_dim3A_1306] : memref<32x16x128xf32, #tpu.memory_space<vmem>>[vector<16xi32>, vector<16xi32>, vector<16xi32>], vector<16xf32>,
    %mul3A_1310 = arith.constant 32 : i32
    %mul3A_1311 = vector.broadcast %mul3A_1310 : i32 to vector<16xi32>
    %mul3A_1312 = arith.muli %iota3A, %mul3A_1311 : vector<16xi32>
    %add3A_1313 = arith.constant 23 : i32
    %add3A_1314 = vector.broadcast %add3A_1313 : i32 to vector<16xi32>
    %add3A_1315 = arith.addi %mul3A_1312, %add3A_1314 : vector<16xi32>
    tpu.vector_store_idx %arg7[%add3A_1315], %gather3A_1309 : memref<512xf32, #tpu.memory_space<vmem>>[vector<16xi32>], vector<16xf32>,
    %sub3A_1316 = arith.subi %squeeze3A_170, %multiple_of3A_175 : i32
    %broadcast_in_dim3A_1317 = vector.broadcast %sub3A_1316 : i32 to vector<16xi32>
    %broadcast_in_dim3A_1318 = arith.constant 24 : i32
    %broadcast_in_dim3A_1319 = vector.broadcast %broadcast_in_dim3A_1318 : i32 to vector<16xi32>
    %gather3A_1320 = tpu.vector_load_idx %arg6[%broadcast_in_dim3A_1319, %iota3A, %broadcast_in_dim3A_1317] : memref<32x16x128xf32, #tpu.memory_space<vmem>>[vector<16xi32>, vector<16xi32>, vector<16xi32>], vector<16xf32>,
    %mul3A_1321 = arith.constant 32 : i32
    %mul3A_1322 = vector.broadcast %mul3A_1321 : i32 to vector<16xi32>
    %mul3A_1323 = arith.muli %iota3A, %mul3A_1322 : vector<16xi32>
    %add3A_1324 = arith.constant 24 : i32
    %add3A_1325 = vector.broadcast %add3A_1324 : i32 to vector<16xi32>
    %add3A_1326 = arith.addi %mul3A_1323, %add3A_1325 : vector<16xi32>
    tpu.vector_store_idx %arg7[%add3A_1326], %gather3A_1320 : memref<512xf32, #tpu.memory_space<vmem>>[vector<16xi32>], vector<16xf32>,
    %sub3A_1327 = arith.subi %squeeze3A_177, %multiple_of3A_182 : i32
    %broadcast_in_dim3A_1328 = vector.broadcast %sub3A_1327 : i32 to vector<16xi32>
    %broadcast_in_dim3A_1329 = arith.constant 25 : i32
    %broadcast_in_dim3A_1330 = vector.broadcast %broadcast_in_dim3A_1329 : i32 to vector<16xi32>
    %gather3A_1331 = tpu.vector_load_idx %arg6[%broadcast_in_dim3A_1330, %iota3A, %broadcast_in_dim3A_1328] : memref<32x16x128xf32, #tpu.memory_space<vmem>>[vector<16xi32>, vector<16xi32>, vector<16xi32>], vector<16xf32>,
    %mul3A_1332 = arith.constant 32 : i32
    %mul3A_1333 = vector.broadcast %mul3A_1332 : i32 to vector<16xi32>
    %mul3A_1334 = arith.muli %iota3A, %mul3A_1333 : vector<16xi32>
    %add3A_1335 = arith.constant 25 : i32
    %add3A_1336 = vector.broadcast %add3A_1335 : i32 to vector<16xi32>
    %add3A_1337 = arith.addi %mul3A_1334, %add3A_1336 : vector<16xi32>
    tpu.vector_store_idx %arg7[%add3A_1337], %gather3A_1331 : memref<512xf32, #tpu.memory_space<vmem>>[vector<16xi32>], vector<16xf32>,
    %sub3A_1338 = arith.subi %squeeze3A_184, %multiple_of3A_189 : i32
    %broadcast_in_dim3A_1339 = vector.broadcast %sub3A_1338 : i32 to vector<16xi32>
    %broadcast_in_dim3A_1340 = arith.constant 26 : i32
    %broadcast_in_dim3A_1341 = vector.broadcast %broadcast_in_dim3A_1340 : i32 to vector<16xi32>
    %gather3A_1342 = tpu.vector_load_idx %arg6[%broadcast_in_dim3A_1341, %iota3A, %broadcast_in_dim3A_1339] : memref<32x16x128xf32, #tpu.memory_space<vmem>>[vector<16xi32>, vector<16xi32>, vector<16xi32>], vector<16xf32>,
    %mul3A_1343 = arith.constant 32 : i32
    %mul3A_1344 = vector.broadcast %mul3A_1343 : i32 to vector<16xi32>
    %mul3A_1345 = arith.muli %iota3A, %mul3A_1344 : vector<16xi32>
    %add3A_1346 = arith.constant 26 : i32
    %add3A_1347 = vector.broadcast %add3A_1346 : i32 to vector<16xi32>
    %add3A_1348 = arith.addi %mul3A_1345, %add3A_1347 : vector<16xi32>
    tpu.vector_store_idx %arg7[%add3A_1348], %gather3A_1342 : memref<512xf32, #tpu.memory_space<vmem>>[vector<16xi32>], vector<16xf32>,
    %sub3A_1349 = arith.subi %squeeze3A_191, %multiple_of3A_196 : i32
    %broadcast_in_dim3A_1350 = vector.broadcast %sub3A_1349 : i32 to vector<16xi32>
    %broadcast_in_dim3A_1351 = arith.constant 27 : i32
    %broadcast_in_dim3A_1352 = vector.broadcast %broadcast_in_dim3A_1351 : i32 to vector<16xi32>
    %gather3A_1353 = tpu.vector_load_idx %arg6[%broadcast_in_dim3A_1352, %iota3A, %broadcast_in_dim3A_1350] : memref<32x16x128xf32, #tpu.memory_space<vmem>>[vector<16xi32>, vector<16xi32>, vector<16xi32>], vector<16xf32>,
    %mul3A_1354 = arith.constant 32 : i32
    %mul3A_1355 = vector.broadcast %mul3A_1354 : i32 to vector<16xi32>
    %mul3A_1356 = arith.muli %iota3A, %mul3A_1355 : vector<16xi32>
    %add3A_1357 = arith.constant 27 : i32
    %add3A_1358 = vector.broadcast %add3A_1357 : i32 to vector<16xi32>
    %add3A_1359 = arith.addi %mul3A_1356, %add3A_1358 : vector<16xi32>
    tpu.vector_store_idx %arg7[%add3A_1359], %gather3A_1353 : memref<512xf32, #tpu.memory_space<vmem>>[vector<16xi32>], vector<16xf32>,
    %sub3A_1360 = arith.subi %squeeze3A_198, %multiple_of3A_203 : i32
    %broadcast_in_dim3A_1361 = vector.broadcast %sub3A_1360 : i32 to vector<16xi32>
    %broadcast_in_dim3A_1362 = arith.constant 28 : i32
    %broadcast_in_dim3A_1363 = vector.broadcast %broadcast_in_dim3A_1362 : i32 to vector<16xi32>
    %gather3A_1364 = tpu.vector_load_idx %arg6[%broadcast_in_dim3A_1363, %iota3A, %broadcast_in_dim3A_1361] : memref<32x16x128xf32, #tpu.memory_space<vmem>>[vector<16xi32>, vector<16xi32>, vector<16xi32>], vector<16xf32>,
    %mul3A_1365 = arith.constant 32 : i32
    %mul3A_1366 = vector.broadcast %mul3A_1365 : i32 to vector<16xi32>
    %mul3A_1367 = arith.muli %iota3A, %mul3A_1366 : vector<16xi32>
    %add3A_1368 = arith.constant 28 : i32
    %add3A_1369 = vector.broadcast %add3A_1368 : i32 to vector<16xi32>
    %add3A_1370 = arith.addi %mul3A_1367, %add3A_1369 : vector<16xi32>
    tpu.vector_store_idx %arg7[%add3A_1370], %gather3A_1364 : memref<512xf32, #tpu.memory_space<vmem>>[vector<16xi32>], vector<16xf32>,
    %sub3A_1371 = arith.subi %squeeze3A_205, %multiple_of3A_210 : i32
    %broadcast_in_dim3A_1372 = vector.broadcast %sub3A_1371 : i32 to vector<16xi32>
    %broadcast_in_dim3A_1373 = arith.constant 29 : i32
    %broadcast_in_dim3A_1374 = vector.broadcast %broadcast_in_dim3A_1373 : i32 to vector<16xi32>
    %gather3A_1375 = tpu.vector_load_idx %arg6[%broadcast_in_dim3A_1374, %iota3A, %broadcast_in_dim3A_1372] : memref<32x16x128xf32, #tpu.memory_space<vmem>>[vector<16xi32>, vector<16xi32>, vector<16xi32>], vector<16xf32>,
    %mul3A_1376 = arith.constant 32 : i32
    %mul3A_1377 = vector.broadcast %mul3A_1376 : i32 to vector<16xi32>
    %mul3A_1378 = arith.muli %iota3A, %mul3A_1377 : vector<16xi32>
    %add3A_1379 = arith.constant 29 : i32
    %add3A_1380 = vector.broadcast %add3A_1379 : i32 to vector<16xi32>
    %add3A_1381 = arith.addi %mul3A_1378, %add3A_1380 : vector<16xi32>
    tpu.vector_store_idx %arg7[%add3A_1381], %gather3A_1375 : memref<512xf32, #tpu.memory_space<vmem>>[vector<16xi32>], vector<16xf32>,
    %sub3A_1382 = arith.subi %squeeze3A_212, %multiple_of3A_217 : i32
    %broadcast_in_dim3A_1383 = vector.broadcast %sub3A_1382 : i32 to vector<16xi32>
    %broadcast_in_dim3A_1384 = arith.constant 30 : i32
    %broadcast_in_dim3A_1385 = vector.broadcast %broadcast_in_dim3A_1384 : i32 to vector<16xi32>
    %gather3A_1386 = tpu.vector_load_idx %arg6[%broadcast_in_dim3A_1385, %iota3A, %broadcast_in_dim3A_1383] : memref<32x16x128xf32, #tpu.memory_space<vmem>>[vector<16xi32>, vector<16xi32>, vector<16xi32>], vector<16xf32>,
    %mul3A_1387 = arith.constant 32 : i32
    %mul3A_1388 = vector.broadcast %mul3A_1387 : i32 to vector<16xi32>
    %mul3A_1389 = arith.muli %iota3A, %mul3A_1388 : vector<16xi32>
    %add3A_1390 = arith.constant 30 : i32
    %add3A_1391 = vector.broadcast %add3A_1390 : i32 to vector<16xi32>
    %add3A_1392 = arith.addi %mul3A_1389, %add3A_1391 : vector<16xi32>
    tpu.vector_store_idx %arg7[%add3A_1392], %gather3A_1386 : memref<512xf32, #tpu.memory_space<vmem>>[vector<16xi32>], vector<16xf32>,
    %sub3A_1393 = arith.subi %squeeze3A_219, %multiple_of3A_224 : i32
    %broadcast_in_dim3A_1394 = vector.broadcast %sub3A_1393 : i32 to vector<16xi32>
    %broadcast_in_dim3A_1395 = arith.constant 31 : i32
    %broadcast_in_dim3A_1396 = vector.broadcast %broadcast_in_dim3A_1395 : i32 to vector<16xi32>
    %gather3A_1397 = tpu.vector_load_idx %arg6[%broadcast_in_dim3A_1396, %iota3A, %broadcast_in_dim3A_1394] : memref<32x16x128xf32, #tpu.memory_space<vmem>>[vector<16xi32>, vector<16xi32>, vector<16xi32>], vector<16xf32>,
    %mul3A_1398 = arith.constant 32 : i32
    %mul3A_1399 = vector.broadcast %mul3A_1398 : i32 to vector<16xi32>
    %mul3A_1400 = arith.muli %iota3A, %mul3A_1399 : vector<16xi32>
    %add3A_1401 = arith.constant 31 : i32
    %add3A_1402 = vector.broadcast %add3A_1401 : i32 to vector<16xi32>
    %add3A_1403 = arith.addi %mul3A_1400, %add3A_1402 : vector<16xi32>
    tpu.vector_store_idx %arg7[%add3A_1403], %gather3A_1397 : memref<512xf32, #tpu.memory_space<vmem>>[vector<16xi32>], vector<16xf32>,
    %mul3A_1404 = arith.constant 32 : i32
    %mul3A_1405 = arith.muli %arg1, %mul3A_1404 : i32
    %mul3A_1406 = arith.constant 16 : i32
    %mul3A_1407 = arith.muli %mul3A_1405, %mul3A_1406 : i32
    "tpu.region"() ({
      %run_scoped3A = tpu.sem_alloc : memref<!tpu.dma_semaphore, #tpu.memory_space<semaphore_mem>>
      %dma_start3A_1410 = tpu.memref_slice %arg8[%mul3A_1407] : memref<8192xf32, #tpu.memory_space<vmem_shared>> -> memref<512xf32, #tpu.memory_space<vmem_shared>>
      %dma_start3A_1411 = tpu.memref_slice %arg8[%mul3A_1407] : memref<8192xf32, #tpu.memory_space<vmem_shared>> -> memref<512xf32, #tpu.memory_space<vmem_shared>>
      tpu.enqueue_dma source(%arg7 : memref<512xf32, #tpu.memory_space<vmem>>) target(%dma_start3A_1411 : memref<512xf32, #tpu.memory_space<vmem_shared>>) target_semaphore(%run_scoped3A : memref<!tpu.dma_semaphore, #tpu.memory_space<semaphore_mem>>)
      %dma_wait3A_1412 = tpu.memref_slice %arg8[%mul3A_1407] : memref<8192xf32, #tpu.memory_space<vmem_shared>> -> memref<512xf32, #tpu.memory_space<vmem_shared>>
      %dma_wait3A_1413 = tpu.memref_slice %arg8[%mul3A_1407] : memref<8192xf32, #tpu.memory_space<vmem_shared>> -> memref<512xf32, #tpu.memory_space<vmem_shared>>
      tpu.wait_dma2 semaphore(%run_scoped3A : memref<!tpu.dma_semaphore, #tpu.memory_space<semaphore_mem>>) src(%arg7 : memref<512xf32, #tpu.memory_space<vmem>>) dst(%dma_wait3A_1413 : memref<512xf32, #tpu.memory_space<vmem_shared>>)
      tpu.yield
    }) : () -> ()
    %barrier3A = arith.constant 0 : index
    tpu.barrier barrier_id(%barrier3A)
    %lt3A = arith.constant 4 : i32
    %lt3A_1408 = arith.cmpi slt, %arg1, %lt3A : i32
    %convert_element_type3A = arith.extui %lt3A_1408 : i1 to i32
    %cond3A = arith.constant 0 : i32
    %cond3A_1409 = arith.cmpi ne, %convert_element_type3A, %cond3A : i32
    scf.if %cond3A_1409 {
      %mul3A_1410 = arith.constant 2048 : i32
      %mul3A_1411 = arith.muli %arg1, %mul3A_1410 : i32
      "tpu.region"() ({
        %run_scoped3A = tpu.sem_alloc : memref<!tpu.dma_semaphore, #tpu.memory_space<semaphore_mem>>
        %dma_start3A_2185 = tpu.memref_slice %arg8[%mul3A_1411] : memref<8192xf32, #tpu.memory_space<vmem_shared>> -> memref<2048xf32, #tpu.memory_space<vmem_shared>>
        %dma_start3A_2186 = tpu.memref_slice %arg8[%mul3A_1411] : memref<8192xf32, #tpu.memory_space<vmem_shared>> -> memref<2048xf32, #tpu.memory_space<vmem_shared>>
        tpu.enqueue_dma source(%dma_start3A_2186 : memref<2048xf32, #tpu.memory_space<vmem_shared>>) target(%arg9 : memref<2048xf32, #tpu.memory_space<vmem>>) target_semaphore(%run_scoped3A : memref<!tpu.dma_semaphore, #tpu.memory_space<semaphore_mem>>)
        %dma_wait3A_2187 = tpu.memref_slice %arg8[%mul3A_1411] : memref<8192xf32, #tpu.memory_space<vmem_shared>> -> memref<2048xf32, #tpu.memory_space<vmem_shared>>
        %dma_wait3A_2188 = tpu.memref_slice %arg8[%mul3A_1411] : memref<8192xf32, #tpu.memory_space<vmem_shared>> -> memref<2048xf32, #tpu.memory_space<vmem_shared>>
        tpu.wait_dma2 semaphore(%run_scoped3A : memref<!tpu.dma_semaphore, #tpu.memory_space<semaphore_mem>>) src(%dma_wait3A_2188 : memref<2048xf32, #tpu.memory_space<vmem_shared>>) dst(%arg9 : memref<2048xf32, #tpu.memory_space<vmem>>)
        tpu.yield
      }) : () -> ()
      %get3A_1412 = arith.constant 0 : index
      %get3A_1413 = tpu.vector_load %arg9[%get3A_1412] {strides = array<i32>} : memref<2048xf32, #tpu.memory_space<vmem>>, vector<16xf32>,
      %swap3A = arith.constant 0 : i32
      %swap3A_1414 = arith.index_cast %swap3A : i32 to index
      %swap3A_1415 = arith.constant 0 : index
      %swap3A_1416 = tpu.vector_load %arg10[%swap3A_1414, %swap3A_1415] {strides = array<i32>} : memref<16x128xf32, #tpu.memory_space<vmem>>, vector<16xf32>,
      tpu.vector_store %arg10[%swap3A_1414, %swap3A_1415], %get3A_1413 {strides = array<i32>} : memref<16x128xf32, #tpu.memory_space<vmem>>, vector<16xf32>,
      %get3A_1417 = arith.constant 16 : index
      %get3A_1418 = tpu.vector_load %arg9[%get3A_1417] {strides = array<i32>} : memref<2048xf32, #tpu.memory_space<vmem>>, vector<16xf32>,
      %swap3A_1419 = arith.constant 0 : i32
      %swap3A_1420 = arith.index_cast %swap3A_1419 : i32 to index
      %swap3A_1421 = arith.constant 16 : index
      %swap3A_1422 = tpu.vector_load %arg10[%swap3A_1420, %swap3A_1421] {strides = array<i32>} : memref<16x128xf32, #tpu.memory_space<vmem>>, vector<16xf32>,
      tpu.vector_store %arg10[%swap3A_1420, %swap3A_1421], %get3A_1418 {strides = array<i32>} : memref<16x128xf32, #tpu.memory_space<vmem>>, vector<16xf32>,
      %get3A_1423 = arith.constant 32 : index
      %get3A_1424 = tpu.vector_load %arg9[%get3A_1423] {strides = array<i32>} : memref<2048xf32, #tpu.memory_space<vmem>>, vector<16xf32>,
      %swap3A_1425 = arith.constant 1 : i32
      %swap3A_1426 = arith.index_cast %swap3A_1425 : i32 to index
      %swap3A_1427 = arith.constant 0 : index
      %swap3A_1428 = tpu.vector_load %arg10[%swap3A_1426, %swap3A_1427] {strides = array<i32>} : memref<16x128xf32, #tpu.memory_space<vmem>>, vector<16xf32>,
      tpu.vector_store %arg10[%swap3A_1426, %swap3A_1427], %get3A_1424 {strides = array<i32>} : memref<16x128xf32, #tpu.memory_space<vmem>>, vector<16xf32>,
      %get3A_1429 = arith.constant 48 : index
      %get3A_1430 = tpu.vector_load %arg9[%get3A_1429] {strides = array<i32>} : memref<2048xf32, #tpu.memory_space<vmem>>, vector<16xf32>,
      %swap3A_1431 = arith.constant 1 : i32
      %swap3A_1432 = arith.index_cast %swap3A_1431 : i32 to index
      %swap3A_1433 = arith.constant 16 : index
      %swap3A_1434 = tpu.vector_load %arg10[%swap3A_1432, %swap3A_1433] {strides = array<i32>} : memref<16x128xf32, #tpu.memory_space<vmem>>, vector<16xf32>,
      tpu.vector_store %arg10[%swap3A_1432, %swap3A_1433], %get3A_1430 {strides = array<i32>} : memref<16x128xf32, #tpu.memory_space<vmem>>, vector<16xf32>,
      %get3A_1435 = arith.constant 64 : index
      %get3A_1436 = tpu.vector_load %arg9[%get3A_1435] {strides = array<i32>} : memref<2048xf32, #tpu.memory_space<vmem>>, vector<16xf32>,
      %swap3A_1437 = arith.constant 2 : i32
      %swap3A_1438 = arith.index_cast %swap3A_1437 : i32 to index
      %swap3A_1439 = arith.constant 0 : index
      %swap3A_1440 = tpu.vector_load %arg10[%swap3A_1438, %swap3A_1439] {strides = array<i32>} : memref<16x128xf32, #tpu.memory_space<vmem>>, vector<16xf32>,
      tpu.vector_store %arg10[%swap3A_1438, %swap3A_1439], %get3A_1436 {strides = array<i32>} : memref<16x128xf32, #tpu.memory_space<vmem>>, vector<16xf32>,
      %get3A_1441 = arith.constant 80 : index
      %get3A_1442 = tpu.vector_load %arg9[%get3A_1441] {strides = array<i32>} : memref<2048xf32, #tpu.memory_space<vmem>>, vector<16xf32>,
      %swap3A_1443 = arith.constant 2 : i32
      %swap3A_1444 = arith.index_cast %swap3A_1443 : i32 to index
      %swap3A_1445 = arith.constant 16 : index
      %swap3A_1446 = tpu.vector_load %arg10[%swap3A_1444, %swap3A_1445] {strides = array<i32>} : memref<16x128xf32, #tpu.memory_space<vmem>>, vector<16xf32>,
      tpu.vector_store %arg10[%swap3A_1444, %swap3A_1445], %get3A_1442 {strides = array<i32>} : memref<16x128xf32, #tpu.memory_space<vmem>>, vector<16xf32>,
      %get3A_1447 = arith.constant 96 : index
      %get3A_1448 = tpu.vector_load %arg9[%get3A_1447] {strides = array<i32>} : memref<2048xf32, #tpu.memory_space<vmem>>, vector<16xf32>,
      %swap3A_1449 = arith.constant 3 : i32
      %swap3A_1450 = arith.index_cast %swap3A_1449 : i32 to index
      %swap3A_1451 = arith.constant 0 : index
      %swap3A_1452 = tpu.vector_load %arg10[%swap3A_1450, %swap3A_1451] {strides = array<i32>} : memref<16x128xf32, #tpu.memory_space<vmem>>, vector<16xf32>,
      tpu.vector_store %arg10[%swap3A_1450, %swap3A_1451], %get3A_1448 {strides = array<i32>} : memref<16x128xf32, #tpu.memory_space<vmem>>, vector<16xf32>,
      %get3A_1453 = arith.constant 112 : index
      %get3A_1454 = tpu.vector_load %arg9[%get3A_1453] {strides = array<i32>} : memref<2048xf32, #tpu.memory_space<vmem>>, vector<16xf32>,
      %swap3A_1455 = arith.constant 3 : i32
      %swap3A_1456 = arith.index_cast %swap3A_1455 : i32 to index
      %swap3A_1457 = arith.constant 16 : index
      %swap3A_1458 = tpu.vector_load %arg10[%swap3A_1456, %swap3A_1457] {strides = array<i32>} : memref<16x128xf32, #tpu.memory_space<vmem>>, vector<16xf32>,
      tpu.vector_store %arg10[%swap3A_1456, %swap3A_1457], %get3A_1454 {strides = array<i32>} : memref<16x128xf32, #tpu.memory_space<vmem>>, vector<16xf32>,
      %get3A_1459 = arith.constant 128 : index
      %get3A_1460 = tpu.vector_load %arg9[%get3A_1459] {strides = array<i32>} : memref<2048xf32, #tpu.memory_space<vmem>>, vector<16xf32>,
      %swap3A_1461 = arith.constant 4 : i32
      %swap3A_1462 = arith.index_cast %swap3A_1461 : i32 to index
      %swap3A_1463 = arith.constant 0 : index
      %swap3A_1464 = tpu.vector_load %arg10[%swap3A_1462, %swap3A_1463] {strides = array<i32>} : memref<16x128xf32, #tpu.memory_space<vmem>>, vector<16xf32>,
      tpu.vector_store %arg10[%swap3A_1462, %swap3A_1463], %get3A_1460 {strides = array<i32>} : memref<16x128xf32, #tpu.memory_space<vmem>>, vector<16xf32>,
      %get3A_1465 = arith.constant 144 : index
      %get3A_1466 = tpu.vector_load %arg9[%get3A_1465] {strides = array<i32>} : memref<2048xf32, #tpu.memory_space<vmem>>, vector<16xf32>,
      %swap3A_1467 = arith.constant 4 : i32
      %swap3A_1468 = arith.index_cast %swap3A_1467 : i32 to index
      %swap3A_1469 = arith.constant 16 : index
      %swap3A_1470 = tpu.vector_load %arg10[%swap3A_1468, %swap3A_1469] {strides = array<i32>} : memref<16x128xf32, #tpu.memory_space<vmem>>, vector<16xf32>,
      tpu.vector_store %arg10[%swap3A_1468, %swap3A_1469], %get3A_1466 {strides = array<i32>} : memref<16x128xf32, #tpu.memory_space<vmem>>, vector<16xf32>,
      %get3A_1471 = arith.constant 160 : index
      %get3A_1472 = tpu.vector_load %arg9[%get3A_1471] {strides = array<i32>} : memref<2048xf32, #tpu.memory_space<vmem>>, vector<16xf32>,
      %swap3A_1473 = arith.constant 5 : i32
      %swap3A_1474 = arith.index_cast %swap3A_1473 : i32 to index
      %swap3A_1475 = arith.constant 0 : index
      %swap3A_1476 = tpu.vector_load %arg10[%swap3A_1474, %swap3A_1475] {strides = array<i32>} : memref<16x128xf32, #tpu.memory_space<vmem>>, vector<16xf32>,
      tpu.vector_store %arg10[%swap3A_1474, %swap3A_1475], %get3A_1472 {strides = array<i32>} : memref<16x128xf32, #tpu.memory_space<vmem>>, vector<16xf32>,
      %get3A_1477 = arith.constant 176 : index
      %get3A_1478 = tpu.vector_load %arg9[%get3A_1477] {strides = array<i32>} : memref<2048xf32, #tpu.memory_space<vmem>>, vector<16xf32>,
      %swap3A_1479 = arith.constant 5 : i32
      %swap3A_1480 = arith.index_cast %swap3A_1479 : i32 to index
      %swap3A_1481 = arith.constant 16 : index
      %swap3A_1482 = tpu.vector_load %arg10[%swap3A_1480, %swap3A_1481] {strides = array<i32>} : memref<16x128xf32, #tpu.memory_space<vmem>>, vector<16xf32>,
      tpu.vector_store %arg10[%swap3A_1480, %swap3A_1481], %get3A_1478 {strides = array<i32>} : memref<16x128xf32, #tpu.memory_space<vmem>>, vector<16xf32>,
      %get3A_1483 = arith.constant 192 : index
      %get3A_1484 = tpu.vector_load %arg9[%get3A_1483] {strides = array<i32>} : memref<2048xf32, #tpu.memory_space<vmem>>, vector<16xf32>,
      %swap3A_1485 = arith.constant 6 : i32
      %swap3A_1486 = arith.index_cast %swap3A_1485 : i32 to index
      %swap3A_1487 = arith.constant 0 : index
      %swap3A_1488 = tpu.vector_load %arg10[%swap3A_1486, %swap3A_1487] {strides = array<i32>} : memref<16x128xf32, #tpu.memory_space<vmem>>, vector<16xf32>,
      tpu.vector_store %arg10[%swap3A_1486, %swap3A_1487], %get3A_1484 {strides = array<i32>} : memref<16x128xf32, #tpu.memory_space<vmem>>, vector<16xf32>,
      %get3A_1489 = arith.constant 208 : index
      %get3A_1490 = tpu.vector_load %arg9[%get3A_1489] {strides = array<i32>} : memref<2048xf32, #tpu.memory_space<vmem>>, vector<16xf32>,
      %swap3A_1491 = arith.constant 6 : i32
      %swap3A_1492 = arith.index_cast %swap3A_1491 : i32 to index
      %swap3A_1493 = arith.constant 16 : index
      %swap3A_1494 = tpu.vector_load %arg10[%swap3A_1492, %swap3A_1493] {strides = array<i32>} : memref<16x128xf32, #tpu.memory_space<vmem>>, vector<16xf32>,
      tpu.vector_store %arg10[%swap3A_1492, %swap3A_1493], %get3A_1490 {strides = array<i32>} : memref<16x128xf32, #tpu.memory_space<vmem>>, vector<16xf32>,
      %get3A_1495 = arith.constant 224 : index
      %get3A_1496 = tpu.vector_load %arg9[%get3A_1495] {strides = array<i32>} : memref<2048xf32, #tpu.memory_space<vmem>>, vector<16xf32>,
      %swap3A_1497 = arith.constant 7 : i32
      %swap3A_1498 = arith.index_cast %swap3A_1497 : i32 to index
      %swap3A_1499 = arith.constant 0 : index
      %swap3A_1500 = tpu.vector_load %arg10[%swap3A_1498, %swap3A_1499] {strides = array<i32>} : memref<16x128xf32, #tpu.memory_space<vmem>>, vector<16xf32>,
      tpu.vector_store %arg10[%swap3A_1498, %swap3A_1499], %get3A_1496 {strides = array<i32>} : memref<16x128xf32, #tpu.memory_space<vmem>>, vector<16xf32>,
      %get3A_1501 = arith.constant 240 : index
      %get3A_1502 = tpu.vector_load %arg9[%get3A_1501] {strides = array<i32>} : memref<2048xf32, #tpu.memory_space<vmem>>, vector<16xf32>,
      %swap3A_1503 = arith.constant 7 : i32
      %swap3A_1504 = arith.index_cast %swap3A_1503 : i32 to index
      %swap3A_1505 = arith.constant 16 : index
      %swap3A_1506 = tpu.vector_load %arg10[%swap3A_1504, %swap3A_1505] {strides = array<i32>} : memref<16x128xf32, #tpu.memory_space<vmem>>, vector<16xf32>,
      tpu.vector_store %arg10[%swap3A_1504, %swap3A_1505], %get3A_1502 {strides = array<i32>} : memref<16x128xf32, #tpu.memory_space<vmem>>, vector<16xf32>,
      %get3A_1507 = arith.constant 256 : index
      %get3A_1508 = tpu.vector_load %arg9[%get3A_1507] {strides = array<i32>} : memref<2048xf32, #tpu.memory_space<vmem>>, vector<16xf32>,
      %swap3A_1509 = arith.constant 8 : i32
      %swap3A_1510 = arith.index_cast %swap3A_1509 : i32 to index
      %swap3A_1511 = arith.constant 0 : index
      %swap3A_1512 = tpu.vector_load %arg10[%swap3A_1510, %swap3A_1511] {strides = array<i32>} : memref<16x128xf32, #tpu.memory_space<vmem>>, vector<16xf32>,
      tpu.vector_store %arg10[%swap3A_1510, %swap3A_1511], %get3A_1508 {strides = array<i32>} : memref<16x128xf32, #tpu.memory_space<vmem>>, vector<16xf32>,
      %get3A_1513 = arith.constant 272 : index
      %get3A_1514 = tpu.vector_load %arg9[%get3A_1513] {strides = array<i32>} : memref<2048xf32, #tpu.memory_space<vmem>>, vector<16xf32>,
      %swap3A_1515 = arith.constant 8 : i32
      %swap3A_1516 = arith.index_cast %swap3A_1515 : i32 to index
      %swap3A_1517 = arith.constant 16 : index
      %swap3A_1518 = tpu.vector_load %arg10[%swap3A_1516, %swap3A_1517] {strides = array<i32>} : memref<16x128xf32, #tpu.memory_space<vmem>>, vector<16xf32>,
      tpu.vector_store %arg10[%swap3A_1516, %swap3A_1517], %get3A_1514 {strides = array<i32>} : memref<16x128xf32, #tpu.memory_space<vmem>>, vector<16xf32>,
      %get3A_1519 = arith.constant 288 : index
      %get3A_1520 = tpu.vector_load %arg9[%get3A_1519] {strides = array<i32>} : memref<2048xf32, #tpu.memory_space<vmem>>, vector<16xf32>,
      %swap3A_1521 = arith.constant 9 : i32
      %swap3A_1522 = arith.index_cast %swap3A_1521 : i32 to index
      %swap3A_1523 = arith.constant 0 : index
      %swap3A_1524 = tpu.vector_load %arg10[%swap3A_1522, %swap3A_1523] {strides = array<i32>} : memref<16x128xf32, #tpu.memory_space<vmem>>, vector<16xf32>,
      tpu.vector_store %arg10[%swap3A_1522, %swap3A_1523], %get3A_1520 {strides = array<i32>} : memref<16x128xf32, #tpu.memory_space<vmem>>, vector<16xf32>,
      %get3A_1525 = arith.constant 304 : index
      %get3A_1526 = tpu.vector_load %arg9[%get3A_1525] {strides = array<i32>} : memref<2048xf32, #tpu.memory_space<vmem>>, vector<16xf32>,
      %swap3A_1527 = arith.constant 9 : i32
      %swap3A_1528 = arith.index_cast %swap3A_1527 : i32 to index
      %swap3A_1529 = arith.constant 16 : index
      %swap3A_1530 = tpu.vector_load %arg10[%swap3A_1528, %swap3A_1529] {strides = array<i32>} : memref<16x128xf32, #tpu.memory_space<vmem>>, vector<16xf32>,
      tpu.vector_store %arg10[%swap3A_1528, %swap3A_1529], %get3A_1526 {strides = array<i32>} : memref<16x128xf32, #tpu.memory_space<vmem>>, vector<16xf32>,
      %get3A_1531 = arith.constant 320 : index
      %get3A_1532 = tpu.vector_load %arg9[%get3A_1531] {strides = array<i32>} : memref<2048xf32, #tpu.memory_space<vmem>>, vector<16xf32>,
      %swap3A_1533 = arith.constant 10 : i32
      %swap3A_1534 = arith.index_cast %swap3A_1533 : i32 to index
      %swap3A_1535 = arith.constant 0 : index
      %swap3A_1536 = tpu.vector_load %arg10[%swap3A_1534, %swap3A_1535] {strides = array<i32>} : memref<16x128xf32, #tpu.memory_space<vmem>>, vector<16xf32>,
      tpu.vector_store %arg10[%swap3A_1534, %swap3A_1535], %get3A_1532 {strides = array<i32>} : memref<16x128xf32, #tpu.memory_space<vmem>>, vector<16xf32>,
      %get3A_1537 = arith.constant 336 : index
      %get3A_1538 = tpu.vector_load %arg9[%get3A_1537] {strides = array<i32>} : memref<2048xf32, #tpu.memory_space<vmem>>, vector<16xf32>,
      %swap3A_1539 = arith.constant 10 : i32
      %swap3A_1540 = arith.index_cast %swap3A_1539 : i32 to index
      %swap3A_1541 = arith.constant 16 : index
      %swap3A_1542 = tpu.vector_load %arg10[%swap3A_1540, %swap3A_1541] {strides = array<i32>} : memref<16x128xf32, #tpu.memory_space<vmem>>, vector<16xf32>,
      tpu.vector_store %arg10[%swap3A_1540, %swap3A_1541], %get3A_1538 {strides = array<i32>} : memref<16x128xf32, #tpu.memory_space<vmem>>, vector<16xf32>,
      %get3A_1543 = arith.constant 352 : index
      %get3A_1544 = tpu.vector_load %arg9[%get3A_1543] {strides = array<i32>} : memref<2048xf32, #tpu.memory_space<vmem>>, vector<16xf32>,
      %swap3A_1545 = arith.constant 11 : i32
      %swap3A_1546 = arith.index_cast %swap3A_1545 : i32 to index
      %swap3A_1547 = arith.constant 0 : index
      %swap3A_1548 = tpu.vector_load %arg10[%swap3A_1546, %swap3A_1547] {strides = array<i32>} : memref<16x128xf32, #tpu.memory_space<vmem>>, vector<16xf32>,
      tpu.vector_store %arg10[%swap3A_1546, %swap3A_1547], %get3A_1544 {strides = array<i32>} : memref<16x128xf32, #tpu.memory_space<vmem>>, vector<16xf32>,
      %get3A_1549 = arith.constant 368 : index
      %get3A_1550 = tpu.vector_load %arg9[%get3A_1549] {strides = array<i32>} : memref<2048xf32, #tpu.memory_space<vmem>>, vector<16xf32>,
      %swap3A_1551 = arith.constant 11 : i32
      %swap3A_1552 = arith.index_cast %swap3A_1551 : i32 to index
      %swap3A_1553 = arith.constant 16 : index
      %swap3A_1554 = tpu.vector_load %arg10[%swap3A_1552, %swap3A_1553] {strides = array<i32>} : memref<16x128xf32, #tpu.memory_space<vmem>>, vector<16xf32>,
      tpu.vector_store %arg10[%swap3A_1552, %swap3A_1553], %get3A_1550 {strides = array<i32>} : memref<16x128xf32, #tpu.memory_space<vmem>>, vector<16xf32>,
      %get3A_1555 = arith.constant 384 : index
      %get3A_1556 = tpu.vector_load %arg9[%get3A_1555] {strides = array<i32>} : memref<2048xf32, #tpu.memory_space<vmem>>, vector<16xf32>,
      %swap3A_1557 = arith.constant 12 : i32
      %swap3A_1558 = arith.index_cast %swap3A_1557 : i32 to index
      %swap3A_1559 = arith.constant 0 : index
      %swap3A_1560 = tpu.vector_load %arg10[%swap3A_1558, %swap3A_1559] {strides = array<i32>} : memref<16x128xf32, #tpu.memory_space<vmem>>, vector<16xf32>,
      tpu.vector_store %arg10[%swap3A_1558, %swap3A_1559], %get3A_1556 {strides = array<i32>} : memref<16x128xf32, #tpu.memory_space<vmem>>, vector<16xf32>,
      %get3A_1561 = arith.constant 400 : index
      %get3A_1562 = tpu.vector_load %arg9[%get3A_1561] {strides = array<i32>} : memref<2048xf32, #tpu.memory_space<vmem>>, vector<16xf32>,
      %swap3A_1563 = arith.constant 12 : i32
      %swap3A_1564 = arith.index_cast %swap3A_1563 : i32 to index
      %swap3A_1565 = arith.constant 16 : index
      %swap3A_1566 = tpu.vector_load %arg10[%swap3A_1564, %swap3A_1565] {strides = array<i32>} : memref<16x128xf32, #tpu.memory_space<vmem>>, vector<16xf32>,
      tpu.vector_store %arg10[%swap3A_1564, %swap3A_1565], %get3A_1562 {strides = array<i32>} : memref<16x128xf32, #tpu.memory_space<vmem>>, vector<16xf32>,
      %get3A_1567 = arith.constant 416 : index
      %get3A_1568 = tpu.vector_load %arg9[%get3A_1567] {strides = array<i32>} : memref<2048xf32, #tpu.memory_space<vmem>>, vector<16xf32>,
      %swap3A_1569 = arith.constant 13 : i32
      %swap3A_1570 = arith.index_cast %swap3A_1569 : i32 to index
      %swap3A_1571 = arith.constant 0 : index
      %swap3A_1572 = tpu.vector_load %arg10[%swap3A_1570, %swap3A_1571] {strides = array<i32>} : memref<16x128xf32, #tpu.memory_space<vmem>>, vector<16xf32>,
      tpu.vector_store %arg10[%swap3A_1570, %swap3A_1571], %get3A_1568 {strides = array<i32>} : memref<16x128xf32, #tpu.memory_space<vmem>>, vector<16xf32>,
      %get3A_1573 = arith.constant 432 : index
      %get3A_1574 = tpu.vector_load %arg9[%get3A_1573] {strides = array<i32>} : memref<2048xf32, #tpu.memory_space<vmem>>, vector<16xf32>,
      %swap3A_1575 = arith.constant 13 : i32
      %swap3A_1576 = arith.index_cast %swap3A_1575 : i32 to index
      %swap3A_1577 = arith.constant 16 : index
      %swap3A_1578 = tpu.vector_load %arg10[%swap3A_1576, %swap3A_1577] {strides = array<i32>} : memref<16x128xf32, #tpu.memory_space<vmem>>, vector<16xf32>,
      tpu.vector_store %arg10[%swap3A_1576, %swap3A_1577], %get3A_1574 {strides = array<i32>} : memref<16x128xf32, #tpu.memory_space<vmem>>, vector<16xf32>,
      %get3A_1579 = arith.constant 448 : index
      %get3A_1580 = tpu.vector_load %arg9[%get3A_1579] {strides = array<i32>} : memref<2048xf32, #tpu.memory_space<vmem>>, vector<16xf32>,
      %swap3A_1581 = arith.constant 14 : i32
      %swap3A_1582 = arith.index_cast %swap3A_1581 : i32 to index
      %swap3A_1583 = arith.constant 0 : index
      %swap3A_1584 = tpu.vector_load %arg10[%swap3A_1582, %swap3A_1583] {strides = array<i32>} : memref<16x128xf32, #tpu.memory_space<vmem>>, vector<16xf32>,
      tpu.vector_store %arg10[%swap3A_1582, %swap3A_1583], %get3A_1580 {strides = array<i32>} : memref<16x128xf32, #tpu.memory_space<vmem>>, vector<16xf32>,
      %get3A_1585 = arith.constant 464 : index
      %get3A_1586 = tpu.vector_load %arg9[%get3A_1585] {strides = array<i32>} : memref<2048xf32, #tpu.memory_space<vmem>>, vector<16xf32>,
      %swap3A_1587 = arith.constant 14 : i32
      %swap3A_1588 = arith.index_cast %swap3A_1587 : i32 to index
      %swap3A_1589 = arith.constant 16 : index
      %swap3A_1590 = tpu.vector_load %arg10[%swap3A_1588, %swap3A_1589] {strides = array<i32>} : memref<16x128xf32, #tpu.memory_space<vmem>>, vector<16xf32>,
      tpu.vector_store %arg10[%swap3A_1588, %swap3A_1589], %get3A_1586 {strides = array<i32>} : memref<16x128xf32, #tpu.memory_space<vmem>>, vector<16xf32>,
      %get3A_1591 = arith.constant 480 : index
      %get3A_1592 = tpu.vector_load %arg9[%get3A_1591] {strides = array<i32>} : memref<2048xf32, #tpu.memory_space<vmem>>, vector<16xf32>,
      %swap3A_1593 = arith.constant 15 : i32
      %swap3A_1594 = arith.index_cast %swap3A_1593 : i32 to index
      %swap3A_1595 = arith.constant 0 : index
      %swap3A_1596 = tpu.vector_load %arg10[%swap3A_1594, %swap3A_1595] {strides = array<i32>} : memref<16x128xf32, #tpu.memory_space<vmem>>, vector<16xf32>,
      tpu.vector_store %arg10[%swap3A_1594, %swap3A_1595], %get3A_1592 {strides = array<i32>} : memref<16x128xf32, #tpu.memory_space<vmem>>, vector<16xf32>,
      %get3A_1597 = arith.constant 496 : index
      %get3A_1598 = tpu.vector_load %arg9[%get3A_1597] {strides = array<i32>} : memref<2048xf32, #tpu.memory_space<vmem>>, vector<16xf32>,
      %swap3A_1599 = arith.constant 15 : i32
      %swap3A_1600 = arith.index_cast %swap3A_1599 : i32 to index
      %swap3A_1601 = arith.constant 16 : index
      %swap3A_1602 = tpu.vector_load %arg10[%swap3A_1600, %swap3A_1601] {strides = array<i32>} : memref<16x128xf32, #tpu.memory_space<vmem>>, vector<16xf32>,
      tpu.vector_store %arg10[%swap3A_1600, %swap3A_1601], %get3A_1598 {strides = array<i32>} : memref<16x128xf32, #tpu.memory_space<vmem>>, vector<16xf32>,
      %get3A_1603 = arith.constant 512 : index
      %get3A_1604 = tpu.vector_load %arg9[%get3A_1603] {strides = array<i32>} : memref<2048xf32, #tpu.memory_space<vmem>>, vector<16xf32>,
      %swap3A_1605 = arith.constant 0 : i32
      %swap3A_1606 = arith.index_cast %swap3A_1605 : i32 to index
      %swap3A_1607 = arith.constant 32 : index
      %swap3A_1608 = tpu.vector_load %arg10[%swap3A_1606, %swap3A_1607] {strides = array<i32>} : memref<16x128xf32, #tpu.memory_space<vmem>>, vector<16xf32>,
      tpu.vector_store %arg10[%swap3A_1606, %swap3A_1607], %get3A_1604 {strides = array<i32>} : memref<16x128xf32, #tpu.memory_space<vmem>>, vector<16xf32>,
      %get3A_1609 = arith.constant 528 : index
      %get3A_1610 = tpu.vector_load %arg9[%get3A_1609] {strides = array<i32>} : memref<2048xf32, #tpu.memory_space<vmem>>, vector<16xf32>,
      %swap3A_1611 = arith.constant 0 : i32
      %swap3A_1612 = arith.index_cast %swap3A_1611 : i32 to index
      %swap3A_1613 = arith.constant 48 : index
      %swap3A_1614 = tpu.vector_load %arg10[%swap3A_1612, %swap3A_1613] {strides = array<i32>} : memref<16x128xf32, #tpu.memory_space<vmem>>, vector<16xf32>,
      tpu.vector_store %arg10[%swap3A_1612, %swap3A_1613], %get3A_1610 {strides = array<i32>} : memref<16x128xf32, #tpu.memory_space<vmem>>, vector<16xf32>,
      %get3A_1615 = arith.constant 544 : index
      %get3A_1616 = tpu.vector_load %arg9[%get3A_1615] {strides = array<i32>} : memref<2048xf32, #tpu.memory_space<vmem>>, vector<16xf32>,
      %swap3A_1617 = arith.constant 1 : i32
      %swap3A_1618 = arith.index_cast %swap3A_1617 : i32 to index
      %swap3A_1619 = arith.constant 32 : index
      %swap3A_1620 = tpu.vector_load %arg10[%swap3A_1618, %swap3A_1619] {strides = array<i32>} : memref<16x128xf32, #tpu.memory_space<vmem>>, vector<16xf32>,
      tpu.vector_store %arg10[%swap3A_1618, %swap3A_1619], %get3A_1616 {strides = array<i32>} : memref<16x128xf32, #tpu.memory_space<vmem>>, vector<16xf32>,
      %get3A_1621 = arith.constant 560 : index
      %get3A_1622 = tpu.vector_load %arg9[%get3A_1621] {strides = array<i32>} : memref<2048xf32, #tpu.memory_space<vmem>>, vector<16xf32>,
      %swap3A_1623 = arith.constant 1 : i32
      %swap3A_1624 = arith.index_cast %swap3A_1623 : i32 to index
      %swap3A_1625 = arith.constant 48 : index
      %swap3A_1626 = tpu.vector_load %arg10[%swap3A_1624, %swap3A_1625] {strides = array<i32>} : memref<16x128xf32, #tpu.memory_space<vmem>>, vector<16xf32>,
      tpu.vector_store %arg10[%swap3A_1624, %swap3A_1625], %get3A_1622 {strides = array<i32>} : memref<16x128xf32, #tpu.memory_space<vmem>>, vector<16xf32>,
      %get3A_1627 = arith.constant 576 : index
      %get3A_1628 = tpu.vector_load %arg9[%get3A_1627] {strides = array<i32>} : memref<2048xf32, #tpu.memory_space<vmem>>, vector<16xf32>,
      %swap3A_1629 = arith.constant 2 : i32
      %swap3A_1630 = arith.index_cast %swap3A_1629 : i32 to index
      %swap3A_1631 = arith.constant 32 : index
      %swap3A_1632 = tpu.vector_load %arg10[%swap3A_1630, %swap3A_1631] {strides = array<i32>} : memref<16x128xf32, #tpu.memory_space<vmem>>, vector<16xf32>,
      tpu.vector_store %arg10[%swap3A_1630, %swap3A_1631], %get3A_1628 {strides = array<i32>} : memref<16x128xf32, #tpu.memory_space<vmem>>, vector<16xf32>,
      %get3A_1633 = arith.constant 592 : index
      %get3A_1634 = tpu.vector_load %arg9[%get3A_1633] {strides = array<i32>} : memref<2048xf32, #tpu.memory_space<vmem>>, vector<16xf32>,
      %swap3A_1635 = arith.constant 2 : i32
      %swap3A_1636 = arith.index_cast %swap3A_1635 : i32 to index
      %swap3A_1637 = arith.constant 48 : index
      %swap3A_1638 = tpu.vector_load %arg10[%swap3A_1636, %swap3A_1637] {strides = array<i32>} : memref<16x128xf32, #tpu.memory_space<vmem>>, vector<16xf32>,
      tpu.vector_store %arg10[%swap3A_1636, %swap3A_1637], %get3A_1634 {strides = array<i32>} : memref<16x128xf32, #tpu.memory_space<vmem>>, vector<16xf32>,
      %get3A_1639 = arith.constant 608 : index
      %get3A_1640 = tpu.vector_load %arg9[%get3A_1639] {strides = array<i32>} : memref<2048xf32, #tpu.memory_space<vmem>>, vector<16xf32>,
      %swap3A_1641 = arith.constant 3 : i32
      %swap3A_1642 = arith.index_cast %swap3A_1641 : i32 to index
      %swap3A_1643 = arith.constant 32 : index
      %swap3A_1644 = tpu.vector_load %arg10[%swap3A_1642, %swap3A_1643] {strides = array<i32>} : memref<16x128xf32, #tpu.memory_space<vmem>>, vector<16xf32>,
      tpu.vector_store %arg10[%swap3A_1642, %swap3A_1643], %get3A_1640 {strides = array<i32>} : memref<16x128xf32, #tpu.memory_space<vmem>>, vector<16xf32>,
      %get3A_1645 = arith.constant 624 : index
      %get3A_1646 = tpu.vector_load %arg9[%get3A_1645] {strides = array<i32>} : memref<2048xf32, #tpu.memory_space<vmem>>, vector<16xf32>,
      %swap3A_1647 = arith.constant 3 : i32
      %swap3A_1648 = arith.index_cast %swap3A_1647 : i32 to index
      %swap3A_1649 = arith.constant 48 : index
      %swap3A_1650 = tpu.vector_load %arg10[%swap3A_1648, %swap3A_1649] {strides = array<i32>} : memref<16x128xf32, #tpu.memory_space<vmem>>, vector<16xf32>,
      tpu.vector_store %arg10[%swap3A_1648, %swap3A_1649], %get3A_1646 {strides = array<i32>} : memref<16x128xf32, #tpu.memory_space<vmem>>, vector<16xf32>,
      %get3A_1651 = arith.constant 640 : index
      %get3A_1652 = tpu.vector_load %arg9[%get3A_1651] {strides = array<i32>} : memref<2048xf32, #tpu.memory_space<vmem>>, vector<16xf32>,
      %swap3A_1653 = arith.constant 4 : i32
      %swap3A_1654 = arith.index_cast %swap3A_1653 : i32 to index
      %swap3A_1655 = arith.constant 32 : index
      %swap3A_1656 = tpu.vector_load %arg10[%swap3A_1654, %swap3A_1655] {strides = array<i32>} : memref<16x128xf32, #tpu.memory_space<vmem>>, vector<16xf32>,
      tpu.vector_store %arg10[%swap3A_1654, %swap3A_1655], %get3A_1652 {strides = array<i32>} : memref<16x128xf32, #tpu.memory_space<vmem>>, vector<16xf32>,
      %get3A_1657 = arith.constant 656 : index
      %get3A_1658 = tpu.vector_load %arg9[%get3A_1657] {strides = array<i32>} : memref<2048xf32, #tpu.memory_space<vmem>>, vector<16xf32>,
      %swap3A_1659 = arith.constant 4 : i32
      %swap3A_1660 = arith.index_cast %swap3A_1659 : i32 to index
      %swap3A_1661 = arith.constant 48 : index
      %swap3A_1662 = tpu.vector_load %arg10[%swap3A_1660, %swap3A_1661] {strides = array<i32>} : memref<16x128xf32, #tpu.memory_space<vmem>>, vector<16xf32>,
      tpu.vector_store %arg10[%swap3A_1660, %swap3A_1661], %get3A_1658 {strides = array<i32>} : memref<16x128xf32, #tpu.memory_space<vmem>>, vector<16xf32>,
      %get3A_1663 = arith.constant 672 : index
      %get3A_1664 = tpu.vector_load %arg9[%get3A_1663] {strides = array<i32>} : memref<2048xf32, #tpu.memory_space<vmem>>, vector<16xf32>,
      %swap3A_1665 = arith.constant 5 : i32
      %swap3A_1666 = arith.index_cast %swap3A_1665 : i32 to index
      %swap3A_1667 = arith.constant 32 : index
      %swap3A_1668 = tpu.vector_load %arg10[%swap3A_1666, %swap3A_1667] {strides = array<i32>} : memref<16x128xf32, #tpu.memory_space<vmem>>, vector<16xf32>,
      tpu.vector_store %arg10[%swap3A_1666, %swap3A_1667], %get3A_1664 {strides = array<i32>} : memref<16x128xf32, #tpu.memory_space<vmem>>, vector<16xf32>,
      %get3A_1669 = arith.constant 688 : index
      %get3A_1670 = tpu.vector_load %arg9[%get3A_1669] {strides = array<i32>} : memref<2048xf32, #tpu.memory_space<vmem>>, vector<16xf32>,
      %swap3A_1671 = arith.constant 5 : i32
      %swap3A_1672 = arith.index_cast %swap3A_1671 : i32 to index
      %swap3A_1673 = arith.constant 48 : index
      %swap3A_1674 = tpu.vector_load %arg10[%swap3A_1672, %swap3A_1673] {strides = array<i32>} : memref<16x128xf32, #tpu.memory_space<vmem>>, vector<16xf32>,
      tpu.vector_store %arg10[%swap3A_1672, %swap3A_1673], %get3A_1670 {strides = array<i32>} : memref<16x128xf32, #tpu.memory_space<vmem>>, vector<16xf32>,
      %get3A_1675 = arith.constant 704 : index
      %get3A_1676 = tpu.vector_load %arg9[%get3A_1675] {strides = array<i32>} : memref<2048xf32, #tpu.memory_space<vmem>>, vector<16xf32>,
      %swap3A_1677 = arith.constant 6 : i32
      %swap3A_1678 = arith.index_cast %swap3A_1677 : i32 to index
      %swap3A_1679 = arith.constant 32 : index
      %swap3A_1680 = tpu.vector_load %arg10[%swap3A_1678, %swap3A_1679] {strides = array<i32>} : memref<16x128xf32, #tpu.memory_space<vmem>>, vector<16xf32>,
      tpu.vector_store %arg10[%swap3A_1678, %swap3A_1679], %get3A_1676 {strides = array<i32>} : memref<16x128xf32, #tpu.memory_space<vmem>>, vector<16xf32>,
      %get3A_1681 = arith.constant 720 : index
      %get3A_1682 = tpu.vector_load %arg9[%get3A_1681] {strides = array<i32>} : memref<2048xf32, #tpu.memory_space<vmem>>, vector<16xf32>,
      %swap3A_1683 = arith.constant 6 : i32
      %swap3A_1684 = arith.index_cast %swap3A_1683 : i32 to index
      %swap3A_1685 = arith.constant 48 : index
      %swap3A_1686 = tpu.vector_load %arg10[%swap3A_1684, %swap3A_1685] {strides = array<i32>} : memref<16x128xf32, #tpu.memory_space<vmem>>, vector<16xf32>,
      tpu.vector_store %arg10[%swap3A_1684, %swap3A_1685], %get3A_1682 {strides = array<i32>} : memref<16x128xf32, #tpu.memory_space<vmem>>, vector<16xf32>,
      %get3A_1687 = arith.constant 736 : index
      %get3A_1688 = tpu.vector_load %arg9[%get3A_1687] {strides = array<i32>} : memref<2048xf32, #tpu.memory_space<vmem>>, vector<16xf32>,
      %swap3A_1689 = arith.constant 7 : i32
      %swap3A_1690 = arith.index_cast %swap3A_1689 : i32 to index
      %swap3A_1691 = arith.constant 32 : index
      %swap3A_1692 = tpu.vector_load %arg10[%swap3A_1690, %swap3A_1691] {strides = array<i32>} : memref<16x128xf32, #tpu.memory_space<vmem>>, vector<16xf32>,
      tpu.vector_store %arg10[%swap3A_1690, %swap3A_1691], %get3A_1688 {strides = array<i32>} : memref<16x128xf32, #tpu.memory_space<vmem>>, vector<16xf32>,
      %get3A_1693 = arith.constant 752 : index
      %get3A_1694 = tpu.vector_load %arg9[%get3A_1693] {strides = array<i32>} : memref<2048xf32, #tpu.memory_space<vmem>>, vector<16xf32>,
      %swap3A_1695 = arith.constant 7 : i32
      %swap3A_1696 = arith.index_cast %swap3A_1695 : i32 to index
      %swap3A_1697 = arith.constant 48 : index
      %swap3A_1698 = tpu.vector_load %arg10[%swap3A_1696, %swap3A_1697] {strides = array<i32>} : memref<16x128xf32, #tpu.memory_space<vmem>>, vector<16xf32>,
      tpu.vector_store %arg10[%swap3A_1696, %swap3A_1697], %get3A_1694 {strides = array<i32>} : memref<16x128xf32, #tpu.memory_space<vmem>>, vector<16xf32>,
      %get3A_1699 = arith.constant 768 : index
      %get3A_1700 = tpu.vector_load %arg9[%get3A_1699] {strides = array<i32>} : memref<2048xf32, #tpu.memory_space<vmem>>, vector<16xf32>,
      %swap3A_1701 = arith.constant 8 : i32
      %swap3A_1702 = arith.index_cast %swap3A_1701 : i32 to index
      %swap3A_1703 = arith.constant 32 : index
      %swap3A_1704 = tpu.vector_load %arg10[%swap3A_1702, %swap3A_1703] {strides = array<i32>} : memref<16x128xf32, #tpu.memory_space<vmem>>, vector<16xf32>,
      tpu.vector_store %arg10[%swap3A_1702, %swap3A_1703], %get3A_1700 {strides = array<i32>} : memref<16x128xf32, #tpu.memory_space<vmem>>, vector<16xf32>,
      %get3A_1705 = arith.constant 784 : index
      %get3A_1706 = tpu.vector_load %arg9[%get3A_1705] {strides = array<i32>} : memref<2048xf32, #tpu.memory_space<vmem>>, vector<16xf32>,
      %swap3A_1707 = arith.constant 8 : i32
      %swap3A_1708 = arith.index_cast %swap3A_1707 : i32 to index
      %swap3A_1709 = arith.constant 48 : index
      %swap3A_1710 = tpu.vector_load %arg10[%swap3A_1708, %swap3A_1709] {strides = array<i32>} : memref<16x128xf32, #tpu.memory_space<vmem>>, vector<16xf32>,
      tpu.vector_store %arg10[%swap3A_1708, %swap3A_1709], %get3A_1706 {strides = array<i32>} : memref<16x128xf32, #tpu.memory_space<vmem>>, vector<16xf32>,
      %get3A_1711 = arith.constant 800 : index
      %get3A_1712 = tpu.vector_load %arg9[%get3A_1711] {strides = array<i32>} : memref<2048xf32, #tpu.memory_space<vmem>>, vector<16xf32>,
      %swap3A_1713 = arith.constant 9 : i32
      %swap3A_1714 = arith.index_cast %swap3A_1713 : i32 to index
      %swap3A_1715 = arith.constant 32 : index
      %swap3A_1716 = tpu.vector_load %arg10[%swap3A_1714, %swap3A_1715] {strides = array<i32>} : memref<16x128xf32, #tpu.memory_space<vmem>>, vector<16xf32>,
      tpu.vector_store %arg10[%swap3A_1714, %swap3A_1715], %get3A_1712 {strides = array<i32>} : memref<16x128xf32, #tpu.memory_space<vmem>>, vector<16xf32>,
      %get3A_1717 = arith.constant 816 : index
      %get3A_1718 = tpu.vector_load %arg9[%get3A_1717] {strides = array<i32>} : memref<2048xf32, #tpu.memory_space<vmem>>, vector<16xf32>,
      %swap3A_1719 = arith.constant 9 : i32
      %swap3A_1720 = arith.index_cast %swap3A_1719 : i32 to index
      %swap3A_1721 = arith.constant 48 : index
      %swap3A_1722 = tpu.vector_load %arg10[%swap3A_1720, %swap3A_1721] {strides = array<i32>} : memref<16x128xf32, #tpu.memory_space<vmem>>, vector<16xf32>,
      tpu.vector_store %arg10[%swap3A_1720, %swap3A_1721], %get3A_1718 {strides = array<i32>} : memref<16x128xf32, #tpu.memory_space<vmem>>, vector<16xf32>,
      %get3A_1723 = arith.constant 832 : index
      %get3A_1724 = tpu.vector_load %arg9[%get3A_1723] {strides = array<i32>} : memref<2048xf32, #tpu.memory_space<vmem>>, vector<16xf32>,
      %swap3A_1725 = arith.constant 10 : i32
      %swap3A_1726 = arith.index_cast %swap3A_1725 : i32 to index
      %swap3A_1727 = arith.constant 32 : index
      %swap3A_1728 = tpu.vector_load %arg10[%swap3A_1726, %swap3A_1727] {strides = array<i32>} : memref<16x128xf32, #tpu.memory_space<vmem>>, vector<16xf32>,
      tpu.vector_store %arg10[%swap3A_1726, %swap3A_1727], %get3A_1724 {strides = array<i32>} : memref<16x128xf32, #tpu.memory_space<vmem>>, vector<16xf32>,
      %get3A_1729 = arith.constant 848 : index
      %get3A_1730 = tpu.vector_load %arg9[%get3A_1729] {strides = array<i32>} : memref<2048xf32, #tpu.memory_space<vmem>>, vector<16xf32>,
      %swap3A_1731 = arith.constant 10 : i32
      %swap3A_1732 = arith.index_cast %swap3A_1731 : i32 to index
      %swap3A_1733 = arith.constant 48 : index
      %swap3A_1734 = tpu.vector_load %arg10[%swap3A_1732, %swap3A_1733] {strides = array<i32>} : memref<16x128xf32, #tpu.memory_space<vmem>>, vector<16xf32>,
      tpu.vector_store %arg10[%swap3A_1732, %swap3A_1733], %get3A_1730 {strides = array<i32>} : memref<16x128xf32, #tpu.memory_space<vmem>>, vector<16xf32>,
      %get3A_1735 = arith.constant 864 : index
      %get3A_1736 = tpu.vector_load %arg9[%get3A_1735] {strides = array<i32>} : memref<2048xf32, #tpu.memory_space<vmem>>, vector<16xf32>,
      %swap3A_1737 = arith.constant 11 : i32
      %swap3A_1738 = arith.index_cast %swap3A_1737 : i32 to index
      %swap3A_1739 = arith.constant 32 : index
      %swap3A_1740 = tpu.vector_load %arg10[%swap3A_1738, %swap3A_1739] {strides = array<i32>} : memref<16x128xf32, #tpu.memory_space<vmem>>, vector<16xf32>,
      tpu.vector_store %arg10[%swap3A_1738, %swap3A_1739], %get3A_1736 {strides = array<i32>} : memref<16x128xf32, #tpu.memory_space<vmem>>, vector<16xf32>,
      %get3A_1741 = arith.constant 880 : index
      %get3A_1742 = tpu.vector_load %arg9[%get3A_1741] {strides = array<i32>} : memref<2048xf32, #tpu.memory_space<vmem>>, vector<16xf32>,
      %swap3A_1743 = arith.constant 11 : i32
      %swap3A_1744 = arith.index_cast %swap3A_1743 : i32 to index
      %swap3A_1745 = arith.constant 48 : index
      %swap3A_1746 = tpu.vector_load %arg10[%swap3A_1744, %swap3A_1745] {strides = array<i32>} : memref<16x128xf32, #tpu.memory_space<vmem>>, vector<16xf32>,
      tpu.vector_store %arg10[%swap3A_1744, %swap3A_1745], %get3A_1742 {strides = array<i32>} : memref<16x128xf32, #tpu.memory_space<vmem>>, vector<16xf32>,
      %get3A_1747 = arith.constant 896 : index
      %get3A_1748 = tpu.vector_load %arg9[%get3A_1747] {strides = array<i32>} : memref<2048xf32, #tpu.memory_space<vmem>>, vector<16xf32>,
      %swap3A_1749 = arith.constant 12 : i32
      %swap3A_1750 = arith.index_cast %swap3A_1749 : i32 to index
      %swap3A_1751 = arith.constant 32 : index
      %swap3A_1752 = tpu.vector_load %arg10[%swap3A_1750, %swap3A_1751] {strides = array<i32>} : memref<16x128xf32, #tpu.memory_space<vmem>>, vector<16xf32>,
      tpu.vector_store %arg10[%swap3A_1750, %swap3A_1751], %get3A_1748 {strides = array<i32>} : memref<16x128xf32, #tpu.memory_space<vmem>>, vector<16xf32>,
      %get3A_1753 = arith.constant 912 : index
      %get3A_1754 = tpu.vector_load %arg9[%get3A_1753] {strides = array<i32>} : memref<2048xf32, #tpu.memory_space<vmem>>, vector<16xf32>,
      %swap3A_1755 = arith.constant 12 : i32
      %swap3A_1756 = arith.index_cast %swap3A_1755 : i32 to index
      %swap3A_1757 = arith.constant 48 : index
      %swap3A_1758 = tpu.vector_load %arg10[%swap3A_1756, %swap3A_1757] {strides = array<i32>} : memref<16x128xf32, #tpu.memory_space<vmem>>, vector<16xf32>,
      tpu.vector_store %arg10[%swap3A_1756, %swap3A_1757], %get3A_1754 {strides = array<i32>} : memref<16x128xf32, #tpu.memory_space<vmem>>, vector<16xf32>,
      %get3A_1759 = arith.constant 928 : index
      %get3A_1760 = tpu.vector_load %arg9[%get3A_1759] {strides = array<i32>} : memref<2048xf32, #tpu.memory_space<vmem>>, vector<16xf32>,
      %swap3A_1761 = arith.constant 13 : i32
      %swap3A_1762 = arith.index_cast %swap3A_1761 : i32 to index
      %swap3A_1763 = arith.constant 32 : index
      %swap3A_1764 = tpu.vector_load %arg10[%swap3A_1762, %swap3A_1763] {strides = array<i32>} : memref<16x128xf32, #tpu.memory_space<vmem>>, vector<16xf32>,
      tpu.vector_store %arg10[%swap3A_1762, %swap3A_1763], %get3A_1760 {strides = array<i32>} : memref<16x128xf32, #tpu.memory_space<vmem>>, vector<16xf32>,
      %get3A_1765 = arith.constant 944 : index
      %get3A_1766 = tpu.vector_load %arg9[%get3A_1765] {strides = array<i32>} : memref<2048xf32, #tpu.memory_space<vmem>>, vector<16xf32>,
      %swap3A_1767 = arith.constant 13 : i32
      %swap3A_1768 = arith.index_cast %swap3A_1767 : i32 to index
      %swap3A_1769 = arith.constant 48 : index
      %swap3A_1770 = tpu.vector_load %arg10[%swap3A_1768, %swap3A_1769] {strides = array<i32>} : memref<16x128xf32, #tpu.memory_space<vmem>>, vector<16xf32>,
      tpu.vector_store %arg10[%swap3A_1768, %swap3A_1769], %get3A_1766 {strides = array<i32>} : memref<16x128xf32, #tpu.memory_space<vmem>>, vector<16xf32>,
      %get3A_1771 = arith.constant 960 : index
      %get3A_1772 = tpu.vector_load %arg9[%get3A_1771] {strides = array<i32>} : memref<2048xf32, #tpu.memory_space<vmem>>, vector<16xf32>,
      %swap3A_1773 = arith.constant 14 : i32
      %swap3A_1774 = arith.index_cast %swap3A_1773 : i32 to index
      %swap3A_1775 = arith.constant 32 : index
      %swap3A_1776 = tpu.vector_load %arg10[%swap3A_1774, %swap3A_1775] {strides = array<i32>} : memref<16x128xf32, #tpu.memory_space<vmem>>, vector<16xf32>,
      tpu.vector_store %arg10[%swap3A_1774, %swap3A_1775], %get3A_1772 {strides = array<i32>} : memref<16x128xf32, #tpu.memory_space<vmem>>, vector<16xf32>,
      %get3A_1777 = arith.constant 976 : index
      %get3A_1778 = tpu.vector_load %arg9[%get3A_1777] {strides = array<i32>} : memref<2048xf32, #tpu.memory_space<vmem>>, vector<16xf32>,
      %swap3A_1779 = arith.constant 14 : i32
      %swap3A_1780 = arith.index_cast %swap3A_1779 : i32 to index
      %swap3A_1781 = arith.constant 48 : index
      %swap3A_1782 = tpu.vector_load %arg10[%swap3A_1780, %swap3A_1781] {strides = array<i32>} : memref<16x128xf32, #tpu.memory_space<vmem>>, vector<16xf32>,
      tpu.vector_store %arg10[%swap3A_1780, %swap3A_1781], %get3A_1778 {strides = array<i32>} : memref<16x128xf32, #tpu.memory_space<vmem>>, vector<16xf32>,
      %get3A_1783 = arith.constant 992 : index
      %get3A_1784 = tpu.vector_load %arg9[%get3A_1783] {strides = array<i32>} : memref<2048xf32, #tpu.memory_space<vmem>>, vector<16xf32>,
      %swap3A_1785 = arith.constant 15 : i32
      %swap3A_1786 = arith.index_cast %swap3A_1785 : i32 to index
      %swap3A_1787 = arith.constant 32 : index
      %swap3A_1788 = tpu.vector_load %arg10[%swap3A_1786, %swap3A_1787] {strides = array<i32>} : memref<16x128xf32, #tpu.memory_space<vmem>>, vector<16xf32>,
      tpu.vector_store %arg10[%swap3A_1786, %swap3A_1787], %get3A_1784 {strides = array<i32>} : memref<16x128xf32, #tpu.memory_space<vmem>>, vector<16xf32>,
      %get3A_1789 = arith.constant 1008 : index
      %get3A_1790 = tpu.vector_load %arg9[%get3A_1789] {strides = array<i32>} : memref<2048xf32, #tpu.memory_space<vmem>>, vector<16xf32>,
      %swap3A_1791 = arith.constant 15 : i32
      %swap3A_1792 = arith.index_cast %swap3A_1791 : i32 to index
      %swap3A_1793 = arith.constant 48 : index
      %swap3A_1794 = tpu.vector_load %arg10[%swap3A_1792, %swap3A_1793] {strides = array<i32>} : memref<16x128xf32, #tpu.memory_space<vmem>>, vector<16xf32>,
      tpu.vector_store %arg10[%swap3A_1792, %swap3A_1793], %get3A_1790 {strides = array<i32>} : memref<16x128xf32, #tpu.memory_space<vmem>>, vector<16xf32>,
      %get3A_1795 = arith.constant 1024 : index
      %get3A_1796 = tpu.vector_load %arg9[%get3A_1795] {strides = array<i32>} : memref<2048xf32, #tpu.memory_space<vmem>>, vector<16xf32>,
      %swap3A_1797 = arith.constant 0 : i32
      %swap3A_1798 = arith.index_cast %swap3A_1797 : i32 to index
      %swap3A_1799 = arith.constant 64 : index
      %swap3A_1800 = tpu.vector_load %arg10[%swap3A_1798, %swap3A_1799] {strides = array<i32>} : memref<16x128xf32, #tpu.memory_space<vmem>>, vector<16xf32>,
      tpu.vector_store %arg10[%swap3A_1798, %swap3A_1799], %get3A_1796 {strides = array<i32>} : memref<16x128xf32, #tpu.memory_space<vmem>>, vector<16xf32>,
      %get3A_1801 = arith.constant 1040 : index
      %get3A_1802 = tpu.vector_load %arg9[%get3A_1801] {strides = array<i32>} : memref<2048xf32, #tpu.memory_space<vmem>>, vector<16xf32>,
      %swap3A_1803 = arith.constant 0 : i32
      %swap3A_1804 = arith.index_cast %swap3A_1803 : i32 to index
      %swap3A_1805 = arith.constant 80 : index
      %swap3A_1806 = tpu.vector_load %arg10[%swap3A_1804, %swap3A_1805] {strides = array<i32>} : memref<16x128xf32, #tpu.memory_space<vmem>>, vector<16xf32>,
      tpu.vector_store %arg10[%swap3A_1804, %swap3A_1805], %get3A_1802 {strides = array<i32>} : memref<16x128xf32, #tpu.memory_space<vmem>>, vector<16xf32>,
      %get3A_1807 = arith.constant 1056 : index
      %get3A_1808 = tpu.vector_load %arg9[%get3A_1807] {strides = array<i32>} : memref<2048xf32, #tpu.memory_space<vmem>>, vector<16xf32>,
      %swap3A_1809 = arith.constant 1 : i32
      %swap3A_1810 = arith.index_cast %swap3A_1809 : i32 to index
      %swap3A_1811 = arith.constant 64 : index
      %swap3A_1812 = tpu.vector_load %arg10[%swap3A_1810, %swap3A_1811] {strides = array<i32>} : memref<16x128xf32, #tpu.memory_space<vmem>>, vector<16xf32>,
      tpu.vector_store %arg10[%swap3A_1810, %swap3A_1811], %get3A_1808 {strides = array<i32>} : memref<16x128xf32, #tpu.memory_space<vmem>>, vector<16xf32>,
      %get3A_1813 = arith.constant 1072 : index
      %get3A_1814 = tpu.vector_load %arg9[%get3A_1813] {strides = array<i32>} : memref<2048xf32, #tpu.memory_space<vmem>>, vector<16xf32>,
      %swap3A_1815 = arith.constant 1 : i32
      %swap3A_1816 = arith.index_cast %swap3A_1815 : i32 to index
      %swap3A_1817 = arith.constant 80 : index
      %swap3A_1818 = tpu.vector_load %arg10[%swap3A_1816, %swap3A_1817] {strides = array<i32>} : memref<16x128xf32, #tpu.memory_space<vmem>>, vector<16xf32>,
      tpu.vector_store %arg10[%swap3A_1816, %swap3A_1817], %get3A_1814 {strides = array<i32>} : memref<16x128xf32, #tpu.memory_space<vmem>>, vector<16xf32>,
      %get3A_1819 = arith.constant 1088 : index
      %get3A_1820 = tpu.vector_load %arg9[%get3A_1819] {strides = array<i32>} : memref<2048xf32, #tpu.memory_space<vmem>>, vector<16xf32>,
      %swap3A_1821 = arith.constant 2 : i32
      %swap3A_1822 = arith.index_cast %swap3A_1821 : i32 to index
      %swap3A_1823 = arith.constant 64 : index
      %swap3A_1824 = tpu.vector_load %arg10[%swap3A_1822, %swap3A_1823] {strides = array<i32>} : memref<16x128xf32, #tpu.memory_space<vmem>>, vector<16xf32>,
      tpu.vector_store %arg10[%swap3A_1822, %swap3A_1823], %get3A_1820 {strides = array<i32>} : memref<16x128xf32, #tpu.memory_space<vmem>>, vector<16xf32>,
      %get3A_1825 = arith.constant 1104 : index
      %get3A_1826 = tpu.vector_load %arg9[%get3A_1825] {strides = array<i32>} : memref<2048xf32, #tpu.memory_space<vmem>>, vector<16xf32>,
      %swap3A_1827 = arith.constant 2 : i32
      %swap3A_1828 = arith.index_cast %swap3A_1827 : i32 to index
      %swap3A_1829 = arith.constant 80 : index
      %swap3A_1830 = tpu.vector_load %arg10[%swap3A_1828, %swap3A_1829] {strides = array<i32>} : memref<16x128xf32, #tpu.memory_space<vmem>>, vector<16xf32>,
      tpu.vector_store %arg10[%swap3A_1828, %swap3A_1829], %get3A_1826 {strides = array<i32>} : memref<16x128xf32, #tpu.memory_space<vmem>>, vector<16xf32>,
      %get3A_1831 = arith.constant 1120 : index
      %get3A_1832 = tpu.vector_load %arg9[%get3A_1831] {strides = array<i32>} : memref<2048xf32, #tpu.memory_space<vmem>>, vector<16xf32>,
      %swap3A_1833 = arith.constant 3 : i32
      %swap3A_1834 = arith.index_cast %swap3A_1833 : i32 to index
      %swap3A_1835 = arith.constant 64 : index
      %swap3A_1836 = tpu.vector_load %arg10[%swap3A_1834, %swap3A_1835] {strides = array<i32>} : memref<16x128xf32, #tpu.memory_space<vmem>>, vector<16xf32>,
      tpu.vector_store %arg10[%swap3A_1834, %swap3A_1835], %get3A_1832 {strides = array<i32>} : memref<16x128xf32, #tpu.memory_space<vmem>>, vector<16xf32>,
      %get3A_1837 = arith.constant 1136 : index
      %get3A_1838 = tpu.vector_load %arg9[%get3A_1837] {strides = array<i32>} : memref<2048xf32, #tpu.memory_space<vmem>>, vector<16xf32>,
      %swap3A_1839 = arith.constant 3 : i32
      %swap3A_1840 = arith.index_cast %swap3A_1839 : i32 to index
      %swap3A_1841 = arith.constant 80 : index
      %swap3A_1842 = tpu.vector_load %arg10[%swap3A_1840, %swap3A_1841] {strides = array<i32>} : memref<16x128xf32, #tpu.memory_space<vmem>>, vector<16xf32>,
      tpu.vector_store %arg10[%swap3A_1840, %swap3A_1841], %get3A_1838 {strides = array<i32>} : memref<16x128xf32, #tpu.memory_space<vmem>>, vector<16xf32>,
      %get3A_1843 = arith.constant 1152 : index
      %get3A_1844 = tpu.vector_load %arg9[%get3A_1843] {strides = array<i32>} : memref<2048xf32, #tpu.memory_space<vmem>>, vector<16xf32>,
      %swap3A_1845 = arith.constant 4 : i32
      %swap3A_1846 = arith.index_cast %swap3A_1845 : i32 to index
      %swap3A_1847 = arith.constant 64 : index
      %swap3A_1848 = tpu.vector_load %arg10[%swap3A_1846, %swap3A_1847] {strides = array<i32>} : memref<16x128xf32, #tpu.memory_space<vmem>>, vector<16xf32>,
      tpu.vector_store %arg10[%swap3A_1846, %swap3A_1847], %get3A_1844 {strides = array<i32>} : memref<16x128xf32, #tpu.memory_space<vmem>>, vector<16xf32>,
      %get3A_1849 = arith.constant 1168 : index
      %get3A_1850 = tpu.vector_load %arg9[%get3A_1849] {strides = array<i32>} : memref<2048xf32, #tpu.memory_space<vmem>>, vector<16xf32>,
      %swap3A_1851 = arith.constant 4 : i32
      %swap3A_1852 = arith.index_cast %swap3A_1851 : i32 to index
      %swap3A_1853 = arith.constant 80 : index
      %swap3A_1854 = tpu.vector_load %arg10[%swap3A_1852, %swap3A_1853] {strides = array<i32>} : memref<16x128xf32, #tpu.memory_space<vmem>>, vector<16xf32>,
      tpu.vector_store %arg10[%swap3A_1852, %swap3A_1853], %get3A_1850 {strides = array<i32>} : memref<16x128xf32, #tpu.memory_space<vmem>>, vector<16xf32>,
      %get3A_1855 = arith.constant 1184 : index
      %get3A_1856 = tpu.vector_load %arg9[%get3A_1855] {strides = array<i32>} : memref<2048xf32, #tpu.memory_space<vmem>>, vector<16xf32>,
      %swap3A_1857 = arith.constant 5 : i32
      %swap3A_1858 = arith.index_cast %swap3A_1857 : i32 to index
      %swap3A_1859 = arith.constant 64 : index
      %swap3A_1860 = tpu.vector_load %arg10[%swap3A_1858, %swap3A_1859] {strides = array<i32>} : memref<16x128xf32, #tpu.memory_space<vmem>>, vector<16xf32>,
      tpu.vector_store %arg10[%swap3A_1858, %swap3A_1859], %get3A_1856 {strides = array<i32>} : memref<16x128xf32, #tpu.memory_space<vmem>>, vector<16xf32>,
      %get3A_1861 = arith.constant 1200 : index
      %get3A_1862 = tpu.vector_load %arg9[%get3A_1861] {strides = array<i32>} : memref<2048xf32, #tpu.memory_space<vmem>>, vector<16xf32>,
      %swap3A_1863 = arith.constant 5 : i32
      %swap3A_1864 = arith.index_cast %swap3A_1863 : i32 to index
      %swap3A_1865 = arith.constant 80 : index
      %swap3A_1866 = tpu.vector_load %arg10[%swap3A_1864, %swap3A_1865] {strides = array<i32>} : memref<16x128xf32, #tpu.memory_space<vmem>>, vector<16xf32>,
      tpu.vector_store %arg10[%swap3A_1864, %swap3A_1865], %get3A_1862 {strides = array<i32>} : memref<16x128xf32, #tpu.memory_space<vmem>>, vector<16xf32>,
      %get3A_1867 = arith.constant 1216 : index
      %get3A_1868 = tpu.vector_load %arg9[%get3A_1867] {strides = array<i32>} : memref<2048xf32, #tpu.memory_space<vmem>>, vector<16xf32>,
      %swap3A_1869 = arith.constant 6 : i32
      %swap3A_1870 = arith.index_cast %swap3A_1869 : i32 to index
      %swap3A_1871 = arith.constant 64 : index
      %swap3A_1872 = tpu.vector_load %arg10[%swap3A_1870, %swap3A_1871] {strides = array<i32>} : memref<16x128xf32, #tpu.memory_space<vmem>>, vector<16xf32>,
      tpu.vector_store %arg10[%swap3A_1870, %swap3A_1871], %get3A_1868 {strides = array<i32>} : memref<16x128xf32, #tpu.memory_space<vmem>>, vector<16xf32>,
      %get3A_1873 = arith.constant 1232 : index
      %get3A_1874 = tpu.vector_load %arg9[%get3A_1873] {strides = array<i32>} : memref<2048xf32, #tpu.memory_space<vmem>>, vector<16xf32>,
      %swap3A_1875 = arith.constant 6 : i32
      %swap3A_1876 = arith.index_cast %swap3A_1875 : i32 to index
      %swap3A_1877 = arith.constant 80 : index
      %swap3A_1878 = tpu.vector_load %arg10[%swap3A_1876, %swap3A_1877] {strides = array<i32>} : memref<16x128xf32, #tpu.memory_space<vmem>>, vector<16xf32>,
      tpu.vector_store %arg10[%swap3A_1876, %swap3A_1877], %get3A_1874 {strides = array<i32>} : memref<16x128xf32, #tpu.memory_space<vmem>>, vector<16xf32>,
      %get3A_1879 = arith.constant 1248 : index
      %get3A_1880 = tpu.vector_load %arg9[%get3A_1879] {strides = array<i32>} : memref<2048xf32, #tpu.memory_space<vmem>>, vector<16xf32>,
      %swap3A_1881 = arith.constant 7 : i32
      %swap3A_1882 = arith.index_cast %swap3A_1881 : i32 to index
      %swap3A_1883 = arith.constant 64 : index
      %swap3A_1884 = tpu.vector_load %arg10[%swap3A_1882, %swap3A_1883] {strides = array<i32>} : memref<16x128xf32, #tpu.memory_space<vmem>>, vector<16xf32>,
      tpu.vector_store %arg10[%swap3A_1882, %swap3A_1883], %get3A_1880 {strides = array<i32>} : memref<16x128xf32, #tpu.memory_space<vmem>>, vector<16xf32>,
      %get3A_1885 = arith.constant 1264 : index
      %get3A_1886 = tpu.vector_load %arg9[%get3A_1885] {strides = array<i32>} : memref<2048xf32, #tpu.memory_space<vmem>>, vector<16xf32>,
      %swap3A_1887 = arith.constant 7 : i32
      %swap3A_1888 = arith.index_cast %swap3A_1887 : i32 to index
      %swap3A_1889 = arith.constant 80 : index
      %swap3A_1890 = tpu.vector_load %arg10[%swap3A_1888, %swap3A_1889] {strides = array<i32>} : memref<16x128xf32, #tpu.memory_space<vmem>>, vector<16xf32>,
      tpu.vector_store %arg10[%swap3A_1888, %swap3A_1889], %get3A_1886 {strides = array<i32>} : memref<16x128xf32, #tpu.memory_space<vmem>>, vector<16xf32>,
      %get3A_1891 = arith.constant 1280 : index
      %get3A_1892 = tpu.vector_load %arg9[%get3A_1891] {strides = array<i32>} : memref<2048xf32, #tpu.memory_space<vmem>>, vector<16xf32>,
      %swap3A_1893 = arith.constant 8 : i32
      %swap3A_1894 = arith.index_cast %swap3A_1893 : i32 to index
      %swap3A_1895 = arith.constant 64 : index
      %swap3A_1896 = tpu.vector_load %arg10[%swap3A_1894, %swap3A_1895] {strides = array<i32>} : memref<16x128xf32, #tpu.memory_space<vmem>>, vector<16xf32>,
      tpu.vector_store %arg10[%swap3A_1894, %swap3A_1895], %get3A_1892 {strides = array<i32>} : memref<16x128xf32, #tpu.memory_space<vmem>>, vector<16xf32>,
      %get3A_1897 = arith.constant 1296 : index
      %get3A_1898 = tpu.vector_load %arg9[%get3A_1897] {strides = array<i32>} : memref<2048xf32, #tpu.memory_space<vmem>>, vector<16xf32>,
      %swap3A_1899 = arith.constant 8 : i32
      %swap3A_1900 = arith.index_cast %swap3A_1899 : i32 to index
      %swap3A_1901 = arith.constant 80 : index
      %swap3A_1902 = tpu.vector_load %arg10[%swap3A_1900, %swap3A_1901] {strides = array<i32>} : memref<16x128xf32, #tpu.memory_space<vmem>>, vector<16xf32>,
      tpu.vector_store %arg10[%swap3A_1900, %swap3A_1901], %get3A_1898 {strides = array<i32>} : memref<16x128xf32, #tpu.memory_space<vmem>>, vector<16xf32>,
      %get3A_1903 = arith.constant 1312 : index
      %get3A_1904 = tpu.vector_load %arg9[%get3A_1903] {strides = array<i32>} : memref<2048xf32, #tpu.memory_space<vmem>>, vector<16xf32>,
      %swap3A_1905 = arith.constant 9 : i32
      %swap3A_1906 = arith.index_cast %swap3A_1905 : i32 to index
      %swap3A_1907 = arith.constant 64 : index
      %swap3A_1908 = tpu.vector_load %arg10[%swap3A_1906, %swap3A_1907] {strides = array<i32>} : memref<16x128xf32, #tpu.memory_space<vmem>>, vector<16xf32>,
      tpu.vector_store %arg10[%swap3A_1906, %swap3A_1907], %get3A_1904 {strides = array<i32>} : memref<16x128xf32, #tpu.memory_space<vmem>>, vector<16xf32>,
      %get3A_1909 = arith.constant 1328 : index
      %get3A_1910 = tpu.vector_load %arg9[%get3A_1909] {strides = array<i32>} : memref<2048xf32, #tpu.memory_space<vmem>>, vector<16xf32>,
      %swap3A_1911 = arith.constant 9 : i32
      %swap3A_1912 = arith.index_cast %swap3A_1911 : i32 to index
      %swap3A_1913 = arith.constant 80 : index
      %swap3A_1914 = tpu.vector_load %arg10[%swap3A_1912, %swap3A_1913] {strides = array<i32>} : memref<16x128xf32, #tpu.memory_space<vmem>>, vector<16xf32>,
      tpu.vector_store %arg10[%swap3A_1912, %swap3A_1913], %get3A_1910 {strides = array<i32>} : memref<16x128xf32, #tpu.memory_space<vmem>>, vector<16xf32>,
      %get3A_1915 = arith.constant 1344 : index
      %get3A_1916 = tpu.vector_load %arg9[%get3A_1915] {strides = array<i32>} : memref<2048xf32, #tpu.memory_space<vmem>>, vector<16xf32>,
      %swap3A_1917 = arith.constant 10 : i32
      %swap3A_1918 = arith.index_cast %swap3A_1917 : i32 to index
      %swap3A_1919 = arith.constant 64 : index
      %swap3A_1920 = tpu.vector_load %arg10[%swap3A_1918, %swap3A_1919] {strides = array<i32>} : memref<16x128xf32, #tpu.memory_space<vmem>>, vector<16xf32>,
      tpu.vector_store %arg10[%swap3A_1918, %swap3A_1919], %get3A_1916 {strides = array<i32>} : memref<16x128xf32, #tpu.memory_space<vmem>>, vector<16xf32>,
      %get3A_1921 = arith.constant 1360 : index
      %get3A_1922 = tpu.vector_load %arg9[%get3A_1921] {strides = array<i32>} : memref<2048xf32, #tpu.memory_space<vmem>>, vector<16xf32>,
      %swap3A_1923 = arith.constant 10 : i32
      %swap3A_1924 = arith.index_cast %swap3A_1923 : i32 to index
      %swap3A_1925 = arith.constant 80 : index
      %swap3A_1926 = tpu.vector_load %arg10[%swap3A_1924, %swap3A_1925] {strides = array<i32>} : memref<16x128xf32, #tpu.memory_space<vmem>>, vector<16xf32>,
      tpu.vector_store %arg10[%swap3A_1924, %swap3A_1925], %get3A_1922 {strides = array<i32>} : memref<16x128xf32, #tpu.memory_space<vmem>>, vector<16xf32>,
      %get3A_1927 = arith.constant 1376 : index
      %get3A_1928 = tpu.vector_load %arg9[%get3A_1927] {strides = array<i32>} : memref<2048xf32, #tpu.memory_space<vmem>>, vector<16xf32>,
      %swap3A_1929 = arith.constant 11 : i32
      %swap3A_1930 = arith.index_cast %swap3A_1929 : i32 to index
      %swap3A_1931 = arith.constant 64 : index
      %swap3A_1932 = tpu.vector_load %arg10[%swap3A_1930, %swap3A_1931] {strides = array<i32>} : memref<16x128xf32, #tpu.memory_space<vmem>>, vector<16xf32>,
      tpu.vector_store %arg10[%swap3A_1930, %swap3A_1931], %get3A_1928 {strides = array<i32>} : memref<16x128xf32, #tpu.memory_space<vmem>>, vector<16xf32>,
      %get3A_1933 = arith.constant 1392 : index
      %get3A_1934 = tpu.vector_load %arg9[%get3A_1933] {strides = array<i32>} : memref<2048xf32, #tpu.memory_space<vmem>>, vector<16xf32>,
      %swap3A_1935 = arith.constant 11 : i32
      %swap3A_1936 = arith.index_cast %swap3A_1935 : i32 to index
      %swap3A_1937 = arith.constant 80 : index
      %swap3A_1938 = tpu.vector_load %arg10[%swap3A_1936, %swap3A_1937] {strides = array<i32>} : memref<16x128xf32, #tpu.memory_space<vmem>>, vector<16xf32>,
      tpu.vector_store %arg10[%swap3A_1936, %swap3A_1937], %get3A_1934 {strides = array<i32>} : memref<16x128xf32, #tpu.memory_space<vmem>>, vector<16xf32>,
      %get3A_1939 = arith.constant 1408 : index
      %get3A_1940 = tpu.vector_load %arg9[%get3A_1939] {strides = array<i32>} : memref<2048xf32, #tpu.memory_space<vmem>>, vector<16xf32>,
      %swap3A_1941 = arith.constant 12 : i32
      %swap3A_1942 = arith.index_cast %swap3A_1941 : i32 to index
      %swap3A_1943 = arith.constant 64 : index
      %swap3A_1944 = tpu.vector_load %arg10[%swap3A_1942, %swap3A_1943] {strides = array<i32>} : memref<16x128xf32, #tpu.memory_space<vmem>>, vector<16xf32>,
      tpu.vector_store %arg10[%swap3A_1942, %swap3A_1943], %get3A_1940 {strides = array<i32>} : memref<16x128xf32, #tpu.memory_space<vmem>>, vector<16xf32>,
      %get3A_1945 = arith.constant 1424 : index
      %get3A_1946 = tpu.vector_load %arg9[%get3A_1945] {strides = array<i32>} : memref<2048xf32, #tpu.memory_space<vmem>>, vector<16xf32>,
      %swap3A_1947 = arith.constant 12 : i32
      %swap3A_1948 = arith.index_cast %swap3A_1947 : i32 to index
      %swap3A_1949 = arith.constant 80 : index
      %swap3A_1950 = tpu.vector_load %arg10[%swap3A_1948, %swap3A_1949] {strides = array<i32>} : memref<16x128xf32, #tpu.memory_space<vmem>>, vector<16xf32>,
      tpu.vector_store %arg10[%swap3A_1948, %swap3A_1949], %get3A_1946 {strides = array<i32>} : memref<16x128xf32, #tpu.memory_space<vmem>>, vector<16xf32>,
      %get3A_1951 = arith.constant 1440 : index
      %get3A_1952 = tpu.vector_load %arg9[%get3A_1951] {strides = array<i32>} : memref<2048xf32, #tpu.memory_space<vmem>>, vector<16xf32>,
      %swap3A_1953 = arith.constant 13 : i32
      %swap3A_1954 = arith.index_cast %swap3A_1953 : i32 to index
      %swap3A_1955 = arith.constant 64 : index
      %swap3A_1956 = tpu.vector_load %arg10[%swap3A_1954, %swap3A_1955] {strides = array<i32>} : memref<16x128xf32, #tpu.memory_space<vmem>>, vector<16xf32>,
      tpu.vector_store %arg10[%swap3A_1954, %swap3A_1955], %get3A_1952 {strides = array<i32>} : memref<16x128xf32, #tpu.memory_space<vmem>>, vector<16xf32>,
      %get3A_1957 = arith.constant 1456 : index
      %get3A_1958 = tpu.vector_load %arg9[%get3A_1957] {strides = array<i32>} : memref<2048xf32, #tpu.memory_space<vmem>>, vector<16xf32>,
      %swap3A_1959 = arith.constant 13 : i32
      %swap3A_1960 = arith.index_cast %swap3A_1959 : i32 to index
      %swap3A_1961 = arith.constant 80 : index
      %swap3A_1962 = tpu.vector_load %arg10[%swap3A_1960, %swap3A_1961] {strides = array<i32>} : memref<16x128xf32, #tpu.memory_space<vmem>>, vector<16xf32>,
      tpu.vector_store %arg10[%swap3A_1960, %swap3A_1961], %get3A_1958 {strides = array<i32>} : memref<16x128xf32, #tpu.memory_space<vmem>>, vector<16xf32>,
      %get3A_1963 = arith.constant 1472 : index
      %get3A_1964 = tpu.vector_load %arg9[%get3A_1963] {strides = array<i32>} : memref<2048xf32, #tpu.memory_space<vmem>>, vector<16xf32>,
      %swap3A_1965 = arith.constant 14 : i32
      %swap3A_1966 = arith.index_cast %swap3A_1965 : i32 to index
      %swap3A_1967 = arith.constant 64 : index
      %swap3A_1968 = tpu.vector_load %arg10[%swap3A_1966, %swap3A_1967] {strides = array<i32>} : memref<16x128xf32, #tpu.memory_space<vmem>>, vector<16xf32>,
      tpu.vector_store %arg10[%swap3A_1966, %swap3A_1967], %get3A_1964 {strides = array<i32>} : memref<16x128xf32, #tpu.memory_space<vmem>>, vector<16xf32>,
      %get3A_1969 = arith.constant 1488 : index
      %get3A_1970 = tpu.vector_load %arg9[%get3A_1969] {strides = array<i32>} : memref<2048xf32, #tpu.memory_space<vmem>>, vector<16xf32>,
      %swap3A_1971 = arith.constant 14 : i32
      %swap3A_1972 = arith.index_cast %swap3A_1971 : i32 to index
      %swap3A_1973 = arith.constant 80 : index
      %swap3A_1974 = tpu.vector_load %arg10[%swap3A_1972, %swap3A_1973] {strides = array<i32>} : memref<16x128xf32, #tpu.memory_space<vmem>>, vector<16xf32>,
      tpu.vector_store %arg10[%swap3A_1972, %swap3A_1973], %get3A_1970 {strides = array<i32>} : memref<16x128xf32, #tpu.memory_space<vmem>>, vector<16xf32>,
      %get3A_1975 = arith.constant 1504 : index
      %get3A_1976 = tpu.vector_load %arg9[%get3A_1975] {strides = array<i32>} : memref<2048xf32, #tpu.memory_space<vmem>>, vector<16xf32>,
      %swap3A_1977 = arith.constant 15 : i32
      %swap3A_1978 = arith.index_cast %swap3A_1977 : i32 to index
      %swap3A_1979 = arith.constant 64 : index
      %swap3A_1980 = tpu.vector_load %arg10[%swap3A_1978, %swap3A_1979] {strides = array<i32>} : memref<16x128xf32, #tpu.memory_space<vmem>>, vector<16xf32>,
      tpu.vector_store %arg10[%swap3A_1978, %swap3A_1979], %get3A_1976 {strides = array<i32>} : memref<16x128xf32, #tpu.memory_space<vmem>>, vector<16xf32>,
      %get3A_1981 = arith.constant 1520 : index
      %get3A_1982 = tpu.vector_load %arg9[%get3A_1981] {strides = array<i32>} : memref<2048xf32, #tpu.memory_space<vmem>>, vector<16xf32>,
      %swap3A_1983 = arith.constant 15 : i32
      %swap3A_1984 = arith.index_cast %swap3A_1983 : i32 to index
      %swap3A_1985 = arith.constant 80 : index
      %swap3A_1986 = tpu.vector_load %arg10[%swap3A_1984, %swap3A_1985] {strides = array<i32>} : memref<16x128xf32, #tpu.memory_space<vmem>>, vector<16xf32>,
      tpu.vector_store %arg10[%swap3A_1984, %swap3A_1985], %get3A_1982 {strides = array<i32>} : memref<16x128xf32, #tpu.memory_space<vmem>>, vector<16xf32>,
      %get3A_1987 = arith.constant 1536 : index
      %get3A_1988 = tpu.vector_load %arg9[%get3A_1987] {strides = array<i32>} : memref<2048xf32, #tpu.memory_space<vmem>>, vector<16xf32>,
      %swap3A_1989 = arith.constant 0 : i32
      %swap3A_1990 = arith.index_cast %swap3A_1989 : i32 to index
      %swap3A_1991 = arith.constant 96 : index
      %swap3A_1992 = tpu.vector_load %arg10[%swap3A_1990, %swap3A_1991] {strides = array<i32>} : memref<16x128xf32, #tpu.memory_space<vmem>>, vector<16xf32>,
      tpu.vector_store %arg10[%swap3A_1990, %swap3A_1991], %get3A_1988 {strides = array<i32>} : memref<16x128xf32, #tpu.memory_space<vmem>>, vector<16xf32>,
      %get3A_1993 = arith.constant 1552 : index
      %get3A_1994 = tpu.vector_load %arg9[%get3A_1993] {strides = array<i32>} : memref<2048xf32, #tpu.memory_space<vmem>>, vector<16xf32>,
      %swap3A_1995 = arith.constant 0 : i32
      %swap3A_1996 = arith.index_cast %swap3A_1995 : i32 to index
      %swap3A_1997 = arith.constant 112 : index
      %swap3A_1998 = tpu.vector_load %arg10[%swap3A_1996, %swap3A_1997] {strides = array<i32>} : memref<16x128xf32, #tpu.memory_space<vmem>>, vector<16xf32>,
      tpu.vector_store %arg10[%swap3A_1996, %swap3A_1997], %get3A_1994 {strides = array<i32>} : memref<16x128xf32, #tpu.memory_space<vmem>>, vector<16xf32>,
      %get3A_1999 = arith.constant 1568 : index
      %get3A_2000 = tpu.vector_load %arg9[%get3A_1999] {strides = array<i32>} : memref<2048xf32, #tpu.memory_space<vmem>>, vector<16xf32>,
      %swap3A_2001 = arith.constant 1 : i32
      %swap3A_2002 = arith.index_cast %swap3A_2001 : i32 to index
      %swap3A_2003 = arith.constant 96 : index
      %swap3A_2004 = tpu.vector_load %arg10[%swap3A_2002, %swap3A_2003] {strides = array<i32>} : memref<16x128xf32, #tpu.memory_space<vmem>>, vector<16xf32>,
      tpu.vector_store %arg10[%swap3A_2002, %swap3A_2003], %get3A_2000 {strides = array<i32>} : memref<16x128xf32, #tpu.memory_space<vmem>>, vector<16xf32>,
      %get3A_2005 = arith.constant 1584 : index
      %get3A_2006 = tpu.vector_load %arg9[%get3A_2005] {strides = array<i32>} : memref<2048xf32, #tpu.memory_space<vmem>>, vector<16xf32>,
      %swap3A_2007 = arith.constant 1 : i32
      %swap3A_2008 = arith.index_cast %swap3A_2007 : i32 to index
      %swap3A_2009 = arith.constant 112 : index
      %swap3A_2010 = tpu.vector_load %arg10[%swap3A_2008, %swap3A_2009] {strides = array<i32>} : memref<16x128xf32, #tpu.memory_space<vmem>>, vector<16xf32>,
      tpu.vector_store %arg10[%swap3A_2008, %swap3A_2009], %get3A_2006 {strides = array<i32>} : memref<16x128xf32, #tpu.memory_space<vmem>>, vector<16xf32>,
      %get3A_2011 = arith.constant 1600 : index
      %get3A_2012 = tpu.vector_load %arg9[%get3A_2011] {strides = array<i32>} : memref<2048xf32, #tpu.memory_space<vmem>>, vector<16xf32>,
      %swap3A_2013 = arith.constant 2 : i32
      %swap3A_2014 = arith.index_cast %swap3A_2013 : i32 to index
      %swap3A_2015 = arith.constant 96 : index
      %swap3A_2016 = tpu.vector_load %arg10[%swap3A_2014, %swap3A_2015] {strides = array<i32>} : memref<16x128xf32, #tpu.memory_space<vmem>>, vector<16xf32>,
      tpu.vector_store %arg10[%swap3A_2014, %swap3A_2015], %get3A_2012 {strides = array<i32>} : memref<16x128xf32, #tpu.memory_space<vmem>>, vector<16xf32>,
      %get3A_2017 = arith.constant 1616 : index
      %get3A_2018 = tpu.vector_load %arg9[%get3A_2017] {strides = array<i32>} : memref<2048xf32, #tpu.memory_space<vmem>>, vector<16xf32>,
      %swap3A_2019 = arith.constant 2 : i32
      %swap3A_2020 = arith.index_cast %swap3A_2019 : i32 to index
      %swap3A_2021 = arith.constant 112 : index
      %swap3A_2022 = tpu.vector_load %arg10[%swap3A_2020, %swap3A_2021] {strides = array<i32>} : memref<16x128xf32, #tpu.memory_space<vmem>>, vector<16xf32>,
      tpu.vector_store %arg10[%swap3A_2020, %swap3A_2021], %get3A_2018 {strides = array<i32>} : memref<16x128xf32, #tpu.memory_space<vmem>>, vector<16xf32>,
      %get3A_2023 = arith.constant 1632 : index
      %get3A_2024 = tpu.vector_load %arg9[%get3A_2023] {strides = array<i32>} : memref<2048xf32, #tpu.memory_space<vmem>>, vector<16xf32>,
      %swap3A_2025 = arith.constant 3 : i32
      %swap3A_2026 = arith.index_cast %swap3A_2025 : i32 to index
      %swap3A_2027 = arith.constant 96 : index
      %swap3A_2028 = tpu.vector_load %arg10[%swap3A_2026, %swap3A_2027] {strides = array<i32>} : memref<16x128xf32, #tpu.memory_space<vmem>>, vector<16xf32>,
      tpu.vector_store %arg10[%swap3A_2026, %swap3A_2027], %get3A_2024 {strides = array<i32>} : memref<16x128xf32, #tpu.memory_space<vmem>>, vector<16xf32>,
      %get3A_2029 = arith.constant 1648 : index
      %get3A_2030 = tpu.vector_load %arg9[%get3A_2029] {strides = array<i32>} : memref<2048xf32, #tpu.memory_space<vmem>>, vector<16xf32>,
      %swap3A_2031 = arith.constant 3 : i32
      %swap3A_2032 = arith.index_cast %swap3A_2031 : i32 to index
      %swap3A_2033 = arith.constant 112 : index
      %swap3A_2034 = tpu.vector_load %arg10[%swap3A_2032, %swap3A_2033] {strides = array<i32>} : memref<16x128xf32, #tpu.memory_space<vmem>>, vector<16xf32>,
      tpu.vector_store %arg10[%swap3A_2032, %swap3A_2033], %get3A_2030 {strides = array<i32>} : memref<16x128xf32, #tpu.memory_space<vmem>>, vector<16xf32>,
      %get3A_2035 = arith.constant 1664 : index
      %get3A_2036 = tpu.vector_load %arg9[%get3A_2035] {strides = array<i32>} : memref<2048xf32, #tpu.memory_space<vmem>>, vector<16xf32>,
      %swap3A_2037 = arith.constant 4 : i32
      %swap3A_2038 = arith.index_cast %swap3A_2037 : i32 to index
      %swap3A_2039 = arith.constant 96 : index
      %swap3A_2040 = tpu.vector_load %arg10[%swap3A_2038, %swap3A_2039] {strides = array<i32>} : memref<16x128xf32, #tpu.memory_space<vmem>>, vector<16xf32>,
      tpu.vector_store %arg10[%swap3A_2038, %swap3A_2039], %get3A_2036 {strides = array<i32>} : memref<16x128xf32, #tpu.memory_space<vmem>>, vector<16xf32>,
      %get3A_2041 = arith.constant 1680 : index
      %get3A_2042 = tpu.vector_load %arg9[%get3A_2041] {strides = array<i32>} : memref<2048xf32, #tpu.memory_space<vmem>>, vector<16xf32>,
      %swap3A_2043 = arith.constant 4 : i32
      %swap3A_2044 = arith.index_cast %swap3A_2043 : i32 to index
      %swap3A_2045 = arith.constant 112 : index
      %swap3A_2046 = tpu.vector_load %arg10[%swap3A_2044, %swap3A_2045] {strides = array<i32>} : memref<16x128xf32, #tpu.memory_space<vmem>>, vector<16xf32>,
      tpu.vector_store %arg10[%swap3A_2044, %swap3A_2045], %get3A_2042 {strides = array<i32>} : memref<16x128xf32, #tpu.memory_space<vmem>>, vector<16xf32>,
      %get3A_2047 = arith.constant 1696 : index
      %get3A_2048 = tpu.vector_load %arg9[%get3A_2047] {strides = array<i32>} : memref<2048xf32, #tpu.memory_space<vmem>>, vector<16xf32>,
      %swap3A_2049 = arith.constant 5 : i32
      %swap3A_2050 = arith.index_cast %swap3A_2049 : i32 to index
      %swap3A_2051 = arith.constant 96 : index
      %swap3A_2052 = tpu.vector_load %arg10[%swap3A_2050, %swap3A_2051] {strides = array<i32>} : memref<16x128xf32, #tpu.memory_space<vmem>>, vector<16xf32>,
      tpu.vector_store %arg10[%swap3A_2050, %swap3A_2051], %get3A_2048 {strides = array<i32>} : memref<16x128xf32, #tpu.memory_space<vmem>>, vector<16xf32>,
      %get3A_2053 = arith.constant 1712 : index
      %get3A_2054 = tpu.vector_load %arg9[%get3A_2053] {strides = array<i32>} : memref<2048xf32, #tpu.memory_space<vmem>>, vector<16xf32>,
      %swap3A_2055 = arith.constant 5 : i32
      %swap3A_2056 = arith.index_cast %swap3A_2055 : i32 to index
      %swap3A_2057 = arith.constant 112 : index
      %swap3A_2058 = tpu.vector_load %arg10[%swap3A_2056, %swap3A_2057] {strides = array<i32>} : memref<16x128xf32, #tpu.memory_space<vmem>>, vector<16xf32>,
      tpu.vector_store %arg10[%swap3A_2056, %swap3A_2057], %get3A_2054 {strides = array<i32>} : memref<16x128xf32, #tpu.memory_space<vmem>>, vector<16xf32>,
      %get3A_2059 = arith.constant 1728 : index
      %get3A_2060 = tpu.vector_load %arg9[%get3A_2059] {strides = array<i32>} : memref<2048xf32, #tpu.memory_space<vmem>>, vector<16xf32>,
      %swap3A_2061 = arith.constant 6 : i32
      %swap3A_2062 = arith.index_cast %swap3A_2061 : i32 to index
      %swap3A_2063 = arith.constant 96 : index
      %swap3A_2064 = tpu.vector_load %arg10[%swap3A_2062, %swap3A_2063] {strides = array<i32>} : memref<16x128xf32, #tpu.memory_space<vmem>>, vector<16xf32>,
      tpu.vector_store %arg10[%swap3A_2062, %swap3A_2063], %get3A_2060 {strides = array<i32>} : memref<16x128xf32, #tpu.memory_space<vmem>>, vector<16xf32>,
      %get3A_2065 = arith.constant 1744 : index
      %get3A_2066 = tpu.vector_load %arg9[%get3A_2065] {strides = array<i32>} : memref<2048xf32, #tpu.memory_space<vmem>>, vector<16xf32>,
      %swap3A_2067 = arith.constant 6 : i32
      %swap3A_2068 = arith.index_cast %swap3A_2067 : i32 to index
      %swap3A_2069 = arith.constant 112 : index
      %swap3A_2070 = tpu.vector_load %arg10[%swap3A_2068, %swap3A_2069] {strides = array<i32>} : memref<16x128xf32, #tpu.memory_space<vmem>>, vector<16xf32>,
      tpu.vector_store %arg10[%swap3A_2068, %swap3A_2069], %get3A_2066 {strides = array<i32>} : memref<16x128xf32, #tpu.memory_space<vmem>>, vector<16xf32>,
      %get3A_2071 = arith.constant 1760 : index
      %get3A_2072 = tpu.vector_load %arg9[%get3A_2071] {strides = array<i32>} : memref<2048xf32, #tpu.memory_space<vmem>>, vector<16xf32>,
      %swap3A_2073 = arith.constant 7 : i32
      %swap3A_2074 = arith.index_cast %swap3A_2073 : i32 to index
      %swap3A_2075 = arith.constant 96 : index
      %swap3A_2076 = tpu.vector_load %arg10[%swap3A_2074, %swap3A_2075] {strides = array<i32>} : memref<16x128xf32, #tpu.memory_space<vmem>>, vector<16xf32>,
      tpu.vector_store %arg10[%swap3A_2074, %swap3A_2075], %get3A_2072 {strides = array<i32>} : memref<16x128xf32, #tpu.memory_space<vmem>>, vector<16xf32>,
      %get3A_2077 = arith.constant 1776 : index
      %get3A_2078 = tpu.vector_load %arg9[%get3A_2077] {strides = array<i32>} : memref<2048xf32, #tpu.memory_space<vmem>>, vector<16xf32>,
      %swap3A_2079 = arith.constant 7 : i32
      %swap3A_2080 = arith.index_cast %swap3A_2079 : i32 to index
      %swap3A_2081 = arith.constant 112 : index
      %swap3A_2082 = tpu.vector_load %arg10[%swap3A_2080, %swap3A_2081] {strides = array<i32>} : memref<16x128xf32, #tpu.memory_space<vmem>>, vector<16xf32>,
      tpu.vector_store %arg10[%swap3A_2080, %swap3A_2081], %get3A_2078 {strides = array<i32>} : memref<16x128xf32, #tpu.memory_space<vmem>>, vector<16xf32>,
      %get3A_2083 = arith.constant 1792 : index
      %get3A_2084 = tpu.vector_load %arg9[%get3A_2083] {strides = array<i32>} : memref<2048xf32, #tpu.memory_space<vmem>>, vector<16xf32>,
      %swap3A_2085 = arith.constant 8 : i32
      %swap3A_2086 = arith.index_cast %swap3A_2085 : i32 to index
      %swap3A_2087 = arith.constant 96 : index
      %swap3A_2088 = tpu.vector_load %arg10[%swap3A_2086, %swap3A_2087] {strides = array<i32>} : memref<16x128xf32, #tpu.memory_space<vmem>>, vector<16xf32>,
      tpu.vector_store %arg10[%swap3A_2086, %swap3A_2087], %get3A_2084 {strides = array<i32>} : memref<16x128xf32, #tpu.memory_space<vmem>>, vector<16xf32>,
      %get3A_2089 = arith.constant 1808 : index
      %get3A_2090 = tpu.vector_load %arg9[%get3A_2089] {strides = array<i32>} : memref<2048xf32, #tpu.memory_space<vmem>>, vector<16xf32>,
      %swap3A_2091 = arith.constant 8 : i32
      %swap3A_2092 = arith.index_cast %swap3A_2091 : i32 to index
      %swap3A_2093 = arith.constant 112 : index
      %swap3A_2094 = tpu.vector_load %arg10[%swap3A_2092, %swap3A_2093] {strides = array<i32>} : memref<16x128xf32, #tpu.memory_space<vmem>>, vector<16xf32>,
      tpu.vector_store %arg10[%swap3A_2092, %swap3A_2093], %get3A_2090 {strides = array<i32>} : memref<16x128xf32, #tpu.memory_space<vmem>>, vector<16xf32>,
      %get3A_2095 = arith.constant 1824 : index
      %get3A_2096 = tpu.vector_load %arg9[%get3A_2095] {strides = array<i32>} : memref<2048xf32, #tpu.memory_space<vmem>>, vector<16xf32>,
      %swap3A_2097 = arith.constant 9 : i32
      %swap3A_2098 = arith.index_cast %swap3A_2097 : i32 to index
      %swap3A_2099 = arith.constant 96 : index
      %swap3A_2100 = tpu.vector_load %arg10[%swap3A_2098, %swap3A_2099] {strides = array<i32>} : memref<16x128xf32, #tpu.memory_space<vmem>>, vector<16xf32>,
      tpu.vector_store %arg10[%swap3A_2098, %swap3A_2099], %get3A_2096 {strides = array<i32>} : memref<16x128xf32, #tpu.memory_space<vmem>>, vector<16xf32>,
      %get3A_2101 = arith.constant 1840 : index
      %get3A_2102 = tpu.vector_load %arg9[%get3A_2101] {strides = array<i32>} : memref<2048xf32, #tpu.memory_space<vmem>>, vector<16xf32>,
      %swap3A_2103 = arith.constant 9 : i32
      %swap3A_2104 = arith.index_cast %swap3A_2103 : i32 to index
      %swap3A_2105 = arith.constant 112 : index
      %swap3A_2106 = tpu.vector_load %arg10[%swap3A_2104, %swap3A_2105] {strides = array<i32>} : memref<16x128xf32, #tpu.memory_space<vmem>>, vector<16xf32>,
      tpu.vector_store %arg10[%swap3A_2104, %swap3A_2105], %get3A_2102 {strides = array<i32>} : memref<16x128xf32, #tpu.memory_space<vmem>>, vector<16xf32>,
      %get3A_2107 = arith.constant 1856 : index
      %get3A_2108 = tpu.vector_load %arg9[%get3A_2107] {strides = array<i32>} : memref<2048xf32, #tpu.memory_space<vmem>>, vector<16xf32>,
      %swap3A_2109 = arith.constant 10 : i32
      %swap3A_2110 = arith.index_cast %swap3A_2109 : i32 to index
      %swap3A_2111 = arith.constant 96 : index
      %swap3A_2112 = tpu.vector_load %arg10[%swap3A_2110, %swap3A_2111] {strides = array<i32>} : memref<16x128xf32, #tpu.memory_space<vmem>>, vector<16xf32>,
      tpu.vector_store %arg10[%swap3A_2110, %swap3A_2111], %get3A_2108 {strides = array<i32>} : memref<16x128xf32, #tpu.memory_space<vmem>>, vector<16xf32>,
      %get3A_2113 = arith.constant 1872 : index
      %get3A_2114 = tpu.vector_load %arg9[%get3A_2113] {strides = array<i32>} : memref<2048xf32, #tpu.memory_space<vmem>>, vector<16xf32>,
      %swap3A_2115 = arith.constant 10 : i32
      %swap3A_2116 = arith.index_cast %swap3A_2115 : i32 to index
      %swap3A_2117 = arith.constant 112 : index
      %swap3A_2118 = tpu.vector_load %arg10[%swap3A_2116, %swap3A_2117] {strides = array<i32>} : memref<16x128xf32, #tpu.memory_space<vmem>>, vector<16xf32>,
      tpu.vector_store %arg10[%swap3A_2116, %swap3A_2117], %get3A_2114 {strides = array<i32>} : memref<16x128xf32, #tpu.memory_space<vmem>>, vector<16xf32>,
      %get3A_2119 = arith.constant 1888 : index
      %get3A_2120 = tpu.vector_load %arg9[%get3A_2119] {strides = array<i32>} : memref<2048xf32, #tpu.memory_space<vmem>>, vector<16xf32>,
      %swap3A_2121 = arith.constant 11 : i32
      %swap3A_2122 = arith.index_cast %swap3A_2121 : i32 to index
      %swap3A_2123 = arith.constant 96 : index
      %swap3A_2124 = tpu.vector_load %arg10[%swap3A_2122, %swap3A_2123] {strides = array<i32>} : memref<16x128xf32, #tpu.memory_space<vmem>>, vector<16xf32>,
      tpu.vector_store %arg10[%swap3A_2122, %swap3A_2123], %get3A_2120 {strides = array<i32>} : memref<16x128xf32, #tpu.memory_space<vmem>>, vector<16xf32>,
      %get3A_2125 = arith.constant 1904 : index
      %get3A_2126 = tpu.vector_load %arg9[%get3A_2125] {strides = array<i32>} : memref<2048xf32, #tpu.memory_space<vmem>>, vector<16xf32>,
      %swap3A_2127 = arith.constant 11 : i32
      %swap3A_2128 = arith.index_cast %swap3A_2127 : i32 to index
      %swap3A_2129 = arith.constant 112 : index
      %swap3A_2130 = tpu.vector_load %arg10[%swap3A_2128, %swap3A_2129] {strides = array<i32>} : memref<16x128xf32, #tpu.memory_space<vmem>>, vector<16xf32>,
      tpu.vector_store %arg10[%swap3A_2128, %swap3A_2129], %get3A_2126 {strides = array<i32>} : memref<16x128xf32, #tpu.memory_space<vmem>>, vector<16xf32>,
      %get3A_2131 = arith.constant 1920 : index
      %get3A_2132 = tpu.vector_load %arg9[%get3A_2131] {strides = array<i32>} : memref<2048xf32, #tpu.memory_space<vmem>>, vector<16xf32>,
      %swap3A_2133 = arith.constant 12 : i32
      %swap3A_2134 = arith.index_cast %swap3A_2133 : i32 to index
      %swap3A_2135 = arith.constant 96 : index
      %swap3A_2136 = tpu.vector_load %arg10[%swap3A_2134, %swap3A_2135] {strides = array<i32>} : memref<16x128xf32, #tpu.memory_space<vmem>>, vector<16xf32>,
      tpu.vector_store %arg10[%swap3A_2134, %swap3A_2135], %get3A_2132 {strides = array<i32>} : memref<16x128xf32, #tpu.memory_space<vmem>>, vector<16xf32>,
      %get3A_2137 = arith.constant 1936 : index
      %get3A_2138 = tpu.vector_load %arg9[%get3A_2137] {strides = array<i32>} : memref<2048xf32, #tpu.memory_space<vmem>>, vector<16xf32>,
      %swap3A_2139 = arith.constant 12 : i32
      %swap3A_2140 = arith.index_cast %swap3A_2139 : i32 to index
      %swap3A_2141 = arith.constant 112 : index
      %swap3A_2142 = tpu.vector_load %arg10[%swap3A_2140, %swap3A_2141] {strides = array<i32>} : memref<16x128xf32, #tpu.memory_space<vmem>>, vector<16xf32>,
      tpu.vector_store %arg10[%swap3A_2140, %swap3A_2141], %get3A_2138 {strides = array<i32>} : memref<16x128xf32, #tpu.memory_space<vmem>>, vector<16xf32>,
      %get3A_2143 = arith.constant 1952 : index
      %get3A_2144 = tpu.vector_load %arg9[%get3A_2143] {strides = array<i32>} : memref<2048xf32, #tpu.memory_space<vmem>>, vector<16xf32>,
      %swap3A_2145 = arith.constant 13 : i32
      %swap3A_2146 = arith.index_cast %swap3A_2145 : i32 to index
      %swap3A_2147 = arith.constant 96 : index
      %swap3A_2148 = tpu.vector_load %arg10[%swap3A_2146, %swap3A_2147] {strides = array<i32>} : memref<16x128xf32, #tpu.memory_space<vmem>>, vector<16xf32>,
      tpu.vector_store %arg10[%swap3A_2146, %swap3A_2147], %get3A_2144 {strides = array<i32>} : memref<16x128xf32, #tpu.memory_space<vmem>>, vector<16xf32>,
      %get3A_2149 = arith.constant 1968 : index
      %get3A_2150 = tpu.vector_load %arg9[%get3A_2149] {strides = array<i32>} : memref<2048xf32, #tpu.memory_space<vmem>>, vector<16xf32>,
      %swap3A_2151 = arith.constant 13 : i32
      %swap3A_2152 = arith.index_cast %swap3A_2151 : i32 to index
      %swap3A_2153 = arith.constant 112 : index
      %swap3A_2154 = tpu.vector_load %arg10[%swap3A_2152, %swap3A_2153] {strides = array<i32>} : memref<16x128xf32, #tpu.memory_space<vmem>>, vector<16xf32>,
      tpu.vector_store %arg10[%swap3A_2152, %swap3A_2153], %get3A_2150 {strides = array<i32>} : memref<16x128xf32, #tpu.memory_space<vmem>>, vector<16xf32>,
      %get3A_2155 = arith.constant 1984 : index
      %get3A_2156 = tpu.vector_load %arg9[%get3A_2155] {strides = array<i32>} : memref<2048xf32, #tpu.memory_space<vmem>>, vector<16xf32>,
      %swap3A_2157 = arith.constant 14 : i32
      %swap3A_2158 = arith.index_cast %swap3A_2157 : i32 to index
      %swap3A_2159 = arith.constant 96 : index
      %swap3A_2160 = tpu.vector_load %arg10[%swap3A_2158, %swap3A_2159] {strides = array<i32>} : memref<16x128xf32, #tpu.memory_space<vmem>>, vector<16xf32>,
      tpu.vector_store %arg10[%swap3A_2158, %swap3A_2159], %get3A_2156 {strides = array<i32>} : memref<16x128xf32, #tpu.memory_space<vmem>>, vector<16xf32>,
      %get3A_2161 = arith.constant 2000 : index
      %get3A_2162 = tpu.vector_load %arg9[%get3A_2161] {strides = array<i32>} : memref<2048xf32, #tpu.memory_space<vmem>>, vector<16xf32>,
      %swap3A_2163 = arith.constant 14 : i32
      %swap3A_2164 = arith.index_cast %swap3A_2163 : i32 to index
      %swap3A_2165 = arith.constant 112 : index
      %swap3A_2166 = tpu.vector_load %arg10[%swap3A_2164, %swap3A_2165] {strides = array<i32>} : memref<16x128xf32, #tpu.memory_space<vmem>>, vector<16xf32>,
      tpu.vector_store %arg10[%swap3A_2164, %swap3A_2165], %get3A_2162 {strides = array<i32>} : memref<16x128xf32, #tpu.memory_space<vmem>>, vector<16xf32>,
      %get3A_2167 = arith.constant 2016 : index
      %get3A_2168 = tpu.vector_load %arg9[%get3A_2167] {strides = array<i32>} : memref<2048xf32, #tpu.memory_space<vmem>>, vector<16xf32>,
      %swap3A_2169 = arith.constant 15 : i32
      %swap3A_2170 = arith.index_cast %swap3A_2169 : i32 to index
      %swap3A_2171 = arith.constant 96 : index
      %swap3A_2172 = tpu.vector_load %arg10[%swap3A_2170, %swap3A_2171] {strides = array<i32>} : memref<16x128xf32, #tpu.memory_space<vmem>>, vector<16xf32>,
      tpu.vector_store %arg10[%swap3A_2170, %swap3A_2171], %get3A_2168 {strides = array<i32>} : memref<16x128xf32, #tpu.memory_space<vmem>>, vector<16xf32>,
      %get3A_2173 = arith.constant 2032 : index
      %get3A_2174 = tpu.vector_load %arg9[%get3A_2173] {strides = array<i32>} : memref<2048xf32, #tpu.memory_space<vmem>>, vector<16xf32>,
      %swap3A_2175 = arith.constant 15 : i32
      %swap3A_2176 = arith.index_cast %swap3A_2175 : i32 to index
      %swap3A_2177 = arith.constant 112 : index
      %swap3A_2178 = tpu.vector_load %arg10[%swap3A_2176, %swap3A_2177] {strides = array<i32>} : memref<16x128xf32, #tpu.memory_space<vmem>>, vector<16xf32>,
      tpu.vector_store %arg10[%swap3A_2176, %swap3A_2177], %get3A_2174 {strides = array<i32>} : memref<16x128xf32, #tpu.memory_space<vmem>>, vector<16xf32>,
      %mul3A_2179 = arith.constant 4 : i32
      %mul3A_2180 = arith.muli %arg0, %mul3A_2179 : i32
      %add3A_2181 = arith.addi %mul3A_2180, %arg1 : i32
      %mul3A_2182 = arith.constant 128 : i32
      %mul3A_2183 = arith.muli %add3A_2181, %mul3A_2182 : i32
      %multiple_of3A_2184 = tpu.assume_multiple %mul3A_2183, 128 : i32
      "tpu.region"() ({
        %run_scoped3A = tpu.sem_alloc : memref<!tpu.dma_semaphore, #tpu.memory_space<semaphore_mem>>
        %dma_start3A_2185 = arith.constant 0 : i32
        %dma_start3A_2186 = tpu.memref_slice %arg4[%dma_start3A_2185, %multiple_of3A_2184] : memref<16x1024xf32, #tpu.memory_space<hbm>> -> memref<16x128xf32, #tpu.memory_space<hbm>>
        %dma_start3A_2187 = arith.constant 0 : i32
        %dma_start3A_2188 = tpu.memref_slice %arg4[%dma_start3A_2187, %multiple_of3A_2184] : memref<16x1024xf32, #tpu.memory_space<hbm>> -> memref<16x128xf32, #tpu.memory_space<hbm>>
        tpu.enqueue_dma source(%arg10 : memref<16x128xf32, #tpu.memory_space<vmem>>) target(%dma_start3A_2188 : memref<16x128xf32, #tpu.memory_space<hbm>>) target_semaphore(%run_scoped3A : memref<!tpu.dma_semaphore, #tpu.memory_space<semaphore_mem>>)
        %dma_wait3A_2189 = arith.constant 0 : i32
        %dma_wait3A_2190 = tpu.memref_slice %arg4[%dma_wait3A_2189, %multiple_of3A_2184] : memref<16x1024xf32, #tpu.memory_space<hbm>> -> memref<16x128xf32, #tpu.memory_space<hbm>>
        %dma_wait3A_2191 = arith.constant 0 : i32
        %dma_wait3A_2192 = tpu.memref_slice %arg4[%dma_wait3A_2191, %multiple_of3A_2184] : memref<16x1024xf32, #tpu.memory_space<hbm>> -> memref<16x128xf32, #tpu.memory_space<hbm>>
        tpu.wait_dma2 semaphore(%run_scoped3A : memref<!tpu.dma_semaphore, #tpu.memory_space<semaphore_mem>>) src(%arg10 : memref<16x128xf32, #tpu.memory_space<vmem>>) dst(%dma_wait3A_2192 : memref<16x128xf32, #tpu.memory_space<hbm>>)
        tpu.yield
      }) : () -> ()
    } else {
    }
    return
  }
}

</mosaic_0001>

<sc_bundles>
// kernel: kernel.3.cloned.1.call-start
scs
__scs_entry_jumppad:
0x0: {  	(pc) =	sbr.rel $0x88, $3  }
0x1: {  	(tag) =	ssettag $0x0;
	lr =	simm.s32 $0x1  }
0x2: {  	[smem:$0x3F9F] =	sst lr;
	_ =	strace $0xD0000000  }
0x3: {  	_ = 	snop  }
0x4: {  	_ = 	snop  }
0x5: {  	_ = 	snop  }
0x6: {  	_ = 	snop  }
0x7: {  	_ = 	snop  }
__scs_overlays_trampoline_lowered:
0x8: {  	[smem:$0x3FAE] =	sst s0  }
0x9: {  	[smem:$0x3FAF] =	sst s1  }
0xa: {  	[smem:$0x3FB0] =	sst s2  }
0xb: {  	[smem:$0x3FB1] =	sst s3  }
0xc: {  	[smem:$0x3FB2] =	sst s4  }
0xd: {  	[smem:$0x3FB3] =	sst s5  }
0xe: {  	[smem:$0x3FB4] =	sst s6  }
0xf: {  	[smem:$0x3FB5] =	sst s7  }
0x10: {  	[smem:$0x3FB6] =	sst s8  }
0x11: {  	[smem:$0x3FB7] =	sst s9;
	s0 =	simm.s32 @!p0 $0x0  }
0x12: {  	s1 =	sld [smem:$0x3F9D];
	s0 =	simm.s32 @p0 $0x1  }
0x13: {  	[smem:$0x3FB8] =	sst s0;
	s0 =	simm.s32 @!p1 $0x0  }
0x14: {  	s2 =	sld [smem:$0x3F9C];
	s0 =	simm.s32 @p1 $0x1  }
0x15: {  	[smem:$0x3FB9] =	sst s0;
	s0 =	simm.s32 @!p2 $0x0  }
0x16: {  	s3 =	sld [smem:$0x3FDB];
	s0 =	simm.s32 @p2 $0x1  }
0x17: {  	s4 =	simm.s32 $0x1BF5;
	[smem:$0x3FBB] =	sst s0  }
0x18: {  	s0 =	sld [smem:$0x3F9E];
	_ =	swait.ge [sflag:s4], $0x0  }
0x19: {  	s7 =	sld [smem:$0x3F9F]  }
0x1a: {  	s8 =	sadd.s32 $0xFFFFE003, lr  }
0x1b: {  	s9 =	sadd.s32 $0xFFFFFEF7, lr;
	s5 =	simm.s32 $0xFFFFFFFF;
	p2 =	slt.u32 s8, $0xFFFFF086  }
0x1c: {  	p1 =	slt.u32 s9, $0xF7A;
	s5 =	simm.s32 @!p2 $0x0  }
0x1d: {  	s5 =	simm.s32 @p1 $0x1;
	p0 =	seq.s32 s7, s2  }
0x1e: {  	s7 =	smul.u32 @!p0 $0xF7A, s2;
	p2 =	seq.s32 @!p0 s5, $0x0  }
0x1f: {  	s9 =	smul.u32 $0xF7A, s1;
	s8 =	simm.s32 @!p0 $0x1BF5;
	p2 =	por !p2, p0  }
0x20: {  	[sflag:s8] =	ssyncset.s32 @!p0 $0xFFFFF086;
	s6 =	sadd.s32 @!p0 s3, s7;
	s7 =	simm.s32 @!p0 $0x108  }
0x21: {  	s3 =	sadd.s32 s3, s9;
	s6 =	sadd.s32 @!p0 $0x88, s6;
	s7 =	simm.s32 @p2 $0x1082  }
0x22: {  	[simem:s7], [sflag:s8] =	dma.local @!p0 [hbm:s6], $0xF7A  }
0x23: {  	s9 =	sor.u32 $0xD0000000, s2;
	s6 =	simm.s32 $0x108;
	_ =	swait.ge @!p0 [sflag:s8], $0x0  }
0x24: {  	s3 =	sadd.s32 $0x88, s3;
	s6 =	simm.s32 @!p1 $0x1082;
	[sflag:s4] =	ssyncset.s32 $0xFFFFF086  }
0x25: {  	[simem:s6], [sflag:s4] =	dma.local [hbm:s3], $0xF7A  }
0x26: {  	[smem:$0x3F9F] =	sst s1;
	(tag) =	ssettag s2;
	_ =	strace s9  }
0x27: {  	s1 =	sld [smem:$0x3FAF]  }
0x28: {  	s2 =	sld [smem:$0x3FB0]  }
0x29: {  	s4 =	sld [smem:$0x3FB2]  }
0x2a: {  	p0 =	seq.s32 s5, $0x0;
	s5 =	sld [smem:$0x3FB3]  }
0x2b: {  	s6 =	sld [smem:$0x3FB4]  }
0x2c: {  	s7 =	sld [smem:$0x3FB5]  }
0x2d: {  	s3 =	simm.s32 $0x108;
	s8 =	sld [smem:$0x3FB6]  }
0x2e: {  	s3 =	simm.s32 @!p0 $0x1082;
	s9 =	sld [smem:$0x3FB7]  }
0x2f: {  	lr =	sadd.s32 s0, s3;
	s0 =	sld [smem:$0x3FAE]  }
0x30: {  	s3 =	sld [smem:$0x3FB1]  }
0x31: {  	[smem:$0x3FBA] =	sst s10  }
0x32: {  	s10 =	sld [smem:$0x3FB8];
	_ =	sdelay $0x3  }
0x33: {  	p0 =	seq.s32 s10, $0x1;
	s10 =	sld [smem:$0x3FBA];
	_ =	sdelay $0x3  }
0x34: {  	[smem:$0x3FBA] =	sst s10  }
0x35: {  	s10 =	sld [smem:$0x3FB9];
	_ =	sdelay $0x3  }
0x36: {  	p1 =	seq.s32 s10, $0x1;
	s10 =	sld [smem:$0x3FBA];
	_ =	sdelay $0x3  }
0x37: {  	[smem:$0x3FBA] =	sst s10  }
0x38: {  	s10 =	sld [smem:$0x3FBB]  }
0x39: {  	_ = 	snop;
	(pc) =	sbr.ind lr, $3  }
0x3a: {  	_ = 	snop  }
0x3b: {  	_ = 	snop  }
0x3c: {  	p2 =	seq.s32 s10, $0x1;
	s10 =	sld [smem:$0x3FBA]  }
0x3d: {  	_ =	shalt  }
0x3e: {  	_ =	shalt  }
0x3f: {  	_ =	shalt  }
0x40: {  	_ =	shalt  }
0x41: {  	_ =	shalt  }
0x42: {  	_ =	shalt  }
0x43: {  	_ =	shalt  }
0x44: {  	_ =	shalt  }
0x45: {  	_ =	shalt  }
0x46: {  	_ =	shalt  }
0x47: {  	_ =	shalt  }
0x48: {  	_ =	shalt  }
0x49: {  	_ =	shalt  }
0x4a: {  	_ =	shalt  }
0x4b: {  	_ =	shalt  }
0x4c: {  	_ =	shalt  }
0x4d: {  	_ =	shalt  }
0x4e: {  	_ =	shalt  }
0x4f: {  	_ =	shalt  }
0x50: {  	_ =	shalt  }
0x51: {  	_ =	shalt  }
0x52: {  	_ =	shalt  }
0x53: {  	_ =	shalt  }
0x54: {  	_ =	shalt  }
0x55: {  	_ =	shalt  }
0x56: {  	_ =	shalt  }
0x57: {  	_ =	shalt  }
0x58: {  	_ =	shalt  }
0x59: {  	_ =	shalt  }
0x5a: {  	_ =	shalt  }
0x5b: {  	_ =	shalt  }
0x5c: {  	_ =	shalt  }
0x5d: {  	_ =	shalt  }
0x5e: {  	_ =	shalt  }
0x5f: {  	_ =	shalt  }
0x60: {  	_ =	shalt  }
0x61: {  	_ =	shalt  }
0x62: {  	_ =	shalt  }
0x63: {  	_ =	shalt  }
0x64: {  	_ =	shalt  }
0x65: {  	_ =	shalt  }
0x66: {  	_ =	shalt  }
0x67: {  	_ =	shalt  }
0x68: {  	_ =	shalt  }
0x69: {  	_ =	shalt  }
0x6a: {  	_ =	shalt  }
0x6b: {  	_ =	shalt  }
0x6c: {  	_ =	shalt  }
0x6d: {  	_ =	shalt  }
0x6e: {  	_ =	shalt  }
0x6f: {  	_ =	shalt  }
0x70: {  	_ =	shalt  }
0x71: {  	_ =	shalt  }
0x72: {  	_ =	shalt  }
0x73: {  	_ =	shalt  }
0x74: {  	_ =	shalt  }
0x75: {  	_ =	shalt  }
0x76: {  	_ =	shalt  }
0x77: {  	_ =	shalt  }
0x78: {  	_ =	shalt  }
0x79: {  	_ =	shalt  }
0x7a: {  	_ =	shalt  }
0x7b: {  	_ =	shalt  }
0x7c: {  	_ =	shalt  }
0x7d: {  	_ =	shalt  }
0x7e: {  	_ =	shalt  }
0x7f: {  	_ =	shalt  }
0x80: {  	_ =	shalt  }
0x81: {  	_ =	shalt  }
0x82: {  	_ =	shalt  }
0x83: {  	_ =	shalt  }
0x84: {  	_ =	shalt  }
0x85: {  	_ =	shalt  }
0x86: {  	_ =	shalt  }
0x87: {  	_ =	shalt  }
.Lfunc_end0:
.L_simem_size_0:
called_computation_lowered:
.L_overlay_start_0:
0x88: {  	s2 =	sld [smem:$0x3FD9]  }
0x89: {  	s3 =	sld [smem:$0x3FFE];
	_ =	sdelay $0x1  }
0x8a: {  	s1 =	srdreg.scid  }
0x8b: {  	s0 =	sand.u32 $0x1, s1  }
0x8c: {  	s18 =	sshll.u32 s0, $0xA;
	s2 =	sadd.s32 s3, s2  }
0x8d: {  	s2 =	sadd.s32 s2, s18  }
0x8e: {  	[smem:$0x3FC6] =	sst s2  }
0x8f: {  	_ = 	snop  }
0x90: {  	s2 =	sld [smem:$0x3FC9]  }
0x91: {  	s19 =	sld [smem:$0x3FC8]  }
0x92: {  	s4 =	sld [smem:$0x3FD0];
	(tm) =	ssettm $0x1  }
0x93: {  	s5 =	sld [smem:$0x3FFB];
	_ =	sdelay $0x3  }
0x94: {  	_ =	strace s5  }
0x95: {  	s5 =	sld [smem:$0x3FFC];
	_ =	sdelay $0x3  }
0x96: {  	_ =	strace s5  }
0x97: {  	s5 =	sld [smem:$0x3FFD];
	_ =	sdelay $0x3  }
0x98: {  	_ =	strace s5  }
0x99: {  	_ =	strace $0x8FFFFFFF  }
0x9a: {  	s20 =	sld [smem:$0x3FDB];
	_ =	sdelay $0x1  }
0x9b: {  	s6 =	simm.s32 $_scs_section_size  }
0x9c: {  	s7 =	simm.s32 $_size__tile_overlayer_lowered;
	s8 =	simm.s32 $_tile_overlayer_lowered  }
0x9d: {  	s23 =	simm.s32 $0x1BFF;
	s22 =	sshll.u32 s8, $0x1;
	s5 =	sadd.s32 s6, s20  }
0x9e: {  	s9 =	simm.s32 $0x0;
	s21 =	sshll.u32 s7, $0x1;
	s7 =	sadd.s32 s22, s5  }
0x9f: {  	[timem:s9], [sflag:s23] =	dma.local [hbm:s7], s21  }
0xa0: {  	_ =	swait.ge [sflag:s23], s21  }
0xa1: {  	s6 =	ssub.s32 $0x0, s21;
	[sflag:s23] =	ssyncset.done $0x0  }
0xa2: {  	[sflag:s23] =	ssyncadd.s32 s6;
	_ =	sdelay $0x1  }
0xa3: {  	s24 =	simm.s32 $0x1B8B  }
0xa4: {  	_ =	swait.ge [sflag:s24], $0x1  }
0xa5: {  	[sflag:s24] =	ssyncset.done $0x0  }
0xa6: {  	s25 =	simm.s32 $0x1B8E;
	[sflag:s24] =	ssyncadd.s32 $0xFFFFFFFF  }
0xa7: {  	s26 =	simm.s32 $execute0_lowered;
	[smem:$0x3FD2] =	sst s25  }
0xa8: {  	s6 =	sshll.u32 s26, $0x1;
	_ =	strace $0x80000046;
	[dreg:$0x1] =	wrdreg $0xFFFFFFFF  }
0xa9: {  	s28 =	simm.s32 $_size_execute0_lowered;
	s5 =	sadd.s32 s5, s6;
	[dreg:$0x0] =	wrdreg $0x0  }
0xaa: {  	s6 =	sshll.u32 s28, $0x1;
	[dreg:$0x2] =	wrdreg s5  }
0xab: {  	[dreg:$0x3] =	wrdreg s6  }
0xac: {  	[dreg:$0x4] =	wrdreg $0xC0  }
0xad: {  	_ =	task [dreg:s9], $0x5FFFF  }
0xae: {  	[dreg:$0x1] =	wrdreg $0xFFFFFFFF  }
0xaf: {  	[dreg:$0x0] =	wrdreg $0x60  }
0xb0: {  	[dreg:$0x2] =	wrdreg s2  }
0xb1: {  	[dreg:$0x3] =	wrdreg s19  }
0xb2: {  	[dreg:$0x4] =	wrdreg s4  }
0xb3: {  	[dreg:$0x5] =	wrdreg $0x102800  }
0xb4: {  	[dreg:$0x6] =	wrdreg $0x9  }
0xb5: {  	_ =	task.clear_ibuf [dreg:s9], $0x7FFFF;
	_ =	strace $0x90000046  }
0xb6: {  	s29 =	simm.s32 $0x9;
	_ =	strace $0x80000048  }
0xb7: {  	_ =	swait.ge [sflag:s29], $0x1  }
0xb8: {  	[sflag:s29] =	ssyncadd.s32 $0xFFFFFFFF  }
0xb9: {  	_ =	strace $0x90000048  }
0xba: {  	_ =	sfence  }
0xbb: {  	s30 =	sld [smem:$0x0];
	_ =	sdelay $0x2  }
0xbc: {  	s31 =	sshll.u32 s1, $0xD;
	s1 =	sshrl.u32 s1, $0x2  }
0xbd: {  	s3 =	sand.u32 $0x4000, s31;
	s1 =	sadd.s32 s1, s30  }
0xbe: {  	s0 =	sor.u32 s3, s0;
	s1 =	sshll.u32 s1, $0x11  }
0xbf: {  	s0 =	sor.u32 s1, s0  }
0xc0: {  	s0 =	sadd.s32 $0x8F2B, s0  }
0xc1: {  	[sflag:s0] =	ssyncadd.remote.s32 $0x1  }
0xc2: {  	_ =	sfence.sel $0xFFFF  }
0xc3: {  	[dreg:$0x0] =	wrdreg $0xFFFFFFFF;
	(pc) =	sbr.abs _section_cstart, $3  }
0xc4: {  	[dreg:$0x1] =	wrdreg $0xFFFFFFFF  }
0xc5: {  	_ =	task.clear_ibuf [dreg:s9], $0x2FFFF;
	_ =	strace $0x9FFFFFFF  }
0xc6: {  	(tm) =	ssettm $0x7FFFFFFF  }
0xc7: {  	_ =	shalt  }
tec
execute0_lowered:
.L_overlay_start_1:
0x0: {  	(tag) =	ssettag $0x1  }
0x1: {  	v1 =	vlaneseq.u32  }
0x2: {  	v0 =	vmul.u32 $0x80, v1  }
0x3: {  	v1 =	vmul.u32 $0x20, v1  }
0x4: {  	v3 =	vor.u32 $0x800, v0  }
0x5: {  	v4 =	vor.u32 $0x1, v1;
	v5 =	vor.u32 $0x1000, v0;
	v6 =	vor.u32 $0x2, v1  }
0x6: {  	v7 =	vor.u32 $0x1800, v0;
	v8 =	vor.u32 $0x3, v1;
	v9 =	vor.u32 $0x2000, v0  }
0x7: {  	v10 =	vor.u32 $0x4, v1;
	v11 =	vor.u32 $0x2800, v0;
	v12 =	vor.u32 $0x5, v1  }
0x8: {  	v13 =	vor.u32 $0x3000, v0;
	v14 =	vor.u32 $0x6, v1;
	v15 =	vor.u32 $0x3800, v0  }
0x9: {  	v16 =	vor.u32 $0x7, v1;
	v17 =	vor.u32 $0x4000, v0;
	v18 =	vor.u32 $0x8, v1  }
0xa: {  	s1 =	rddreg [dreg:$0x0];
	v19 =	vor.u32 $0x4800, v0;
	v20 =	vor.u32 $0x9, v1;
	v21 =	vor.u32 $0x5000, v0  }
0xb: {  	s0 =	rddreg [dreg:$0x1];
	v22 =	vor.u32 $0xA, v1;
	v24 =	vor.u32 $0x5800, v0;
	v23 =	vor.u32 $0xB, v1  }
0xc: {  	s2 =	rddreg [dreg:$0x2];
	v27 =	vor.u32 $0x6000, v0;
	v25 =	vor.u32 $0xC, v1;
	v26 =	vor.u32 $0x6800, v0  }
0xd: {  	s3 =	rddreg [dreg:$0x3];
	v28 =	vor.u32 $0xD, v1;
	v30 =	vor.u32 $0x7000, v0;
	v29 =	vor.u32 $0xE, v1  }
0xe: {  	s4 =	srdreg.scid;
	s5 =	simm.s32 $0x0;
	s8 =	stileid.u32;
	v32 =	vor.u32 $0x7800, v0;
	v31 =	vor.u32 $0xF, v1;
	v33 =	vor.u32 $0x8000, v0  }
0xf: {  	s10 =	simm.s32 $0x400;
	s11 =	simm.s32 $0x7A1400;
	s12 =	simm.s32 $0x80;
	v34 =	vor.u32 $0x10, v1;
	v36 =	vor.u32 $0x8800, v0;
	v35 =	vor.u32 $0x11, v1  }
0x10: {  	s21 =	simm.s32 $0x1;
	s22 =	simm.s32 $0x10080;
	s4 =	sand.u32 $0x1, s4;
	v38 =	vor.u32 $0x9000, v0;
	v37 =	vor.u32 $0x12, v1;
	v39 =	vor.u32 $0x9800, v0  }
0x11: {  	[smem:$0x7FF] =	sst s5;
	s7 =	sshll.u32 s8, $0x2;
	s26 =	sshll.u32 s8, $0xB;
	v40 =	vor.u32 $0x13, v1;
	v42 =	vor.u32 $0xA000, v0;
	v41 =	vor.u32 $0x14, v1  }
0x12: {  	s28 =	sshll.u32 s8, $0x7;
	s24 =	ssub.s32 $0x2, s4;
	_ =	strace $0x80000047;
	v44 =	vor.u32 $0xA800, v0;
	v43 =	vor.u32 $0x15, v1;
	v45 =	vor.u32 $0xB000, v0  }
0x13: {  	s25 =	sshll.u32 s4, $0x6;
	s1 =	sadd.s32 s1, s7;
	s29 =	sshrl.u32 s26, $0x2;
	v46 =	vor.u32 $0x16, v1;
	v48 =	vor.u32 $0xB800, v0;
	v47 =	vor.u32 $0x17, v1  }
.Ltmp0:
0x14: {  	s4 =	sshll.u32 s4, $0x9;
	s1 =	sadd.s32 s25, s1;
	v50 =	vor.u32 $0xC000, v0;
	v49 =	vor.u32 $0x18, v1;
	v51 =	vor.u32 $0xC800, v0;
	(pc) =	sbr.rel .LBB2_1-.Ltmp0, $4  }
0x15: {  	s2 =	sadd.s32 s2, s28;
	s30 =	sadd.s32 s29, s3;
	v52 =	vor.u32 $0x19, v1;
	v54 =	vor.u32 $0xD000, v0;
	v2 =	vor.u32 $0xF800, v0;
	[tilespmem:$0x1FFD0] =	vst v0;
	[dreg:$0x5] =	wrdreg s1  }
0x16: {  	s6 =	sshrl.u32 s24, $0x1;
	s31 =	sadd.s32 s4, s2;
	v53 =	vor.u32 $0x1A, v1;
	v56 =	vor.u32 $0xD800, v0;
	v60 =	vor.u32 $0xE800, v0;
	[dreg:$0x6] =	wrdreg s30;
	[tilespmem:$0x1FFC0] =	vst v2  }
0x17: {  	v55 =	vor.u32 $0x1B, v1;
	v57 =	vor.u32 $0xE000, v0;
	v58 =	vor.u32 $0x1C, v1;
	s5 =	ssub.s32 s24, s6;
	s1 =	sadd.s32 s26, s3;
	[dreg:$0x8] =	wrdreg s31;
	[tilespmem:$0x1FFE0] =	vst v60  }
0x18: {  	p0 =	sgt.u32 s8, $0x3;
	v59 =	vor.u32 $0x1D, v1;
	v62 =	vor.u32 $0xF000, v0;
	v61 =	vor.u32 $0x1E, v1;
	[tilespmem:$0x1FFF0] =	vst v57;
	[dreg:$0x7] =	wrdreg s1;
	s1 =	smax.u32 s5, $0x1  }
.LBB2_3:
0x19: {  	s1 =	rddreg [dreg:$0x9]  }
0x1a: {  	s1 =	sadd.s32 $0xFFFFFFFF, s1  }
0x1b: {  	p1 =	sne.s32 s1, $0x0  }
.Ltmp1:
0x1c: {  	_ = 	snop;
	(pc) =	sbr.rel @!p1 .LBB2_4-.Ltmp1, $1  }
0x1d: {  	_ =	sdelay $0x3  }
.LBB2_1:
0x1e: {  	[dreg:$0x9] =	wrdreg s1  }
0x1f: {  	s5 =	simm.s32 $0x0;
	s2 =	rddreg [dreg:$0x5];
	s6 =	simm.s32 $0x2  }
0x20: {  	[tilespmem:s5], [sflag:$0x2] =	stream.linear.gather [hbm4b:s2+s5], $0x20, $0x38;
	[tilespmem:$0x11480] =	vst v63  }
0x21: {  	_ =	swait.ge [sflag:s6], $0x20  }
0x22: {  	[sflag:s6] =	ssyncset.done $0x0  }
0x23: {  	[sflag:s6] =	ssyncadd.s32 $0xFFFFFFE0  }
0x24: {  	v2 =	vld [tilespmem:$0x0];
	_ =	sdelay $0x4  }
0x25: {  	(v2sf) =	vpush v2, $0x0;
	_ =	sdelay $0x2  }
0x26: {  	(v2sf) =	vpush v2, $0x1  }
0x27: {  	(v2sf) =	vpush v2, $0x2;
	_ =	sdelay $0x2  }
0x28: {  	(v2sf) =	vpush v2, $0x3;
	_ =	sdelay $0x1  }
0x29: {  	(v2sf) =	vpush v2, $0x4;
	_ =	sdelay $0x3  }
0x2a: {  	(v2sf) =	vpush v2, $0x5;
	_ =	sdelay $0x1  }
0x2b: {  	s7 =	spop (v2sf);
	(v2sf) =	vpush v2, $0x6;
	_ =	sdelay $0x2  }
0x2c: {  	s8 =	spop (v2sf);
	(v2sf) =	vpush v2, $0x7  }
0x2d: {  	s13 =	simm.s32 $0x880;
	s1 =	sand.u32 $0xFFFFF80, s7;
	s3 =	spop (v2sf);
	(v2sf) =	vpush v2, $0x8  }
0x2e: {  	s16 =	simm.s32 $0x1080;
	s1 =	sadd.s32 s0, s1;
	s9 =	sand.u32 $0xFFFFF80, s8  }
0x2f: {  	v63 =	vld [tilespmem:$0x10];
	[tilespmem:s12], [sflag:$0x1] =	stream.strided.gather [hbm4b:s1+s10], $0x800, s11, s10, $0x38  }
0x30: {  	s1 =	sadd.s32 s0, s9;
	s14 =	sand.u32 $0xFFFFF80, s3;
	s15 =	spop (v2sf)  }
0x31: {  	(v2sf) =	vpush v2, $0x9;
	[tilespmem:s13], [sflag:$0x1] =	stream.strided.gather [hbm4b:s1+s10], $0x800, s11, s10, $0x38;
	[tilespmem:$0x11480] =	vst v63  }
0x32: {  	s17 =	sand.u32 $0xFFFFF80, s15;
	s18 =	spop (v2sf);
	(v2sf) =	vpush v2, $0xA;
	s1 =	sadd.s32 s0, s14  }
0x33: {  	[tilespmem:s16], [sflag:$0x1] =	stream.strided.gather [hbm4b:s1+s10], $0x800, s11, s10, $0x38;
	[tilespmem:$0x11480] =	vst v63  }
0x34: {  	s19 =	simm.s32 $0x1880;
	s20 =	sand.u32 $0xFFFFF80, s18;
	s1 =	sadd.s32 s0, s17  }
0x35: {  	[tilespmem:s19], [sflag:$0x1] =	stream.strided.gather [hbm4b:s1+s10], $0x800, s11, s10, $0x38;
	[tilespmem:$0x11480] =	vst v63  }
0x36: {  	s24 =	simm.s32 $0x2080;
	s23 =	spop (v2sf);
	s1 =	sadd.s32 s0, s20  }
0x37: {  	[tilespmem:s24], [sflag:$0x1] =	stream.strided.gather [hbm4b:s1+s10], $0x800, s11, s10, $0x38;
	[tilespmem:$0x11480] =	vst v63  }
0x38: {  	s25 =	sand.u32 $0xFFFFF80, s23;
	s26 =	spop (v2sf);
	(v2sf) =	vpush v2, $0xB  }
0x39: {  	s28 =	simm.s32 $0x2880;
	s1 =	sadd.s32 s0, s25  }
0x3a: {  	[tilespmem:s28], [sflag:$0x1] =	stream.strided.gather [hbm4b:s1+s10], $0x800, s11, s10, $0x38;
	[tilespmem:$0x11480] =	vst v63  }
0x3b: {  	s30 =	spop (v2sf);
	(v2sf) =	vpush v2, $0xC  }
0x3c: {  	s4 =	spop (v2sf);
	(v2sf) =	vpush v2, $0xD  }
0x3d: {  	s31 =	simm.s32 $0x3080;
	s5 =	simm.s32 $0x3880;
	s29 =	sand.u32 $0xFFFFF80, s26  }
0x3e: {  	[dreg:$0xd] =	wrdreg s7;
	s7 =	simm.s32 $0x4080;
	s1 =	sadd.s32 s0, s29  }
0x3f: {  	[tilespmem:s31], [sflag:$0x1] =	stream.strided.gather [hbm4b:s1+s10], $0x800, s11, s10, $0x38;
	[tilespmem:$0x11480] =	vst v63  }
0x40: {  	[dreg:$0xb] =	wrdreg s3;
	s3 =	sand.u32 $0xFFFFF80, s30;
	s29 =	spop (v2sf);
	(v2sf) =	vpush v2, $0xE  }
0x41: {  	s1 =	sadd.s32 s0, s3;
	s6 =	sand.u32 $0xFFFFF80, s4;
	s28 =	spop (v2sf);
	(v2sf) =	vpush v2, $0xF  }
0x42: {  	[tilespmem:s5], [sflag:$0x1] =	stream.strided.gather [hbm4b:s1+s10], $0x800, s11, s10, $0x38;
	[tilespmem:$0x11480] =	vst v63  }
0x43: {  	[dreg:$0xa] =	wrdreg s8;
	s8 =	sand.u32 $0xFFFFF80, s29;
	s1 =	sadd.s32 s0, s6  }
0x44: {  	[tilespmem:s7], [sflag:$0x1] =	stream.strided.gather [hbm4b:s1+s10], $0x800, s11, s10, $0x38;
	[tilespmem:$0x11480] =	vst v63  }
0x45: {  	s9 =	simm.s32 $0x4880;
	s1 =	sadd.s32 s0, s8  }
0x46: {  	[tilespmem:s9], [sflag:$0x1] =	stream.strided.gather [hbm4b:s1+s10], $0x800, s11, s10, $0x38;
	[tilespmem:$0x11480] =	vst v63  }
0x47: {  	[dreg:$0x10] =	wrdreg s26;
	s13 =	sand.u32 $0xFFFFF80, s28;
	s26 =	spop (v2sf);
	(v2sf) =	vpush v63, $0x0  }
0x48: {  	s14 =	simm.s32 $0x5080;
	s1 =	sadd.s32 s0, s13  }
0x49: {  	[tilespmem:s14], [sflag:$0x1] =	stream.strided.gather [hbm4b:s1+s10], $0x800, s11, s10, $0x38;
	[tilespmem:$0x11480] =	vst v63  }
0x4a: {  	s25 =	spop (v2sf);
	(v2sf) =	vpush v63, $0x1  }
0x4b: {  	[dreg:$0xc] =	wrdreg s15;
	s24 =	spop (v2sf);
	(v2sf) =	vpush v63, $0x2  }
0x4c: {  	[dreg:$0xe] =	wrdreg s18;
	s18 =	simm.s32 $0x6080;
	s15 =	sand.u32 $0xFFFFF80, s26  }
0x4d: {  	[dreg:$0xf] =	wrdreg s23;
	s16 =	simm.s32 $0x5880;
	s1 =	sadd.s32 s0, s15  }
0x4e: {  	[tilespmem:s16], [sflag:$0x1] =	stream.strided.gather [hbm4b:s1+s10], $0x800, s11, s10, $0x38;
	[tilespmem:$0x11480] =	vst v63  }
0x4f: {  	s20 =	simm.s32 $0x6880;
	s17 =	sand.u32 $0xFFFFF80, s25;
	s23 =	spop (v2sf);
	(v2sf) =	vpush v63, $0x3  }
0x50: {  	s1 =	sadd.s32 s0, s17;
	s19 =	sand.u32 $0xFFFFF80, s24;
	s16 =	spop (v2sf);
	(v2sf) =	vpush v63, $0x4  }
0x51: {  	[tilespmem:s18], [sflag:$0x1] =	stream.strided.gather [hbm4b:s1+s10], $0x800, s11, s10, $0x38;
	[tilespmem:$0x11480] =	vst v63  }
0x52: {  	[dreg:$0x11] =	wrdreg s30;
	s30 =	sand.u32 $0xFFFFF80, s23;
	s1 =	sadd.s32 s0, s19  }
0x53: {  	[tilespmem:s20], [sflag:$0x1] =	stream.strided.gather [hbm4b:s1+s10], $0x800, s11, s10, $0x38;
	[tilespmem:$0x11480] =	vst v63  }
0x54: {  	s31 =	simm.s32 $0x7080;
	s1 =	sadd.s32 s0, s30  }
0x55: {  	[tilespmem:s31], [sflag:$0x1] =	stream.strided.gather [hbm4b:s1+s10], $0x800, s11, s10, $0x38;
	[tilespmem:$0x11480] =	vst v63  }
0x56: {  	s2 =	sand.u32 $0xFFFFF80, s16;
	s15 =	spop (v2sf);
	(v2sf) =	vpush v63, $0x5  }
0x57: {  	s3 =	simm.s32 $0x7880;
	s1 =	sadd.s32 s0, s2  }
0x58: {  	[tilespmem:s3], [sflag:$0x1] =	stream.strided.gather [hbm4b:s1+s10], $0x800, s11, s10, $0x38;
	[tilespmem:$0x11480] =	vst v63  }
0x59: {  	s17 =	spop (v2sf);
	(v2sf) =	vpush v63, $0x6  }
0x5a: {  	s18 =	spop (v2sf);
	(v2sf) =	vpush v63, $0x7  }
0x5b: {  	[dreg:$0x12] =	wrdreg s4;
	s4 =	sand.u32 $0xFFFFF80, s15  }
0x5c: {  	s5 =	simm.s32 $0x8080;
	s1 =	sadd.s32 s0, s4  }
0x5d: {  	[tilespmem:s5], [sflag:$0x1] =	stream.strided.gather [hbm4b:s1+s10], $0x800, s11, s10, $0x38;
	[tilespmem:$0x11480] =	vst v63  }
0x5e: {  	s7 =	simm.s32 $0x8880;
	s6 =	sand.u32 $0xFFFFF80, s17;
	s19 =	spop (v2sf);
	(v2sf) =	vpush v63, $0x8  }
0x5f: {  	s1 =	sadd.s32 s0, s6;
	s8 =	sand.u32 $0xFFFFF80, s18;
	s20 =	spop (v2sf)  }
0x60: {  	(v2sf) =	vpush v63, $0x9;
	[tilespmem:s7], [sflag:$0x1] =	stream.strided.gather [hbm4b:s1+s10], $0x800, s11, s10, $0x38;
	[tilespmem:$0x11480] =	vst v63  }
0x61: {  	s9 =	simm.s32 $0x9080;
	s13 =	sand.u32 $0xFFFFF80, s19;
	s1 =	sadd.s32 s0, s8  }
0x62: {  	[tilespmem:s9], [sflag:$0x1] =	stream.strided.gather [hbm4b:s1+s10], $0x800, s11, s10, $0x38;
	[tilespmem:$0x11480] =	vst v63  }
0x63: {  	s14 =	simm.s32 $0x9880;
	s1 =	sadd.s32 s0, s13  }
0x64: {  	[tilespmem:s14], [sflag:$0x1] =	stream.strided.gather [hbm4b:s1+s10], $0x800, s11, s10, $0x38;
	[tilespmem:$0x11480] =	vst v63  }
0x65: {  	s30 =	sand.u32 $0xFFFFF80, s20;
	s13 =	spop (v2sf);
	(v2sf) =	vpush v63, $0xA  }
0x66: {  	s31 =	simm.s32 $0xA080;
	s1 =	sadd.s32 s0, s30  }
0x67: {  	[tilespmem:s31], [sflag:$0x1] =	stream.strided.gather [hbm4b:s1+s10], $0x800, s11, s10, $0x38;
	[tilespmem:$0x11480] =	vst v63  }
0x68: {  	s3 =	simm.s32 $0xA880;
	s2 =	sand.u32 $0xFFFFF80, s13;
	s14 =	spop (v2sf)  }
0x69: {  	(v2sf) =	vpush v63, $0xB;
	s1 =	sadd.s32 s0, s2;
	s4 =	sand.u32 $0xFFFFF80, s14;
	s9 =	spop (v2sf)  }
0x6a: {  	[tilespmem:s3], [sflag:$0x1] =	stream.strided.gather [hbm4b:s1+s10], $0x800, s11, s10, $0x38;
	[tilespmem:$0x11480] =	vst v63  }
0x6b: {  	s5 =	simm.s32 $0xB080;
	s1 =	sadd.s32 s0, s4;
	s6 =	sand.u32 $0xFFFFF80, s9  }
0x6c: {  	[tilespmem:s5], [sflag:$0x1] =	stream.strided.gather [hbm4b:s1+s10], $0x800, s11, s10, $0x38;
	[tilespmem:$0x11480] =	vst v63  }
0x6d: {  	s7 =	simm.s32 $0xB880;
	(v2sf) =	vpush v63, $0xC;
	s8 =	spop (v2sf);
	s1 =	sadd.s32 s0, s6  }
0x6e: {  	[tilespmem:s7], [sflag:$0x1] =	stream.strided.gather [hbm4b:s1+s10], $0x800, s11, s10, $0x38;
	[tilespmem:$0x11480] =	vst v63  }
0x6f: {  	s30 =	sand.u32 $0xFFFFF80, s8;
	s7 =	spop (v2sf)  }
0x70: {  	s31 =	simm.s32 $0xC080;
	s1 =	sadd.s32 s0, s30;
	s2 =	sand.u32 $0xFFFFF80, s7  }
0x71: {  	(v2sf) =	vpush v63, $0xD;
	[tilespmem:s31], [sflag:$0x1] =	stream.strided.gather [hbm4b:s1+s10], $0x800, s11, s10, $0x38;
	[tilespmem:$0x11480] =	vst v63  }
0x72: {  	s3 =	simm.s32 $0xC880;
	s1 =	sadd.s32 s0, s2  }
0x73: {  	[tilespmem:s3], [sflag:$0x1] =	stream.strided.gather [hbm4b:s1+s10], $0x800, s11, s10, $0x38;
	[tilespmem:$0x11480] =	vst v63  }
0x74: {  	s6 =	spop (v2sf)  }
0x75: {  	(v2sf) =	vpush v63, $0xE;
	s4 =	sand.u32 $0xFFFFF80, s6  }
0x76: {  	s5 =	simm.s32 $0xD080;
	s1 =	sadd.s32 s0, s4  }
0x77: {  	[tilespmem:s5], [sflag:$0x1] =	stream.strided.gather [hbm4b:s1+s10], $0x800, s11, s10, $0x38;
	[tilespmem:$0x11480] =	vst v63  }
0x78: {  	s5 =	spop (v2sf)  }
0x79: {  	(v2sf) =	vpush v63, $0xF;
	s30 =	sand.u32 $0xFFFFF80, s5  }
0x7a: {  	s31 =	simm.s32 $0xD880;
	s1 =	sadd.s32 s0, s30  }
0x7b: {  	[tilespmem:s31], [sflag:$0x1] =	stream.strided.gather [hbm4b:s1+s10], $0x800, s11, s10, $0x38;
	[tilespmem:$0x11480] =	vst v63  }
0x7c: {  	s1 =	spop (v2sf)  }
0x7d: {  	s3 =	sand.u32 $0xFFFFF80, s1  }
0x7e: {  	s4 =	simm.s32 $0xE080;
	s2 =	sadd.s32 s0, s3  }
0x7f: {  	[tilespmem:s4], [sflag:$0x1] =	stream.strided.gather [hbm4b:s2+s10], $0x800, s11, s10, $0x38;
	[tilespmem:$0x11480] =	vst v63  }
0x80: {  	s2 =	spop (v2sf)  }
0x81: {  	s30 =	sand.u32 $0xFFFFF80, s2  }
0x82: {  	s4 =	simm.s32 $0xE880;
	s3 =	sadd.s32 s0, s30  }
0x83: {  	[tilespmem:s4], [sflag:$0x1] =	stream.strided.gather [hbm4b:s3+s10], $0x800, s11, s10, $0x38;
	[tilespmem:$0x11480] =	vst v63  }
0x84: {  	s3 =	spop (v2sf)  }
0x85: {  	s31 =	sand.u32 $0xFFFFF80, s3  }
0x86: {  	s4 =	sadd.s32 s0, s31;
	s31 =	simm.s32 $0xF080  }
0x87: {  	[tilespmem:s31], [sflag:$0x1] =	stream.strided.gather [hbm4b:s4+s10], $0x800, s11, s10, $0x38;
	[tilespmem:$0x11480] =	vst v63  }
0x88: {  	s4 =	spop (v2sf)  }
0x89: {  	s30 =	sand.u32 $0xFFFFF80, s4  }
0x8a: {  	s31 =	sadd.s32 s0, s30;
	s30 =	simm.s32 $0xF880  }
0x8b: {  	[tilespmem:s30], [sflag:$0x1] =	stream.strided.gather [hbm4b:s31+s10], $0x800, s11, s10, $0x38;
	[tilespmem:$0x11480] =	vst v63  }
0x8c: {  	_ =	swait.ge [sflag:s21], $0x800  }
0x8d: {  	[sflag:s21] =	ssyncset.done $0x0  }
0x8e: {  	[sflag:s21] =	ssyncadd.s32 $0xFFFFF800  }
0x8f: {  	_ =	swait.ge [sflag:s21], $0x800  }
0x90: {  	[sflag:s21] =	ssyncset.done $0x0  }
0x91: {  	[sflag:s21] =	ssyncadd.s32 $0xFFFFF800  }
0x92: {  	_ =	swait.ge [sflag:s21], $0x800  }
0x93: {  	[sflag:s21] =	ssyncset.done $0x0  }
0x94: {  	[sflag:s21] =	ssyncadd.s32 $0xFFFFF800  }
0x95: {  	_ =	swait.ge [sflag:s21], $0x800  }
0x96: {  	[sflag:s21] =	ssyncset.done $0x0  }
0x97: {  	[sflag:s21] =	ssyncadd.s32 $0xFFFFF800  }
0x98: {  	_ =	swait.ge [sflag:s21], $0x800  }
0x99: {  	[sflag:s21] =	ssyncset.done $0x0  }
0x9a: {  	[sflag:s21] =	ssyncadd.s32 $0xFFFFF800  }
0x9b: {  	_ =	swait.ge [sflag:s21], $0x800  }
0x9c: {  	[sflag:s21] =	ssyncset.done $0x0  }
0x9d: {  	[sflag:s21] =	ssyncadd.s32 $0xFFFFF800  }
0x9e: {  	_ =	swait.ge [sflag:s21], $0x800  }
0x9f: {  	[sflag:s21] =	ssyncset.done $0x0  }
0xa0: {  	[sflag:s21] =	ssyncadd.s32 $0xFFFFF800  }
0xa1: {  	_ =	swait.ge [sflag:s21], $0x800  }
0xa2: {  	[sflag:s21] =	ssyncset.done $0x0  }
0xa3: {  	[sflag:s21] =	ssyncadd.s32 $0xFFFFF800  }
0xa4: {  	_ =	swait.ge [sflag:s21], $0x800  }
0xa5: {  	[sflag:s21] =	ssyncset.done $0x0  }
0xa6: {  	[sflag:s21] =	ssyncadd.s32 $0xFFFFF800  }
0xa7: {  	_ =	swait.ge [sflag:s21], $0x800  }
0xa8: {  	[sflag:s21] =	ssyncset.done $0x0  }
0xa9: {  	[sflag:s21] =	ssyncadd.s32 $0xFFFFF800  }
0xaa: {  	_ =	swait.ge [sflag:s21], $0x800  }
0xab: {  	[sflag:s21] =	ssyncset.done $0x0  }
0xac: {  	[sflag:s21] =	ssyncadd.s32 $0xFFFFF800  }
0xad: {  	_ =	swait.ge [sflag:s21], $0x800  }
0xae: {  	[sflag:s21] =	ssyncset.done $0x0  }
0xaf: {  	[sflag:s21] =	ssyncadd.s32 $0xFFFFF800  }
0xb0: {  	_ =	swait.ge [sflag:s21], $0x800  }
0xb1: {  	[sflag:s21] =	ssyncset.done $0x0  }
0xb2: {  	[sflag:s21] =	ssyncadd.s32 $0xFFFFF800  }
0xb3: {  	_ =	swait.ge [sflag:s21], $0x800  }
0xb4: {  	[sflag:s21] =	ssyncset.done $0x0  }
0xb5: {  	[sflag:s21] =	ssyncadd.s32 $0xFFFFF800  }
0xb6: {  	_ =	swait.ge [sflag:s21], $0x800  }
0xb7: {  	[sflag:s21] =	ssyncset.done $0x0  }
0xb8: {  	[sflag:s21] =	ssyncadd.s32 $0xFFFFF800  }
0xb9: {  	_ =	swait.ge [sflag:s21], $0x800  }
0xba: {  	[sflag:s21] =	ssyncset.done $0x0  }
0xbb: {  	[sflag:s21] =	ssyncadd.s32 $0xFFFFF800  }
0xbc: {  	_ =	swait.ge [sflag:s21], $0x800  }
0xbd: {  	[sflag:s21] =	ssyncset.done $0x0  }
0xbe: {  	[sflag:s21] =	ssyncadd.s32 $0xFFFFF800  }
0xbf: {  	_ =	swait.ge [sflag:s21], $0x800  }
0xc0: {  	[sflag:s21] =	ssyncset.done $0x0  }
0xc1: {  	[sflag:s21] =	ssyncadd.s32 $0xFFFFF800  }
0xc2: {  	_ =	swait.ge [sflag:s21], $0x800  }
0xc3: {  	[sflag:s21] =	ssyncset.done $0x0  }
0xc4: {  	[sflag:s21] =	ssyncadd.s32 $0xFFFFF800  }
0xc5: {  	_ =	swait.ge [sflag:s21], $0x800  }
0xc6: {  	[sflag:s21] =	ssyncset.done $0x0  }
0xc7: {  	[sflag:s21] =	ssyncadd.s32 $0xFFFFF800  }
0xc8: {  	_ =	swait.ge [sflag:s21], $0x800  }
0xc9: {  	[sflag:s21] =	ssyncset.done $0x0  }
0xca: {  	[sflag:s21] =	ssyncadd.s32 $0xFFFFF800  }
0xcb: {  	_ =	swait.ge [sflag:s21], $0x800  }
0xcc: {  	[sflag:s21] =	ssyncset.done $0x0  }
0xcd: {  	[sflag:s21] =	ssyncadd.s32 $0xFFFFF800  }
0xce: {  	_ =	swait.ge [sflag:s21], $0x800  }
0xcf: {  	[sflag:s21] =	ssyncset.done $0x0  }
0xd0: {  	[sflag:s21] =	ssyncadd.s32 $0xFFFFF800  }
0xd1: {  	_ =	swait.ge [sflag:s21], $0x800  }
0xd2: {  	[sflag:s21] =	ssyncset.done $0x0  }
0xd3: {  	[sflag:s21] =	ssyncadd.s32 $0xFFFFF800  }
0xd4: {  	_ =	swait.ge [sflag:s21], $0x800  }
0xd5: {  	[sflag:s21] =	ssyncset.done $0x0  }
0xd6: {  	[sflag:s21] =	ssyncadd.s32 $0xFFFFF800  }
0xd7: {  	_ =	swait.ge [sflag:s21], $0x800  }
0xd8: {  	[sflag:s21] =	ssyncset.done $0x0  }
0xd9: {  	[sflag:s21] =	ssyncadd.s32 $0xFFFFF800  }
0xda: {  	_ =	swait.ge [sflag:s21], $0x800  }
0xdb: {  	[sflag:s21] =	ssyncset.done $0x0  }
0xdc: {  	[sflag:s21] =	ssyncadd.s32 $0xFFFFF800  }
0xdd: {  	_ =	swait.ge [sflag:s21], $0x800  }
0xde: {  	[sflag:s21] =	ssyncset.done $0x0  }
0xdf: {  	[sflag:s21] =	ssyncadd.s32 $0xFFFFF800  }
0xe0: {  	_ =	swait.ge [sflag:s21], $0x800  }
0xe1: {  	[sflag:s21] =	ssyncset.done $0x0  }
0xe2: {  	[sflag:s21] =	ssyncadd.s32 $0xFFFFF800  }
0xe3: {  	_ =	swait.ge [sflag:s21], $0x800  }
0xe4: {  	[sflag:s21] =	ssyncset.done $0x0  }
0xe5: {  	[sflag:s21] =	ssyncadd.s32 $0xFFFFF800  }
0xe6: {  	_ =	swait.ge [sflag:s21], $0x800  }
0xe7: {  	s31 =	rddreg [dreg:$0xd]  }
0xe8: {  	s30 =	sand.u32 $0x7F, s31  }
0xe9: {  	[sflag:s21] =	ssyncset.done $0x0;
	v2 =	vor.u32 s30, v0  }
0xea: {  	[sflag:s21] =	ssyncadd.s32 $0xFFFFF800  }
0xeb: {  	_ =	swait.ge [sflag:s21], $0x800  }
0xec: {  	[sflag:s21] =	ssyncset.done $0x0  }
0xed: {  	s31 =	rddreg [dreg:$0xa];
	[sflag:s21] =	ssyncadd.s32 $0xFFFFF800  }
0xee: {  	s30 =	sand.u32 $0x7F, s31;
	v2 =	vld.idx.msk [tilespmem:v2+s12+$0x0], $0xffff  }
0xef: {  	v63 =	vor.u32 s30, v3;
	_ =	sdelay $0x3  }
0xf0: {  	s31 =	rddreg [dreg:$0xb];
	[tilespmem:v1+s22+$0x0] =	vst.idx.msk $0xffff, v2  }
0xf1: {  	s30 =	sand.u32 $0x7F, s31;
	v2 =	vld.idx.msk [tilespmem:v63+s12+$0x0], $0xffff  }
0xf2: {  	v63 =	vor.u32 s30, v5;
	_ =	sdelay $0x3  }
0xf3: {  	s31 =	rddreg [dreg:$0xc];
	[tilespmem:v4+s22+$0x0] =	vst.idx.msk $0xffff, v2  }
0xf4: {  	s30 =	sand.u32 $0x7F, s31;
	v2 =	vld.idx.msk [tilespmem:v63+s12+$0x0], $0xffff  }
0xf5: {  	v63 =	vor.u32 s30, v7;
	_ =	sdelay $0x3  }
0xf6: {  	s31 =	rddreg [dreg:$0xe];
	[tilespmem:v6+s22+$0x0] =	vst.idx.msk $0xffff, v2  }
0xf7: {  	s30 =	sand.u32 $0x7F, s31;
	v2 =	vld.idx.msk [tilespmem:v63+s12+$0x0], $0xffff  }
0xf8: {  	v63 =	vor.u32 s30, v9;
	_ =	sdelay $0x3  }
0xf9: {  	s31 =	rddreg [dreg:$0xf];
	[tilespmem:v8+s22+$0x0] =	vst.idx.msk $0xffff, v2  }
0xfa: {  	s30 =	sand.u32 $0x7F, s31;
	v2 =	vld.idx.msk [tilespmem:v63+s12+$0x0], $0xffff  }
0xfb: {  	v63 =	vor.u32 s30, v11;
	_ =	sdelay $0x3  }
0xfc: {  	s31 =	rddreg [dreg:$0x10];
	[tilespmem:v10+s22+$0x0] =	vst.idx.msk $0xffff, v2  }
0xfd: {  	s30 =	sand.u32 $0x7F, s31;
	v2 =	vld.idx.msk [tilespmem:v63+s12+$0x0], $0xffff  }
0xfe: {  	v63 =	vor.u32 s30, v13;
	_ =	sdelay $0x3  }
0xff: {  	s31 =	rddreg [dreg:$0x11];
	[tilespmem:v12+s22+$0x0] =	vst.idx.msk $0xffff, v2  }
0x100: {  	s30 =	sand.u32 $0x7F, s31;
	v2 =	vld.idx.msk [tilespmem:v63+s12+$0x0], $0xffff  }
0x101: {  	v63 =	vor.u32 s30, v15;
	_ =	sdelay $0x3  }
0x102: {  	s31 =	rddreg [dreg:$0x12];
	[tilespmem:v14+s22+$0x0] =	vst.idx.msk $0xffff, v2  }
0x103: {  	s30 =	sand.u32 $0x7F, s31;
	v2 =	vld.idx.msk [tilespmem:v63+s12+$0x0], $0xffff  }
0x104: {  	v63 =	vor.u32 s30, v17;
	_ =	sdelay $0x3  }
0x105: {  	[tilespmem:v16+s22+$0x0] =	vst.idx.msk $0xffff, v2  }
0x106: {  	s29 =	sand.u32 $0x7F, s29;
	v2 =	vld.idx.msk [tilespmem:v63+s12+$0x0], $0xffff  }
0x107: {  	v63 =	vor.u32 s29, v19;
	_ =	sdelay $0x3  }
0x108: {  	[tilespmem:v18+s22+$0x0] =	vst.idx.msk $0xffff, v2  }
0x109: {  	s28 =	sand.u32 $0x7F, s28;
	v2 =	vld.idx.msk [tilespmem:v63+s12+$0x0], $0xffff  }
0x10a: {  	v63 =	vor.u32 s28, v21;
	_ =	sdelay $0x3  }
0x10b: {  	[tilespmem:v20+s22+$0x0] =	vst.idx.msk $0xffff, v2  }
0x10c: {  	s26 =	sand.u32 $0x7F, s26;
	v2 =	vld.idx.msk [tilespmem:v63+s12+$0x0], $0xffff  }
0x10d: {  	v63 =	vor.u32 s26, v24;
	_ =	sdelay $0x3  }
0x10e: {  	[tilespmem:v22+s22+$0x0] =	vst.idx.msk $0xffff, v2  }
0x10f: {  	s25 =	sand.u32 $0x7F, s25;
	v2 =	vld.idx.msk [tilespmem:v63+s12+$0x0], $0xffff  }
0x110: {  	v63 =	vor.u32 s25, v27;
	_ =	sdelay $0x3  }
0x111: {  	[tilespmem:v23+s22+$0x0] =	vst.idx.msk $0xffff, v2  }
0x112: {  	s24 =	sand.u32 $0x7F, s24;
	v2 =	vld.idx.msk [tilespmem:v63+s12+$0x0], $0xffff  }
0x113: {  	v63 =	vor.u32 s24, v26;
	_ =	sdelay $0x3  }
0x114: {  	[tilespmem:v25+s22+$0x0] =	vst.idx.msk $0xffff, v2  }
0x115: {  	s23 =	sand.u32 $0x7F, s23;
	v2 =	vld.idx.msk [tilespmem:v63+s12+$0x0], $0xffff  }
0x116: {  	v63 =	vor.u32 s23, v30;
	_ =	sdelay $0x3  }
0x117: {  	[tilespmem:v28+s22+$0x0] =	vst.idx.msk $0xffff, v2  }
0x118: {  	s16 =	sand.u32 $0x7F, s16;
	v2 =	vld.idx.msk [tilespmem:v63+s12+$0x0], $0xffff  }
0x119: {  	v63 =	vor.u32 s16, v32;
	_ =	sdelay $0x3  }
0x11a: {  	[tilespmem:v29+s22+$0x0] =	vst.idx.msk $0xffff, v2  }
0x11b: {  	s15 =	sand.u32 $0x7F, s15;
	v2 =	vld.idx.msk [tilespmem:v63+s12+$0x0], $0xffff  }
0x11c: {  	v63 =	vor.u32 s15, v33;
	_ =	sdelay $0x3  }
0x11d: {  	[tilespmem:v31+s22+$0x0] =	vst.idx.msk $0xffff, v2  }
0x11e: {  	s17 =	sand.u32 $0x7F, s17;
	v2 =	vld.idx.msk [tilespmem:v63+s12+$0x0], $0xffff  }
0x11f: {  	v63 =	vor.u32 s17, v36;
	_ =	sdelay $0x3  }
0x120: {  	[tilespmem:v34+s22+$0x0] =	vst.idx.msk $0xffff, v2  }
0x121: {  	s18 =	sand.u32 $0x7F, s18;
	v2 =	vld.idx.msk [tilespmem:v63+s12+$0x0], $0xffff  }
0x122: {  	v63 =	vor.u32 s18, v38;
	_ =	sdelay $0x3  }
0x123: {  	[tilespmem:v35+s22+$0x0] =	vst.idx.msk $0xffff, v2  }
0x124: {  	s23 =	sand.u32 $0x7F, s19;
	v2 =	vld.idx.msk [tilespmem:v63+s12+$0x0], $0xffff  }
0x125: {  	v63 =	vor.u32 s23, v39;
	_ =	sdelay $0x3  }
0x126: {  	[tilespmem:v37+s22+$0x0] =	vst.idx.msk $0xffff, v2  }
0x127: {  	s24 =	sand.u32 $0x7F, s20;
	v2 =	vld.idx.msk [tilespmem:v63+s12+$0x0], $0xffff  }
0x128: {  	v63 =	vor.u32 s24, v42;
	_ =	sdelay $0x3  }
0x129: {  	[tilespmem:v40+s22+$0x0] =	vst.idx.msk $0xffff, v2  }
0x12a: {  	s13 =	sand.u32 $0x7F, s13;
	v2 =	vld.idx.msk [tilespmem:v63+s12+$0x0], $0xffff  }
0x12b: {  	v63 =	vor.u32 s13, v44;
	_ =	sdelay $0x3  }
0x12c: {  	[tilespmem:v41+s22+$0x0] =	vst.idx.msk $0xffff, v2  }
0x12d: {  	s25 =	sand.u32 $0x7F, s14;
	v2 =	vld.idx.msk [tilespmem:v63+s12+$0x0], $0xffff  }
0x12e: {  	v63 =	vor.u32 s25, v45;
	_ =	sdelay $0x3  }
0x12f: {  	[tilespmem:v43+s22+$0x0] =	vst.idx.msk $0xffff, v2  }
0x130: {  	s9 =	sand.u32 $0x7F, s9;
	v2 =	vld.idx.msk [tilespmem:v63+s12+$0x0], $0xffff  }
0x131: {  	v63 =	vor.u32 s9, v48;
	_ =	sdelay $0x3  }
0x132: {  	[tilespmem:v46+s22+$0x0] =	vst.idx.msk $0xffff, v2  }
0x133: {  	s8 =	sand.u32 $0x7F, s8;
	v2 =	vld.idx.msk [tilespmem:v63+s12+$0x0], $0xffff  }
0x134: {  	v63 =	vor.u32 s8, v50;
	_ =	sdelay $0x3  }
0x135: {  	[tilespmem:v47+s22+$0x0] =	vst.idx.msk $0xffff, v2  }
0x136: {  	s7 =	sand.u32 $0x7F, s7;
	v2 =	vld.idx.msk [tilespmem:v63+s12+$0x0], $0xffff  }
0x137: {  	v63 =	vor.u32 s7, v51;
	_ =	sdelay $0x3  }
0x138: {  	[tilespmem:v49+s22+$0x0] =	vst.idx.msk $0xffff, v2  }
0x139: {  	s6 =	sand.u32 $0x7F, s6;
	v2 =	vld.idx.msk [tilespmem:v63+s12+$0x0], $0xffff  }
0x13a: {  	v63 =	vor.u32 s6, v54;
	_ =	sdelay $0x3  }
0x13b: {  	[tilespmem:v52+s22+$0x0] =	vst.idx.msk $0xffff, v2  }
0x13c: {  	s5 =	sand.u32 $0x7F, s5;
	v2 =	vld.idx.msk [tilespmem:v63+s12+$0x0], $0xffff  }
0x13d: {  	v63 =	vor.u32 s5, v56;
	_ =	sdelay $0x3  }
0x13e: {  	[tilespmem:v53+s22+$0x0] =	vst.idx.msk $0xffff, v2  }
0x13f: {  	s1 =	sand.u32 $0x7F, s1;
	v2 =	vld.idx.msk [tilespmem:v63+s12+$0x0], $0xffff  }
0x140: {  	v63 =	vor.u32 s1, v57;
	_ =	sdelay $0x3  }
0x141: {  	[tilespmem:v55+s22+$0x0] =	vst.idx.msk $0xffff, v2  }
0x142: {  	s26 =	sand.u32 $0x7F, s2;
	v2 =	vld.idx.msk [tilespmem:v63+s12+$0x0], $0xffff  }
0x143: {  	v63 =	vor.u32 s26, v60;
	_ =	sdelay $0x3  }
0x144: {  	[tilespmem:v58+s22+$0x0] =	vst.idx.msk $0xffff, v2  }
0x145: {  	s28 =	sand.u32 $0x7F, s3;
	v2 =	vld.idx.msk [tilespmem:v63+s12+$0x0], $0xffff  }
0x146: {  	v63 =	vor.u32 s28, v62;
	_ =	sdelay $0x3  }
0x147: {  	[tilespmem:v59+s22+$0x0] =	vst.idx.msk $0xffff, v2  }
0x148: {  	v2 =	vld.idx.msk [tilespmem:v63+s12+$0x0], $0xffff  }
0x149: {  	v63 =	vld [tilespmem:$0x1FFC0];
	_ =	sdelay $0x3  }
0x14a: {  	s29 =	sand.u32 $0x7F, s4  }
0x14b: {  	v63 =	vor.u32 s29, v63;
	_ =	sdelay $0x3  }
0x14c: {  	[tilespmem:v61+s22+$0x0] =	vst.idx.msk $0xffff, v2  }
0x14d: {  	v2 =	vld.idx.msk [tilespmem:v63+s12+$0x0], $0xffff;
	v63 =	vor.u32 $0x1F, v1;
	_ =	sdelay $0x4  }
0x14e: {  	s31 =	simm.s32 $0x2;
	s30 =	rddreg [dreg:$0x6];
	[tilespmem:v63+s22+$0x0] =	vst.idx.msk $0xffff, v2  }
0x14f: {  	[spmem:s30] =	stream.linear.scatter [tilespmem:s22], [sflag:$0x2], $0x200, $0x38;
	[tilespmem:$0x11480] =	vst v63  }
.Ltmp2:
0x150: {  	_ =	swait.ge [sflag:s31], $0x200;
	(pc) =	sbr.rel @p0 .LBB2_3-.Ltmp2, $3  }
0x151: {  	[sflag:s31] =	ssyncset.done $0x0  }
0x152: {  	[sflag:s31] =	ssyncadd.s32 $0xFFFFFE00  }
0x153: {  	[bflag:$0x0] =	sbarrier.arrive $0xFFFF;
	_ =	sdelay $0x1  }
0x154: {  	s1 =	rddreg [dreg:$0x7];
	s2 =	simm.s32 $0x10480;
	s30 =	simm.s32 $0x2  }
0x155: {  	[tilespmem:s2], [sflag:$0x2] =	stream.linear.gather [spmem:s1], $0x800, $0x38;
	[tilespmem:$0x11480] =	vst v63  }
0x156: {  	_ =	swait.ge [sflag:s30], $0x800  }
0x157: {  	[sflag:s30] =	ssyncset.done $0x0  }
0x158: {  	[sflag:s30] =	ssyncadd.s32 $0xFFFFF800  }
0x159: {  	v60 =	vmov v54;
	v57 =	vmov v51;
	v2 =	vld [tilespmem:$0x10480]  }
0x15a: {  	v54 =	vmovc v48;
	v51 =	vmovc v45;
	v48 =	vmov v42;
	v45 =	vmov v39;
	v39 =	vmov v33;
	v63 =	vld [tilespmem:$0x10490]  }
0x15b: {  	v33 =	vmovc v27;
	v27 =	vmovc v21;
	v21 =	vmov v15;
	v15 =	vmov v9;
	v9 =	vmov v3;
	v3 =	vld [tilespmem:$0x104A0]  }
0x15c: {  	v42 =	vmovc v36;
	v36 =	vmovc v30;
	v30 =	vmov v24;
	v0 =	vmov v7;
	v7 =	vmov v4;
	v4 =	vld [tilespmem:$0x104B0]  }
0x15d: {  	v24 =	vmovc v18;
	v18 =	vmovc v12;
	v12 =	vmov v6;
	v6 =	vmov v8;
	v8 =	vmov v5;
	v5 =	vld [tilespmem:$0x104C0]  }
0x15e: {  	[tilespmem:$0x10C80] =	vst v2;
	v2 =	vld [tilespmem:$0x104D0]  }
0x15f: {  	[tilespmem:$0x10C90] =	vst v63;
	v63 =	vld [tilespmem:$0x104E0]  }
0x160: {  	[tilespmem:$0x10D00] =	vst v3;
	v3 =	vld [tilespmem:$0x104F0]  }
0x161: {  	[tilespmem:$0x10D10] =	vst v4;
	v4 =	vld [tilespmem:$0x10500]  }
0x162: {  	[tilespmem:$0x10D80] =	vst v5;
	v5 =	vld [tilespmem:$0x10510]  }
0x163: {  	[tilespmem:$0x10D90] =	vst v2;
	v2 =	vld [tilespmem:$0x10520]  }
0x164: {  	[tilespmem:$0x10E00] =	vst v63;
	v63 =	vld [tilespmem:$0x10530]  }
0x165: {  	[tilespmem:$0x10E10] =	vst v3;
	v3 =	vld [tilespmem:$0x10540]  }
0x166: {  	[tilespmem:$0x10E80] =	vst v4;
	v4 =	vld [tilespmem:$0x10550]  }
0x167: {  	[tilespmem:$0x10E90] =	vst v5;
	v5 =	vld [tilespmem:$0x10560]  }
0x168: {  	[tilespmem:$0x10F00] =	vst v2;
	v2 =	vld [tilespmem:$0x10570]  }
0x169: {  	[tilespmem:$0x10F10] =	vst v63;
	v63 =	vld [tilespmem:$0x10580]  }
0x16a: {  	[tilespmem:$0x10F80] =	vst v3;
	v3 =	vld [tilespmem:$0x10590]  }
0x16b: {  	[tilespmem:$0x10F90] =	vst v4;
	v4 =	vld [tilespmem:$0x105A0]  }
0x16c: {  	[tilespmem:$0x11000] =	vst v5;
	v5 =	vld [tilespmem:$0x105B0]  }
0x16d: {  	[tilespmem:$0x11010] =	vst v2;
	v2 =	vld [tilespmem:$0x105C0]  }
0x16e: {  	[tilespmem:$0x11080] =	vst v63;
	v63 =	vld [tilespmem:$0x105D0]  }
0x16f: {  	[tilespmem:$0x11090] =	vst v3;
	v3 =	vld [tilespmem:$0x105E0]  }
0x170: {  	[tilespmem:$0x11100] =	vst v4;
	v4 =	vld [tilespmem:$0x105F0]  }
0x171: {  	[tilespmem:$0x11110] =	vst v5;
	v5 =	vld [tilespmem:$0x10600]  }
0x172: {  	[tilespmem:$0x11180] =	vst v2;
	v2 =	vld [tilespmem:$0x10610]  }
0x173: {  	[tilespmem:$0x11190] =	vst v63;
	v63 =	vld [tilespmem:$0x10620]  }
0x174: {  	[tilespmem:$0x11200] =	vst v3;
	v3 =	vld [tilespmem:$0x10630]  }
0x175: {  	[tilespmem:$0x11210] =	vst v4;
	v4 =	vld [tilespmem:$0x10640]  }
0x176: {  	[tilespmem:$0x11280] =	vst v5;
	v5 =	vld [tilespmem:$0x10650]  }
0x177: {  	[tilespmem:$0x11290] =	vst v2;
	v2 =	vld [tilespmem:$0x10660]  }
0x178: {  	[tilespmem:$0x11300] =	vst v63;
	v63 =	vld [tilespmem:$0x10670]  }
0x179: {  	[tilespmem:$0x11310] =	vst v3;
	v3 =	vld [tilespmem:$0x10680]  }
0x17a: {  	[tilespmem:$0x11380] =	vst v4;
	v4 =	vld [tilespmem:$0x10690]  }
0x17b: {  	[tilespmem:$0x11390] =	vst v5;
	v5 =	vld [tilespmem:$0x106A0]  }
0x17c: {  	[tilespmem:$0x11400] =	vst v2;
	v2 =	vld [tilespmem:$0x106B0]  }
0x17d: {  	[tilespmem:$0x11410] =	vst v63;
	v63 =	vld [tilespmem:$0x106C0]  }
0x17e: {  	[tilespmem:$0x10CA0] =	vst v3;
	v3 =	vld [tilespmem:$0x106D0]  }
0x17f: {  	[tilespmem:$0x10CB0] =	vst v4;
	v4 =	vld [tilespmem:$0x106E0]  }
0x180: {  	[tilespmem:$0x10D20] =	vst v5;
	v5 =	vld [tilespmem:$0x106F0]  }
0x181: {  	[tilespmem:$0x10D30] =	vst v2;
	v2 =	vld [tilespmem:$0x10700]  }
0x182: {  	[tilespmem:$0x10DA0] =	vst v63;
	v63 =	vld [tilespmem:$0x10710]  }
0x183: {  	[tilespmem:$0x10DB0] =	vst v3;
	v3 =	vld [tilespmem:$0x10720]  }
0x184: {  	[tilespmem:$0x10E20] =	vst v4;
	v4 =	vld [tilespmem:$0x10730]  }
0x185: {  	[tilespmem:$0x10E30] =	vst v5;
	v5 =	vld [tilespmem:$0x10740]  }
0x186: {  	[tilespmem:$0x10EA0] =	vst v2;
	v2 =	vld [tilespmem:$0x10750]  }
0x187: {  	[tilespmem:$0x10EB0] =	vst v63;
	v63 =	vld [tilespmem:$0x10760]  }
0x188: {  	[tilespmem:$0x10F20] =	vst v3;
	v3 =	vld [tilespmem:$0x10770]  }
0x189: {  	[tilespmem:$0x10F30] =	vst v4;
	v4 =	vld [tilespmem:$0x10780]  }
0x18a: {  	[tilespmem:$0x10FA0] =	vst v5;
	v5 =	vld [tilespmem:$0x10790]  }
0x18b: {  	[tilespmem:$0x10FB0] =	vst v2;
	v2 =	vld [tilespmem:$0x107A0]  }
0x18c: {  	[tilespmem:$0x11020] =	vst v63;
	v63 =	vld [tilespmem:$0x107B0]  }
0x18d: {  	[tilespmem:$0x11030] =	vst v3;
	v3 =	vld [tilespmem:$0x107C0]  }
0x18e: {  	[tilespmem:$0x110A0] =	vst v4;
	v4 =	vld [tilespmem:$0x107D0]  }
0x18f: {  	[tilespmem:$0x110B0] =	vst v5;
	v5 =	vld [tilespmem:$0x107E0]  }
0x190: {  	[tilespmem:$0x11120] =	vst v2;
	v2 =	vld [tilespmem:$0x107F0]  }
0x191: {  	[tilespmem:$0x11130] =	vst v63;
	v63 =	vld [tilespmem:$0x10800]  }
0x192: {  	[tilespmem:$0x111A0] =	vst v3;
	v3 =	vld [tilespmem:$0x10810]  }
0x193: {  	[tilespmem:$0x111B0] =	vst v4;
	v4 =	vld [tilespmem:$0x10820]  }
0x194: {  	[tilespmem:$0x11220] =	vst v5;
	v5 =	vld [tilespmem:$0x10830]  }
0x195: {  	[tilespmem:$0x11230] =	vst v2;
	v2 =	vld [tilespmem:$0x10840]  }
0x196: {  	[tilespmem:$0x112A0] =	vst v63;
	v63 =	vld [tilespmem:$0x10850]  }
0x197: {  	[tilespmem:$0x112B0] =	vst v3;
	v3 =	vld [tilespmem:$0x10860]  }
0x198: {  	[tilespmem:$0x11320] =	vst v4;
	v4 =	vld [tilespmem:$0x10870]  }
0x199: {  	[tilespmem:$0x11330] =	vst v5;
	v5 =	vld [tilespmem:$0x10880]  }
0x19a: {  	[tilespmem:$0x113A0] =	vst v2;
	v2 =	vld [tilespmem:$0x10890]  }
0x19b: {  	[tilespmem:$0x113B0] =	vst v63;
	v63 =	vld [tilespmem:$0x108A0]  }
0x19c: {  	[tilespmem:$0x11420] =	vst v3;
	v3 =	vld [tilespmem:$0x108B0]  }
0x19d: {  	[tilespmem:$0x11430] =	vst v4;
	v4 =	vld [tilespmem:$0x108C0]  }
0x19e: {  	[tilespmem:$0x10CC0] =	vst v5;
	v5 =	vld [tilespmem:$0x108D0]  }
0x19f: {  	[tilespmem:$0x10CD0] =	vst v2;
	v2 =	vld [tilespmem:$0x108E0]  }
0x1a0: {  	[tilespmem:$0x10D40] =	vst v63;
	v63 =	vld [tilespmem:$0x108F0]  }
0x1a1: {  	[tilespmem:$0x10D50] =	vst v3;
	v3 =	vld [tilespmem:$0x10900]  }
0x1a2: {  	[tilespmem:$0x10DC0] =	vst v4;
	v4 =	vld [tilespmem:$0x10910]  }
0x1a3: {  	[tilespmem:$0x10DD0] =	vst v5;
	v5 =	vld [tilespmem:$0x10920]  }
0x1a4: {  	[tilespmem:$0x10E40] =	vst v2;
	v2 =	vld [tilespmem:$0x10930]  }
0x1a5: {  	[tilespmem:$0x10E50] =	vst v63;
	v63 =	vld [tilespmem:$0x10940]  }
0x1a6: {  	[tilespmem:$0x10EC0] =	vst v3;
	v3 =	vld [tilespmem:$0x10950]  }
0x1a7: {  	[tilespmem:$0x10ED0] =	vst v4;
	v4 =	vld [tilespmem:$0x10960]  }
0x1a8: {  	[tilespmem:$0x10F40] =	vst v5;
	v5 =	vld [tilespmem:$0x10970]  }
0x1a9: {  	[tilespmem:$0x10F50] =	vst v2;
	v2 =	vld [tilespmem:$0x10980]  }
0x1aa: {  	[tilespmem:$0x10FC0] =	vst v63;
	v63 =	vld [tilespmem:$0x10990]  }
0x1ab: {  	[tilespmem:$0x10FD0] =	vst v3;
	v3 =	vld [tilespmem:$0x109A0]  }
0x1ac: {  	[tilespmem:$0x11040] =	vst v4;
	v4 =	vld [tilespmem:$0x109B0]  }
0x1ad: {  	[tilespmem:$0x11050] =	vst v5;
	v5 =	vld [tilespmem:$0x109C0]  }
0x1ae: {  	[tilespmem:$0x110C0] =	vst v2;
	v2 =	vld [tilespmem:$0x109D0]  }
0x1af: {  	[tilespmem:$0x110D0] =	vst v63;
	v63 =	vld [tilespmem:$0x109E0]  }
0x1b0: {  	[tilespmem:$0x11140] =	vst v3;
	v3 =	vld [tilespmem:$0x109F0]  }
0x1b1: {  	[tilespmem:$0x11150] =	vst v4;
	v4 =	vld [tilespmem:$0x10A00]  }
0x1b2: {  	[tilespmem:$0x111C0] =	vst v5;
	v5 =	vld [tilespmem:$0x10A10]  }
0x1b3: {  	[tilespmem:$0x111D0] =	vst v2;
	v2 =	vld [tilespmem:$0x10A20]  }
0x1b4: {  	[tilespmem:$0x11240] =	vst v63;
	v63 =	vld [tilespmem:$0x10A30]  }
0x1b5: {  	[tilespmem:$0x11250] =	vst v3;
	v3 =	vld [tilespmem:$0x10A40]  }
0x1b6: {  	[tilespmem:$0x112C0] =	vst v4;
	v4 =	vld [tilespmem:$0x10A50]  }
0x1b7: {  	[tilespmem:$0x112D0] =	vst v5;
	v5 =	vld [tilespmem:$0x10A60]  }
0x1b8: {  	[tilespmem:$0x11340] =	vst v2;
	v2 =	vld [tilespmem:$0x10A70]  }
0x1b9: {  	[tilespmem:$0x11350] =	vst v63;
	v63 =	vld [tilespmem:$0x10A80]  }
0x1ba: {  	[tilespmem:$0x113C0] =	vst v3;
	v3 =	vld [tilespmem:$0x10A90]  }
0x1bb: {  	[tilespmem:$0x113D0] =	vst v4;
	v4 =	vld [tilespmem:$0x10AA0]  }
0x1bc: {  	[tilespmem:$0x11440] =	vst v5;
	v5 =	vld [tilespmem:$0x10AB0]  }
0x1bd: {  	[tilespmem:$0x11450] =	vst v2;
	v2 =	vld [tilespmem:$0x10AC0]  }
0x1be: {  	[tilespmem:$0x10CE0] =	vst v63;
	v63 =	vld [tilespmem:$0x10AD0]  }
0x1bf: {  	[tilespmem:$0x10CF0] =	vst v3;
	v3 =	vld [tilespmem:$0x10AE0]  }
0x1c0: {  	[tilespmem:$0x10D60] =	vst v4;
	v4 =	vld [tilespmem:$0x10AF0]  }
0x1c1: {  	[tilespmem:$0x10D70] =	vst v5;
	v5 =	vld [tilespmem:$0x10B00]  }
0x1c2: {  	[tilespmem:$0x10DE0] =	vst v2;
	v2 =	vld [tilespmem:$0x10B10]  }
0x1c3: {  	[tilespmem:$0x10DF0] =	vst v63;
	v63 =	vld [tilespmem:$0x10B20]  }
0x1c4: {  	[tilespmem:$0x10E60] =	vst v3;
	v3 =	vld [tilespmem:$0x10B30]  }
0x1c5: {  	[tilespmem:$0x10E70] =	vst v4;
	v4 =	vld [tilespmem:$0x10B40]  }
0x1c6: {  	[tilespmem:$0x10EE0] =	vst v5;
	v5 =	vld [tilespmem:$0x10B50]  }
0x1c7: {  	[tilespmem:$0x10EF0] =	vst v2;
	v2 =	vld [tilespmem:$0x10B60]  }
0x1c8: {  	[tilespmem:$0x10F60] =	vst v63;
	v63 =	vld [tilespmem:$0x10B70]  }
0x1c9: {  	[tilespmem:$0x10F70] =	vst v3;
	v3 =	vld [tilespmem:$0x10B80]  }
0x1ca: {  	[tilespmem:$0x10FE0] =	vst v4;
	v4 =	vld [tilespmem:$0x10B90]  }
0x1cb: {  	[tilespmem:$0x10FF0] =	vst v5;
	v5 =	vld [tilespmem:$0x10BA0]  }
0x1cc: {  	[tilespmem:$0x11060] =	vst v2;
	v2 =	vld [tilespmem:$0x10BB0]  }
0x1cd: {  	[tilespmem:$0x11070] =	vst v63;
	v63 =	vld [tilespmem:$0x10BC0]  }
0x1ce: {  	[tilespmem:$0x110E0] =	vst v3;
	v3 =	vld [tilespmem:$0x10BD0]  }
0x1cf: {  	[tilespmem:$0x110F0] =	vst v4;
	v4 =	vld [tilespmem:$0x10BE0]  }
0x1d0: {  	[tilespmem:$0x11160] =	vst v5;
	v5 =	vld [tilespmem:$0x10BF0]  }
0x1d1: {  	[tilespmem:$0x11170] =	vst v2;
	v2 =	vld [tilespmem:$0x10C00]  }
0x1d2: {  	[tilespmem:$0x111E0] =	vst v63;
	v63 =	vld [tilespmem:$0x10C10]  }
0x1d3: {  	[tilespmem:$0x111F0] =	vst v3;
	v3 =	vld [tilespmem:$0x10C20]  }
0x1d4: {  	[tilespmem:$0x11260] =	vst v4;
	v4 =	vld [tilespmem:$0x10C30]  }
0x1d5: {  	[tilespmem:$0x11270] =	vst v5;
	v5 =	vld [tilespmem:$0x10C40]  }
0x1d6: {  	[tilespmem:$0x112E0] =	vst v2;
	v2 =	vld [tilespmem:$0x10C50]  }
0x1d7: {  	[tilespmem:$0x112F0] =	vst v63;
	v63 =	vld [tilespmem:$0x10C60]  }
0x1d8: {  	[tilespmem:$0x11360] =	vst v3;
	v3 =	vld [tilespmem:$0x10C70]  }
0x1d9: {  	[tilespmem:$0x11370] =	vst v4  }
0x1da: {  	[tilespmem:$0x113E0] =	vst v5  }
0x1db: {  	v4 =	vmov v7;
	v5 =	vmov v8;
	[tilespmem:$0x113F0] =	vst v2  }
0x1dc: {  	s3 =	simm.s32 $0x2000;
	v8 =	vmovc v6;
	v6 =	vmovc v12;
	v12 =	vmov v18;
	v18 =	vmov v24;
	v24 =	vmov v30;
	[tilespmem:$0x11460] =	vst v63  }
.Ltmp3:
0x1dd: {  	s4 =	simm.s32 $0x10C80;
	s31 =	rddreg [dreg:$0x8];
	v30 =	vmovc v36;
	v36 =	vmovc v42;
	v42 =	vmov v48;
	v48 =	vmov v54;
	v54 =	vmov v60;
	v60 =	vld [tilespmem:$0x1FFE0];
	[tilespmem:$0x11470] =	vst v3;
	(pc) =	sbr.rel .LBB2_3-.Ltmp3, $4  }
0x1de: {  	v7 =	vmovc v0;
	v0 =	vld [tilespmem:$0x1FFD0];
	v3 =	vmovc v9;
	v9 =	vmov v15;
	v15 =	vmov v21;
	v21 =	vmov v27;
	[hbm4b:s31+s10] =	stream.strided.scatter [tilespmem:s4], [sflag:$0x2], $0x800, s3, s10, $0x38  }
0x1df: {  	v27 =	vmovc v33;
	v33 =	vmovc v39;
	v39 =	vmov v45;
	v45 =	vmov v51;
	v51 =	vmov v57;
	v57 =	vld [tilespmem:$0x1FFF0];
	_ =	swait.ge [sflag:s30], $0x800  }
0x1e0: {  	[sflag:s30] =	ssyncset.done $0x0  }
0x1e1: {  	[sflag:s30] =	ssyncadd.s32 $0xFFFFF800  }
.LBB2_4:
0x1e2: {  	_ =	sfence.sel $0x180000  }
0x1e3: {  	[bflag:$0x0] =	sbarrier.arrive $0xFFFF  }
0x1e4: {  	_ =	strace $0x90000047  }
0x1e5: {  	s0 =	stileid.u32;
	[bflag:$0x2] =	sbarrier.arrive $0xFFFF  }
0x1e6: {  	p0 =	sne.s32 s0, $0x0;
	s0 =	rddreg [dreg:$0x4]  }
0x1e7: {  	s0 =	sadd.s32 @!p0 $0x100000, s0  }
0x1e8: {  	[sflag:s0] =	ssyncadd.tile.s32 @!p0 $0x1;
	_ =	shalt  }
.Lfunc_end2:
_tile_overlayer_lowered:
.L_overlay_start_2:
0x1e9: {  	(tag) =	ssettag $0x2  }
0x1ea: {  	s0 =	rddreg [dreg:$0x0];
	s2 =	stileid.u32  }
0x1eb: {  	s1 =	rddreg [dreg:$0x1];
	p0 =	sne.s32 s2, $0x0  }
0x1ec: {  	s3 =	rddreg [dreg:$0x2];
	[bflag:$0x3] =	sbarrier.arrive $0xFFFF;
	s2 =	simm.s32 @!p0 $0x1C02  }
0x1ed: {  	[timem:s3], [sflag:s2] =	dma.local @!p0 [hbm:s0], s1  }
0x1ee: {  	s0 =	simm.s32 @!p0 $0x2  }
0x1ef: {  	_ =	swait.ge @!p0 [sflag:s0], s1  }
0x1f0: {  	s1 =	ssub.s32 @!p0 $0x0, s1;
	[sflag:s0] =	ssyncset.done @!p0 $0x0  }
0x1f1: {  	[sflag:s0] =	ssyncadd.s32 @!p0 s1  }
0x1f2: {  	[bflag:$0x3] =	sbarrier.arrive $0xFFFF  }
0x1f3: {  	_ =	shalt  }

</sc_bundles>
